<compile_context>
chip_gen: v7x
topology: tpu7x:2x2x1
jax: 0.10.2.dev20260603
libtpu: 0.0.44.dev20260713+nightly
codegen_flags: <defaults>
</compile_context>

<pallas_src>
import dataclasses
import functools

import jax
import jax.numpy as jnp
from jax import lax
from jax.experimental import pallas as pl
from jax.experimental.pallas import tpu as pltpu
from jax.experimental.pallas import tpu_sc as plsc

N_NODES = 100001
D = 256
B = 16384

NC = 2
NS = 16
NW = NC * NS
BPW = B // NW
RNG = 3128
WPAD = NW * RNG
DUMP = 100000

_mesh = plsc.VectorSubcoreMesh(core_axis_name="c", subcore_axis_name="s",
                               num_cores=NC, num_subcores=NS)

_sc_params = pltpu.CompilerParams()
if "needs_layout_passes" in pltpu.CompilerParams.__dataclass_fields__:
    _sc_params = dataclasses.replace(_sc_params, needs_layout_passes=False)


def _wid():
    return lax.axis_index("s") * NC + lax.axis_index("c")


@functools.partial(
    pl.kernel,
    mesh=_mesh,
    out_type=jax.ShapeDtypeStruct((B, D), jnp.float32),
    scratch_types=[
        pltpu.VMEM((4, 128), jnp.int32),
        pltpu.VMEM((128, D), jnp.float32),
        pltpu.VMEM((128, D), jnp.float32),
        pltpu.SemaphoreType.DMA,
        pltpu.SemaphoreType.DMA,
        pltpu.SemaphoreType.DMA,
        pltpu.SemaphoreType.DMA,
    ],
)
def _sc_gather(mem_hbm, idx_hbm, h_hbm, idx_v, buf0, buf1, g0, g1, s0, s1):
    wid = _wid()
    base = wid * BPW
    pltpu.sync_copy(idx_hbm.at[pl.ds(wid * 4, 4)], idx_v)
    bufs = (buf0, buf1)
    gsems = (g0, g1)
    ssems = (s0, s1)

    def _gather(j):
        return pltpu.async_copy(mem_hbm.at[idx_v.at[j]], bufs[j % 2],
                                gsems[j % 2])

    def _writeout(j):
        return pltpu.async_copy(bufs[j % 2],
                                h_hbm.at[pl.ds(base + j * 128, 128)],
                                ssems[j % 2])

    gd = [_gather(0), _gather(1)]
    gd[0].wait()
    wd0 = _writeout(0)
    gd[1].wait()
    wd1 = _writeout(1)
    wd0.wait()
    gd2 = _gather(2)
    wd1.wait()
    gd3 = _gather(3)
    gd2.wait()
    wd0 = _writeout(2)
    gd3.wait()
    wd1 = _writeout(3)
    wd0.wait()
    wd1.wait()


@functools.partial(
    pl.kernel,
    mesh=_mesh,
    out_type=jax.ShapeDtypeStruct((WPAD,), jnp.int32),
    scratch_types=[
        pltpu.VMEM((128, 128), jnp.int32),
        pltpu.VMEM((RNG,), jnp.int32),
    ],
    compiler_params=_sc_params,
)
def _sc_dedupe(idx_hbm, w_hbm, idx_v, wtab_v):
    wid = _wid()
    base = wid * RNG
    pltpu.sync_copy(idx_hbm, idx_v)
    lanes = lax.iota(jnp.int32, 16)

    @pl.loop(0, 128)
    def _(r):
        @pl.loop(0, 8)
        def _(k):
            idxc = idx_v[r, pl.ds(k * 16, 16)]
            ivec = (r * 128 + k * 16) + lanes
            _, last_m = plsc.scan_count(idxc)
            local = idxc - base
            inr = (local >= 0) & (local < RNG)
            m = last_m & inr
            localc = jnp.minimum(jnp.maximum(local, 0), RNG - 1)
            plsc.store_scatter(wtab_v, [localc], ivec, mask=m)

    pltpu.sync_copy(wtab_v, w_hbm.at[pl.ds(base, RNG)])


def _gru_body(val_ref, h_ref, W_ref, Wih_ref, Whh_ref, bih_ref, bhh_ref,
              out_ref):
    val = val_ref[...]
    h = h_ref[...]
    prec = jax.lax.Precision.DEFAULT
    msg = jax.lax.dot_general(val, W_ref[...], (((1,), (0,)), ((), ())),
                              precision=prec)
    gi = jax.lax.dot_general(msg, Wih_ref[...], (((1,), (1,)), ((), ())),
                             precision=prec) + bih_ref[...][None, :]
    gh = jax.lax.dot_general(h, Whh_ref[...], (((1,), (1,)), ((), ())),
                             precision=prec) + bhh_ref[...][None, :]
    i_r = gi[:, :D]
    i_z = gi[:, D:2 * D]
    i_n = gi[:, 2 * D:]
    h_r = gh[:, :D]
    h_z = gh[:, D:2 * D]
    h_n = gh[:, 2 * D:]
    r = jax.nn.sigmoid(i_r + h_r)
    z = jax.nn.sigmoid(i_z + h_z)
    n = jnp.tanh(i_n + r * h_n)
    out_ref[...] = (1.0 - z) * n + z * h


@functools.partial(
    pl.kernel,
    mesh=_mesh,
    out_type=(),
    scratch_types=[
        pltpu.VMEM((4, 128), jnp.int32),
        pltpu.VMEM((4, 128), jnp.int32),
        pltpu.VMEM((4, 128), jnp.int32),
        pltpu.VMEM((128, D), jnp.float32),
        pltpu.VMEM((128, D), jnp.float32),
        pltpu.SemaphoreType.DMA,
        pltpu.SemaphoreType.DMA,
        pltpu.SemaphoreType.DMA,
        pltpu.SemaphoreType.DMA,
        pltpu.SemaphoreType.DMA,
    ],
)
def _sc_scatter(idx_hbm, w_hbm, hnew_hbm, out_ref, idx_v, wv_v, tgt_v,
                buf0, buf1, wsem, g0, g1, s0, s1):
    wid = _wid()
    base = wid * BPW
    pltpu.sync_copy(idx_hbm.at[pl.ds(wid * 4, 4)], idx_v)

    wvd = [pltpu.async_copy(w_hbm.at[idx_v.at[j]], wv_v.at[j], wsem)
           for j in range(4)]

    bufs = (buf0, buf1)
    gsems = (g0, g1)
    ssems = (s0, s1)

    def _gather(j):
        return pltpu.async_copy(hnew_hbm.at[pl.ds(base + j * 128, 128)],
                                bufs[j % 2], gsems[j % 2])

    def _scatter(j):
        return pltpu.async_copy(bufs[j % 2], out_ref.at[tgt_v.at[j]],
                                ssems[j % 2])

    gd = [_gather(0), _gather(1)]
    for d in wvd:
        d.wait()

    lanes = lax.iota(jnp.int32, 16)
    for j in range(4):
        for k in range(8):
            idxc = idx_v[j, pl.ds(k * 16, 16)]
            wvc = wv_v[j, pl.ds(k * 16, 16)]
            ivec = (base + j * 128 + k * 16) + lanes
            winner = wvc == ivec
            tgt_v[j, pl.ds(k * 16, 16)] = jnp.where(winner, idxc, DUMP)

    gd[0].wait()
    sd0 = _scatter(0)
    gd[1].wait()
    sd1 = _scatter(1)
    sd0.wait()
    gd2 = _gather(2)
    sd1.wait()
    gd3 = _gather(3)
    gd2.wait()
    sd0 = _scatter(2)
    gd3.wait()
    sd1 = _scatter(3)
    sd0.wait()
    sd1.wait()


@functools.partial(
    pl.kernel,
    mesh=_mesh,
    out_type=(),
    scratch_types=[
        pltpu.VMEM((1, D), jnp.float32),
    ],
)
def _sc_repair(mem_hbm, out_ref, row_v):
    wid = _wid()

    @pl.when(wid == 0)
    def _():
        pltpu.sync_copy(mem_hbm.at[pl.ds(DUMP, 1)], row_v)
        pltpu.sync_copy(row_v, out_ref.at[pl.ds(DUMP, 1)])


def kernel(mem, idx, val, W, W_ih, W_hh, b_ih, b_hh):
    idx2 = idx.astype(jnp.int32).reshape(128, 128)

    h = _sc_gather(mem, idx2)
    w_arr = _sc_dedupe(idx2)

    BM = 1024
    n_blocks = B // BM
    h_new = pl.pallas_call(
        _gru_body,
        grid=(n_blocks,),
        in_specs=[
            pl.BlockSpec((BM, D), lambda i: (i, 0)),
            pl.BlockSpec((BM, D), lambda i: (i, 0)),
            pl.BlockSpec((D, D), lambda i: (0, 0)),
            pl.BlockSpec((3 * D, D), lambda i: (0, 0)),
            pl.BlockSpec((3 * D, D), lambda i: (0, 0)),
            pl.BlockSpec((3 * D,), lambda i: (0,)),
            pl.BlockSpec((3 * D,), lambda i: (0,)),
        ],
        out_specs=pl.BlockSpec((BM, D), lambda i: (i, 0)),
        out_shape=jax.ShapeDtypeStruct((B, D), jnp.float32),
    )(val, h, W, W_ih, W_hh, b_ih, b_hh)

    out_ref = jax.new_ref(mem)
    _sc_scatter(idx2, w_arr, h_new, out_ref)
    _sc_repair(mem, out_ref)
    return jax.freeze(out_ref)

# --- scband reference (transcript-rebuilt; emitter-appended) ---
"""Pipeline reference for scband-memory-module-58179626991822 (READ-ONLY COPY).

The authoritative reference and input builder live on the scoring server;
editing this copy changes nothing except your own understanding.
"""

import jax, jax.numpy as jnp
import numpy as np

N_NODES = 100001  # n_nodes + 1 filler
D = 256           # memory_dim
B = 16384         # batch of node updates


def setup_inputs(seed: int = 0) -> dict:
    key = jax.random.key(seed)
    ks = jax.random.split(key, 8)
    mem = jax.random.normal(ks[0], (N_NODES, D), dtype=jnp.float32)
    idx = jax.random.randint(ks[1], (B,), 0, 100000)
    val = jax.random.normal(ks[2], (B, D), dtype=jnp.float32)
    scale = 1.0 / np.sqrt(D)
    W = jax.random.normal(ks[3], (D, D), dtype=jnp.float32) * scale
    W_ih = jax.random.normal(ks[4], (3 * D, D), dtype=jnp.float32) * scale
    W_hh = jax.random.normal(ks[5], (3 * D, D), dtype=jnp.float32) * scale
    b_ih = jnp.zeros((3 * D,), dtype=jnp.float32)
    b_hh = jnp.zeros((3 * D,), dtype=jnp.float32)
    return {"mem": mem, "idx": idx, "val": val, "W": W,
            "W_ih": W_ih, "W_hh": W_hh, "b_ih": b_ih, "b_hh": b_hh}


def reference(mem, idx, val, W, W_ih, W_hh, b_ih, b_hh):
    # Gather current memory states for the batch of node ids
    h = jnp.take(mem, idx, axis=0)                 # [B, D]
    # 'rs' variant: linear transform of incoming flow message via W
    msg = val @ W                                   # [B, D]
    # GRUCell memory_updater (torch.nn.GRUCell semantics)
    gi = msg @ W_ih.T + b_ih                        # [B, 3D]
    gh = h @ W_hh.T + b_hh                          # [B, 3D]
    i_r, i_z, i_n = jnp.split(gi, 3, axis=1)
    h_r, h_z, h_n = jnp.split(gh, 3, axis=1)
    r = jax.nn.sigmoid(i_r + h_r)
    z = jax.nn.sigmoid(i_z + h_z)
    n = jnp.tanh(i_n + r * h_n)
    h_new = (1.0 - z) * n + z * h                   # [B, D]
    # Scatter-overwrite updated embeddings back into the memory table
    new_mem = mem.at[idx].set(h_new)                # [N_NODES, D]
    return new_mem

if __name__ == "__main__":
    import jax
    _d = setup_inputs()
    print(jax.jit(kernel)(*tuple(_d.values())))

</pallas_src>

<mosaic_0001>
#map = affine_map<(d0, d1) -> (0, 0)>
#map1 = affine_map<(d0, d1) -> (0)>
module attributes {stable_mosaic.version = 14 : i64} {
  func.func @_sc_dedupe(%arg0: i32, %arg1: i32, %arg2: memref<128x128xi32, #tpu.memory_space<hbm>>, %arg3: memref<100096xi32, #tpu.memory_space<hbm>>, %arg4: memref<128x128xi32, #tpu.memory_space<vmem>>, %arg5: memref<3128xi32, #tpu.memory_space<vmem>>) attributes {dimension_semantics = [#tpu.dimension_semantics<core_parallel>, #tpu.dimension_semantics<subcore_parallel>], iteration_bounds = array<i64: 2, 16>, scalar_prefetch = 0 : i64, scratch_operands = 2 : i64, tpu.core_type = #tpu.core_type<sc_vector_subcore>, window_params = [{transform_indices = #map}, {transform_indices = #map1}]} {
    %mul3A = arith.constant 2 : i32
    %mul3A_0 = arith.muli %arg1, %mul3A : i32
    %add3A = arith.addi %mul3A_0, %arg0 : i32
    %mul3A_1 = arith.constant 3128 : i32
    %mul3A_2 = arith.muli %add3A, %mul3A_1 : i32
    "tpu.region"() ({
      %run_scoped3A = tpu.sem_alloc : memref<!tpu.dma_semaphore, #tpu.memory_space<semaphore_mem>>
      tpu.enqueue_dma source(%arg2 : memref<128x128xi32, #tpu.memory_space<hbm>>) target(%arg4 : memref<128x128xi32, #tpu.memory_space<vmem>>) target_semaphore(%run_scoped3A : memref<!tpu.dma_semaphore, #tpu.memory_space<semaphore_mem>>)
      tpu.wait_dma2 semaphore(%run_scoped3A : memref<!tpu.dma_semaphore, #tpu.memory_space<semaphore_mem>>) src(%arg2 : memref<128x128xi32, #tpu.memory_space<hbm>>) dst(%arg4 : memref<128x128xi32, #tpu.memory_space<vmem>>)
      tpu.yield
    }) : () -> ()
    %iota3A = tpu.iota {dimensions = array<i32: 0>} : vector<16xi32>
    %scan3A = arith.constant 0 : i32
    %scan3A_3 = arith.constant 128 : i32
    %scan3A_4 = arith.addi %scan3A, %scan3A_3 : i32
    %scan3A_5 = arith.constant 1 : i32
    scf.for %scan3A_7 = %scan3A to %scan3A_4 step %scan3A_5  : i32 {
      %mul3A_8 = arith.constant 1 : i32
      %mul3A_9 = arith.muli %scan3A_7, %mul3A_8 : i32
      %add3A_10 = arith.constant 0 : i32
      %add3A_11 = arith.addi %add3A_10, %mul3A_9 : i32
      %scan3A_12 = arith.constant 0 : i32
      %scan3A_13 = arith.constant 8 : i32
      %scan3A_14 = arith.addi %scan3A_12, %scan3A_13 : i32
      %scan3A_15 = arith.constant 1 : i32
      scf.for %scan3A_17 = %scan3A_12 to %scan3A_14 step %scan3A_15  : i32 {
        %mul3A_18 = arith.constant 1 : i32
        %mul3A_19 = arith.muli %scan3A_17, %mul3A_18 : i32
        %add3A_20 = arith.constant 0 : i32
        %add3A_21 = arith.addi %add3A_20, %mul3A_19 : i32
        %mul3A_22 = arith.constant 16 : i32
        %mul3A_23 = arith.muli %add3A_21, %mul3A_22 : i32
        %get3A = arith.index_cast %add3A_11 : i32 to index
        %get3A_24 = arith.index_cast %mul3A_23 : i32 to index
        %get3A_25 = tpu.vector_load %arg4[%get3A, %get3A_24] {strides = array<i32>} : memref<128x128xi32, #tpu.memory_space<vmem>>, vector<16xi32>,
        %mul3A_26 = arith.constant 128 : i32
        %mul3A_27 = arith.muli %add3A_11, %mul3A_26 : i32
        %mul3A_28 = arith.constant 16 : i32
        %mul3A_29 = arith.muli %add3A_21, %mul3A_28 : i32
        %add3A_30 = arith.addi %mul3A_27, %mul3A_29 : i32
        %add3A_31 = vector.broadcast %add3A_30 : i32 to vector<16xi32>
        %add3A_32 = arith.addi %add3A_31, %iota3A : vector<16xi32>
        %broadcast_in_dim3A = arith.constant true
        %broadcast_in_dim3A_33 = vector.broadcast %broadcast_in_dim3A : i1 to vector<16xi1>
        %unique3A, %unique3A_34 = tpu.scan_count mask(%broadcast_in_dim3A_33 : vector<16xi1>) value(%get3A_25 : vector<16xi32>) : vector<16xi1>, vector<16xi32>
        %sub3A = vector.broadcast %mul3A_2 : i32 to vector<16xi32>
        %sub3A_35 = arith.subi %get3A_25, %sub3A : vector<16xi32>
        %ge3A = arith.constant 0 : i32
        %ge3A_36 = vector.broadcast %ge3A : i32 to vector<16xi32>
        %ge3A_37 = arith.cmpi sge, %sub3A_35, %ge3A_36 : vector<16xi32>
        %lt3A = arith.constant 3128 : i32
        %lt3A_38 = vector.broadcast %lt3A : i32 to vector<16xi32>
        %lt3A_39 = arith.cmpi slt, %sub3A_35, %lt3A_38 : vector<16xi32>
        %and3A = arith.andi %ge3A_37, %lt3A_39 : vector<16xi1>
        %and3A_40 = arith.andi %unique3A, %and3A : vector<16xi1>
        %max3A = arith.constant 0 : i32
        %max3A_41 = vector.broadcast %max3A : i32 to vector<16xi32>
        %max3A_42 = arith.maxsi %sub3A_35, %max3A_41 : vector<16xi32>
        %min3A = arith.constant 3127 : i32
        %min3A_43 = vector.broadcast %min3A : i32 to vector<16xi32>
        %min3A_44 = arith.minsi %max3A_42, %min3A_43 : vector<16xi32>
        tpu.vector_store_idx %arg5[%min3A_44], %add3A_32 masked %and3A_40 : memref<3128xi32, #tpu.memory_space<vmem>>[vector<16xi32>], vector<16xi32>, vector<16xi1>
      }
      %scan3A_16 = arith.constant 8 : i32
    }
    %scan3A_6 = arith.constant 128 : i32
    "tpu.region"() ({
      %run_scoped3A = tpu.sem_alloc : memref<!tpu.dma_semaphore, #tpu.memory_space<semaphore_mem>>
      %dma_start3A = tpu.memref_slice %arg3[%mul3A_2] : memref<100096xi32, #tpu.memory_space<hbm>> -> memref<3128xi32, #tpu.memory_space<hbm>>
      %dma_start3A_7 = tpu.memref_slice %arg3[%mul3A_2] : memref<100096xi32, #tpu.memory_space<hbm>> -> memref<3128xi32, #tpu.memory_space<hbm>>
      tpu.enqueue_dma source(%arg5 : memref<3128xi32, #tpu.memory_space<vmem>>) target(%dma_start3A_7 : memref<3128xi32, #tpu.memory_space<hbm>>) target_semaphore(%run_scoped3A : memref<!tpu.dma_semaphore, #tpu.memory_space<semaphore_mem>>)
      %dma_wait3A = tpu.memref_slice %arg3[%mul3A_2] : memref<100096xi32, #tpu.memory_space<hbm>> -> memref<3128xi32, #tpu.memory_space<hbm>>
      %dma_wait3A_8 = tpu.memref_slice %arg3[%mul3A_2] : memref<100096xi32, #tpu.memory_space<hbm>> -> memref<3128xi32, #tpu.memory_space<hbm>>
      tpu.wait_dma2 semaphore(%run_scoped3A : memref<!tpu.dma_semaphore, #tpu.memory_space<semaphore_mem>>) src(%arg5 : memref<3128xi32, #tpu.memory_space<vmem>>) dst(%dma_wait3A_8 : memref<3128xi32, #tpu.memory_space<hbm>>)
      tpu.yield
    }) : () -> ()
    return
  }
}

#map = affine_map<(d0, d1) -> (0, 0)>
module attributes {stable_mosaic.version = 14 : i64} {
  func.func @_sc_gather(%arg0: i32, %arg1: i32, %arg2: memref<100001x256xf32, #tpu.memory_space<hbm>>, %arg3: memref<128x128xi32, #tpu.memory_space<hbm>>, %arg4: memref<16384x256xf32, #tpu.memory_space<hbm>>, %arg5: memref<4x128xi32, #tpu.memory_space<vmem>>, %arg6: memref<128x256xf32, #tpu.memory_space<vmem>>, %arg7: memref<128x256xf32, #tpu.memory_space<vmem>>, %arg8: memref<!tpu.dma_semaphore, #tpu.memory_space<semaphore_mem>>, %arg9: memref<!tpu.dma_semaphore, #tpu.memory_space<semaphore_mem>>, %arg10: memref<!tpu.dma_semaphore, #tpu.memory_space<semaphore_mem>>, %arg11: memref<!tpu.dma_semaphore, #tpu.memory_space<semaphore_mem>>) attributes {dimension_semantics = [#tpu.dimension_semantics<core_parallel>, #tpu.dimension_semantics<subcore_parallel>], iteration_bounds = array<i64: 2, 16>, scalar_prefetch = 0 : i64, scratch_operands = 7 : i64, tpu.core_type = #tpu.core_type<sc_vector_subcore>, window_params = [{transform_indices = #map}, {transform_indices = #map}, {transform_indices = #map}]} {
    %mul3A = arith.constant 2 : i32
    %mul3A_0 = arith.muli %arg1, %mul3A : i32
    %add3A = arith.addi %mul3A_0, %arg0 : i32
    %mul3A_1 = arith.constant 512 : i32
    %mul3A_2 = arith.muli %add3A, %mul3A_1 : i32
    %mul3A_3 = arith.constant 4 : i32
    %mul3A_4 = arith.muli %add3A, %mul3A_3 : i32
    "tpu.region"() ({
      %run_scoped3A = tpu.sem_alloc : memref<!tpu.dma_semaphore, #tpu.memory_space<semaphore_mem>>
      %dma_start3A_99 = arith.constant 0 : i32
      %dma_start3A_100 = tpu.memref_slice %arg3[%mul3A_4, %dma_start3A_99] : memref<128x128xi32, #tpu.memory_space<hbm>> -> memref<4x128xi32, #tpu.memory_space<hbm>>
      %dma_start3A_101 = arith.constant 0 : i32
      %dma_start3A_102 = tpu.memref_slice %arg3[%mul3A_4, %dma_start3A_101] : memref<128x128xi32, #tpu.memory_space<hbm>> -> memref<4x128xi32, #tpu.memory_space<hbm>>
      tpu.enqueue_dma source(%dma_start3A_102 : memref<4x128xi32, #tpu.memory_space<hbm>>) target(%arg5 : memref<4x128xi32, #tpu.memory_space<vmem>>) target_semaphore(%run_scoped3A : memref<!tpu.dma_semaphore, #tpu.memory_space<semaphore_mem>>)
      %dma_wait3A_103 = arith.constant 0 : i32
      %dma_wait3A_104 = tpu.memref_slice %arg3[%mul3A_4, %dma_wait3A_103] : memref<128x128xi32, #tpu.memory_space<hbm>> -> memref<4x128xi32, #tpu.memory_space<hbm>>
      %dma_wait3A_105 = arith.constant 0 : i32
      %dma_wait3A_106 = tpu.memref_slice %arg3[%mul3A_4, %dma_wait3A_105] : memref<128x128xi32, #tpu.memory_space<hbm>> -> memref<4x128xi32, #tpu.memory_space<hbm>>
      tpu.wait_dma2 semaphore(%run_scoped3A : memref<!tpu.dma_semaphore, #tpu.memory_space<semaphore_mem>>) src(%dma_wait3A_106 : memref<4x128xi32, #tpu.memory_space<hbm>>) dst(%arg5 : memref<4x128xi32, #tpu.memory_space<vmem>>)
      tpu.yield
    }) : () -> ()
    %dma_start3A = arith.constant 0 : i32
    %dma_start3A_5 = arith.constant 0 : i32
    %dma_start3A_6 = tpu.memref_slice %arg5[%dma_start3A, %dma_start3A_5] : memref<4x128xi32, #tpu.memory_space<vmem>> -> memref<1x128xi32, #tpu.memory_space<vmem>>
    %dma_start3A_7 = tpu.memref_squeeze %dma_start3A_6 : memref<1x128xi32, #tpu.memory_space<vmem>> -> memref<128xi32, #tpu.memory_space<vmem>>
    %dma_start3A_8 = arith.constant 0 : i32
    %dma_start3A_9 = arith.constant 0 : i32
    %dma_start3A_10 = tpu.memref_slice %arg2[%dma_start3A_8, %dma_start3A_9] : memref<100001x256xf32, #tpu.memory_space<hbm>> -> memref<100001x256xf32, #tpu.memory_space<hbm>>
    tpu.enqueue_indirect_dma source(%dma_start3A_10 : memref<100001x256xf32, #tpu.memory_space<hbm>>) target(%arg6 : memref<128x256xf32, #tpu.memory_space<vmem>>) offsets(%dma_start3A_7 : memref<128xi32, #tpu.memory_space<vmem>>) semaphore(%arg8 : memref<!tpu.dma_semaphore, #tpu.memory_space<semaphore_mem>>)
    %dma_start3A_11 = arith.constant 1 : i32
    %dma_start3A_12 = arith.constant 0 : i32
    %dma_start3A_13 = tpu.memref_slice %arg5[%dma_start3A_11, %dma_start3A_12] : memref<4x128xi32, #tpu.memory_space<vmem>> -> memref<1x128xi32, #tpu.memory_space<vmem>>
    %dma_start3A_14 = tpu.memref_squeeze %dma_start3A_13 : memref<1x128xi32, #tpu.memory_space<vmem>> -> memref<128xi32, #tpu.memory_space<vmem>>
    %dma_start3A_15 = arith.constant 0 : i32
    %dma_start3A_16 = arith.constant 0 : i32
    %dma_start3A_17 = tpu.memref_slice %arg2[%dma_start3A_15, %dma_start3A_16] : memref<100001x256xf32, #tpu.memory_space<hbm>> -> memref<100001x256xf32, #tpu.memory_space<hbm>>
    tpu.enqueue_indirect_dma source(%dma_start3A_17 : memref<100001x256xf32, #tpu.memory_space<hbm>>) target(%arg7 : memref<128x256xf32, #tpu.memory_space<vmem>>) offsets(%dma_start3A_14 : memref<128xi32, #tpu.memory_space<vmem>>) semaphore(%arg9 : memref<!tpu.dma_semaphore, #tpu.memory_space<semaphore_mem>>)
    %dma_wait3A = arith.constant 0 : i32
    %dma_wait3A_18 = arith.constant 0 : i32
    %dma_wait3A_19 = tpu.memref_slice %arg5[%dma_wait3A, %dma_wait3A_18] : memref<4x128xi32, #tpu.memory_space<vmem>> -> memref<1x128xi32, #tpu.memory_space<vmem>>
    %dma_wait3A_20 = tpu.memref_squeeze %dma_wait3A_19 : memref<1x128xi32, #tpu.memory_space<vmem>> -> memref<128xi32, #tpu.memory_space<vmem>>
    %dma_wait3A_21 = arith.constant 0 : i32
    %dma_wait3A_22 = arith.constant 0 : i32
    %dma_wait3A_23 = tpu.memref_slice %arg2[%dma_wait3A_21, %dma_wait3A_22] : memref<100001x256xf32, #tpu.memory_space<hbm>> -> memref<100001x256xf32, #tpu.memory_space<hbm>>
    tpu.wait_indirect_dma semaphore(%arg8 : memref<!tpu.dma_semaphore, #tpu.memory_space<semaphore_mem>>) src(%dma_wait3A_23 : memref<100001x256xf32, #tpu.memory_space<hbm>>) dst(%arg6 : memref<128x256xf32, #tpu.memory_space<vmem>>)
    %add3A_24 = arith.constant 0 : i32
    %add3A_25 = arith.addi %mul3A_2, %add3A_24 : i32
    %dma_start3A_26 = arith.constant 0 : i32
    %dma_start3A_27 = tpu.memref_slice %arg4[%add3A_25, %dma_start3A_26] : memref<16384x256xf32, #tpu.memory_space<hbm>> -> memref<128x256xf32, #tpu.memory_space<hbm>>
    %dma_start3A_28 = arith.constant 0 : i32
    %dma_start3A_29 = tpu.memref_slice %arg4[%add3A_25, %dma_start3A_28] : memref<16384x256xf32, #tpu.memory_space<hbm>> -> memref<128x256xf32, #tpu.memory_space<hbm>>
    tpu.enqueue_dma source(%arg6 : memref<128x256xf32, #tpu.memory_space<vmem>>) target(%dma_start3A_29 : memref<128x256xf32, #tpu.memory_space<hbm>>) target_semaphore(%arg10 : memref<!tpu.dma_semaphore, #tpu.memory_space<semaphore_mem>>)
    %dma_wait3A_30 = arith.constant 1 : i32
    %dma_wait3A_31 = arith.constant 0 : i32
    %dma_wait3A_32 = tpu.memref_slice %arg5[%dma_wait3A_30, %dma_wait3A_31] : memref<4x128xi32, #tpu.memory_space<vmem>> -> memref<1x128xi32, #tpu.memory_space<vmem>>
    %dma_wait3A_33 = tpu.memref_squeeze %dma_wait3A_32 : memref<1x128xi32, #tpu.memory_space<vmem>> -> memref<128xi32, #tpu.memory_space<vmem>>
    %dma_wait3A_34 = arith.constant 0 : i32
    %dma_wait3A_35 = arith.constant 0 : i32
    %dma_wait3A_36 = tpu.memref_slice %arg2[%dma_wait3A_34, %dma_wait3A_35] : memref<100001x256xf32, #tpu.memory_space<hbm>> -> memref<100001x256xf32, #tpu.memory_space<hbm>>
    tpu.wait_indirect_dma semaphore(%arg9 : memref<!tpu.dma_semaphore, #tpu.memory_space<semaphore_mem>>) src(%dma_wait3A_36 : memref<100001x256xf32, #tpu.memory_space<hbm>>) dst(%arg7 : memref<128x256xf32, #tpu.memory_space<vmem>>)
    %add3A_37 = arith.constant 128 : i32
    %add3A_38 = arith.addi %mul3A_2, %add3A_37 : i32
    %dma_start3A_39 = arith.constant 0 : i32
    %dma_start3A_40 = tpu.memref_slice %arg4[%add3A_38, %dma_start3A_39] : memref<16384x256xf32, #tpu.memory_space<hbm>> -> memref<128x256xf32, #tpu.memory_space<hbm>>
    %dma_start3A_41 = arith.constant 0 : i32
    %dma_start3A_42 = tpu.memref_slice %arg4[%add3A_38, %dma_start3A_41] : memref<16384x256xf32, #tpu.memory_space<hbm>> -> memref<128x256xf32, #tpu.memory_space<hbm>>
    tpu.enqueue_dma source(%arg7 : memref<128x256xf32, #tpu.memory_space<vmem>>) target(%dma_start3A_42 : memref<128x256xf32, #tpu.memory_space<hbm>>) target_semaphore(%arg11 : memref<!tpu.dma_semaphore, #tpu.memory_space<semaphore_mem>>)
    %dma_wait3A_43 = arith.constant 0 : i32
    %dma_wait3A_44 = tpu.memref_slice %arg4[%add3A_25, %dma_wait3A_43] : memref<16384x256xf32, #tpu.memory_space<hbm>> -> memref<128x256xf32, #tpu.memory_space<hbm>>
    %dma_wait3A_45 = arith.constant 0 : i32
    %dma_wait3A_46 = tpu.memref_slice %arg4[%add3A_25, %dma_wait3A_45] : memref<16384x256xf32, #tpu.memory_space<hbm>> -> memref<128x256xf32, #tpu.memory_space<hbm>>
    tpu.wait_dma2 semaphore(%arg10 : memref<!tpu.dma_semaphore, #tpu.memory_space<semaphore_mem>>) src(%arg6 : memref<128x256xf32, #tpu.memory_space<vmem>>) dst(%dma_wait3A_46 : memref<128x256xf32, #tpu.memory_space<hbm>>)
    %dma_start3A_47 = arith.constant 2 : i32
    %dma_start3A_48 = arith.constant 0 : i32
    %dma_start3A_49 = tpu.memref_slice %arg5[%dma_start3A_47, %dma_start3A_48] : memref<4x128xi32, #tpu.memory_space<vmem>> -> memref<1x128xi32, #tpu.memory_space<vmem>>
    %dma_start3A_50 = tpu.memref_squeeze %dma_start3A_49 : memref<1x128xi32, #tpu.memory_space<vmem>> -> memref<128xi32, #tpu.memory_space<vmem>>
    %dma_start3A_51 = arith.constant 0 : i32
    %dma_start3A_52 = arith.constant 0 : i32
    %dma_start3A_53 = tpu.memref_slice %arg2[%dma_start3A_51, %dma_start3A_52] : memref<100001x256xf32, #tpu.memory_space<hbm>> -> memref<100001x256xf32, #tpu.memory_space<hbm>>
    tpu.enqueue_indirect_dma source(%dma_start3A_53 : memref<100001x256xf32, #tpu.memory_space<hbm>>) target(%arg6 : memref<128x256xf32, #tpu.memory_space<vmem>>) offsets(%dma_start3A_50 : memref<128xi32, #tpu.memory_space<vmem>>) semaphore(%arg8 : memref<!tpu.dma_semaphore, #tpu.memory_space<semaphore_mem>>)
    %dma_wait3A_54 = arith.constant 0 : i32
    %dma_wait3A_55 = tpu.memref_slice %arg4[%add3A_38, %dma_wait3A_54] : memref<16384x256xf32, #tpu.memory_space<hbm>> -> memref<128x256xf32, #tpu.memory_space<hbm>>
    %dma_wait3A_56 = arith.constant 0 : i32
    %dma_wait3A_57 = tpu.memref_slice %arg4[%add3A_38, %dma_wait3A_56] : memref<16384x256xf32, #tpu.memory_space<hbm>> -> memref<128x256xf32, #tpu.memory_space<hbm>>
    tpu.wait_dma2 semaphore(%arg11 : memref<!tpu.dma_semaphore, #tpu.memory_space<semaphore_mem>>) src(%arg7 : memref<128x256xf32, #tpu.memory_space<vmem>>) dst(%dma_wait3A_57 : memref<128x256xf32, #tpu.memory_space<hbm>>)
    %dma_start3A_58 = arith.constant 3 : i32
    %dma_start3A_59 = arith.constant 0 : i32
    %dma_start3A_60 = tpu.memref_slice %arg5[%dma_start3A_58, %dma_start3A_59] : memref<4x128xi32, #tpu.memory_space<vmem>> -> memref<1x128xi32, #tpu.memory_space<vmem>>
    %dma_start3A_61 = tpu.memref_squeeze %dma_start3A_60 : memref<1x128xi32, #tpu.memory_space<vmem>> -> memref<128xi32, #tpu.memory_space<vmem>>
    %dma_start3A_62 = arith.constant 0 : i32
    %dma_start3A_63 = arith.constant 0 : i32
    %dma_start3A_64 = tpu.memref_slice %arg2[%dma_start3A_62, %dma_start3A_63] : memref<100001x256xf32, #tpu.memory_space<hbm>> -> memref<100001x256xf32, #tpu.memory_space<hbm>>
    tpu.enqueue_indirect_dma source(%dma_start3A_64 : memref<100001x256xf32, #tpu.memory_space<hbm>>) target(%arg7 : memref<128x256xf32, #tpu.memory_space<vmem>>) offsets(%dma_start3A_61 : memref<128xi32, #tpu.memory_space<vmem>>) semaphore(%arg9 : memref<!tpu.dma_semaphore, #tpu.memory_space<semaphore_mem>>)
    %dma_wait3A_65 = arith.constant 2 : i32
    %dma_wait3A_66 = arith.constant 0 : i32
    %dma_wait3A_67 = tpu.memref_slice %arg5[%dma_wait3A_65, %dma_wait3A_66] : memref<4x128xi32, #tpu.memory_space<vmem>> -> memref<1x128xi32, #tpu.memory_space<vmem>>
    %dma_wait3A_68 = tpu.memref_squeeze %dma_wait3A_67 : memref<1x128xi32, #tpu.memory_space<vmem>> -> memref<128xi32, #tpu.memory_space<vmem>>
    %dma_wait3A_69 = arith.constant 0 : i32
    %dma_wait3A_70 = arith.constant 0 : i32
    %dma_wait3A_71 = tpu.memref_slice %arg2[%dma_wait3A_69, %dma_wait3A_70] : memref<100001x256xf32, #tpu.memory_space<hbm>> -> memref<100001x256xf32, #tpu.memory_space<hbm>>
    tpu.wait_indirect_dma semaphore(%arg8 : memref<!tpu.dma_semaphore, #tpu.memory_space<semaphore_mem>>) src(%dma_wait3A_71 : memref<100001x256xf32, #tpu.memory_space<hbm>>) dst(%arg6 : memref<128x256xf32, #tpu.memory_space<vmem>>)
    %add3A_72 = arith.constant 256 : i32
    %add3A_73 = arith.addi %mul3A_2, %add3A_72 : i32
    %dma_start3A_74 = arith.constant 0 : i32
    %dma_start3A_75 = tpu.memref_slice %arg4[%add3A_73, %dma_start3A_74] : memref<16384x256xf32, #tpu.memory_space<hbm>> -> memref<128x256xf32, #tpu.memory_space<hbm>>
    %dma_start3A_76 = arith.constant 0 : i32
    %dma_start3A_77 = tpu.memref_slice %arg4[%add3A_73, %dma_start3A_76] : memref<16384x256xf32, #tpu.memory_space<hbm>> -> memref<128x256xf32, #tpu.memory_space<hbm>>
    tpu.enqueue_dma source(%arg6 : memref<128x256xf32, #tpu.memory_space<vmem>>) target(%dma_start3A_77 : memref<128x256xf32, #tpu.memory_space<hbm>>) target_semaphore(%arg10 : memref<!tpu.dma_semaphore, #tpu.memory_space<semaphore_mem>>)
    %dma_wait3A_78 = arith.constant 3 : i32
    %dma_wait3A_79 = arith.constant 0 : i32
    %dma_wait3A_80 = tpu.memref_slice %arg5[%dma_wait3A_78, %dma_wait3A_79] : memref<4x128xi32, #tpu.memory_space<vmem>> -> memref<1x128xi32, #tpu.memory_space<vmem>>
    %dma_wait3A_81 = tpu.memref_squeeze %dma_wait3A_80 : memref<1x128xi32, #tpu.memory_space<vmem>> -> memref<128xi32, #tpu.memory_space<vmem>>
    %dma_wait3A_82 = arith.constant 0 : i32
    %dma_wait3A_83 = arith.constant 0 : i32
    %dma_wait3A_84 = tpu.memref_slice %arg2[%dma_wait3A_82, %dma_wait3A_83] : memref<100001x256xf32, #tpu.memory_space<hbm>> -> memref<100001x256xf32, #tpu.memory_space<hbm>>
    tpu.wait_indirect_dma semaphore(%arg9 : memref<!tpu.dma_semaphore, #tpu.memory_space<semaphore_mem>>) src(%dma_wait3A_84 : memref<100001x256xf32, #tpu.memory_space<hbm>>) dst(%arg7 : memref<128x256xf32, #tpu.memory_space<vmem>>)
    %add3A_85 = arith.constant 384 : i32
    %add3A_86 = arith.addi %mul3A_2, %add3A_85 : i32
    %dma_start3A_87 = arith.constant 0 : i32
    %dma_start3A_88 = tpu.memref_slice %arg4[%add3A_86, %dma_start3A_87] : memref<16384x256xf32, #tpu.memory_space<hbm>> -> memref<128x256xf32, #tpu.memory_space<hbm>>
    %dma_start3A_89 = arith.constant 0 : i32
    %dma_start3A_90 = tpu.memref_slice %arg4[%add3A_86, %dma_start3A_89] : memref<16384x256xf32, #tpu.memory_space<hbm>> -> memref<128x256xf32, #tpu.memory_space<hbm>>
    tpu.enqueue_dma source(%arg7 : memref<128x256xf32, #tpu.memory_space<vmem>>) target(%dma_start3A_90 : memref<128x256xf32, #tpu.memory_space<hbm>>) target_semaphore(%arg11 : memref<!tpu.dma_semaphore, #tpu.memory_space<semaphore_mem>>)
    %dma_wait3A_91 = arith.constant 0 : i32
    %dma_wait3A_92 = tpu.memref_slice %arg4[%add3A_73, %dma_wait3A_91] : memref<16384x256xf32, #tpu.memory_space<hbm>> -> memref<128x256xf32, #tpu.memory_space<hbm>>
    %dma_wait3A_93 = arith.constant 0 : i32
    %dma_wait3A_94 = tpu.memref_slice %arg4[%add3A_73, %dma_wait3A_93] : memref<16384x256xf32, #tpu.memory_space<hbm>> -> memref<128x256xf32, #tpu.memory_space<hbm>>
    tpu.wait_dma2 semaphore(%arg10 : memref<!tpu.dma_semaphore, #tpu.memory_space<semaphore_mem>>) src(%arg6 : memref<128x256xf32, #tpu.memory_space<vmem>>) dst(%dma_wait3A_94 : memref<128x256xf32, #tpu.memory_space<hbm>>)
    %dma_wait3A_95 = arith.constant 0 : i32
    %dma_wait3A_96 = tpu.memref_slice %arg4[%add3A_86, %dma_wait3A_95] : memref<16384x256xf32, #tpu.memory_space<hbm>> -> memref<128x256xf32, #tpu.memory_space<hbm>>
    %dma_wait3A_97 = arith.constant 0 : i32
    %dma_wait3A_98 = tpu.memref_slice %arg4[%add3A_86, %dma_wait3A_97] : memref<16384x256xf32, #tpu.memory_space<hbm>> -> memref<128x256xf32, #tpu.memory_space<hbm>>
    tpu.wait_dma2 semaphore(%arg11 : memref<!tpu.dma_semaphore, #tpu.memory_space<semaphore_mem>>) src(%arg7 : memref<128x256xf32, #tpu.memory_space<vmem>>) dst(%dma_wait3A_98 : memref<128x256xf32, #tpu.memory_space<hbm>>)
    return
  }
}

#map = affine_map<(d0, d1) -> (0, 0)>
module attributes {stable_mosaic.version = 14 : i64} {
  func.func @new_body(%arg0: i32, %arg1: i32, %arg2: memref<100001x256xf32, #tpu.memory_space<hbm>>, %arg3: memref<100001x256xf32, #tpu.memory_space<hbm>>, %arg4: memref<100001x256xf32, #tpu.memory_space<hbm>>, %arg5: memref<1x256xf32, #tpu.memory_space<vmem>>) attributes {dimension_semantics = [#tpu.dimension_semantics<core_parallel>, #tpu.dimension_semantics<subcore_parallel>], iteration_bounds = array<i64: 2, 16>, scalar_prefetch = 0 : i64, scratch_operands = 1 : i64, tpu.core_type = #tpu.core_type<sc_vector_subcore>, window_params = [{transform_indices = #map}, {transform_indices = #map}, {transform_indices = #map}]} {
    %mul3A = arith.constant 2 : i32
    %mul3A_0 = arith.muli %arg1, %mul3A : i32
    %add3A = arith.addi %mul3A_0, %arg0 : i32
    %eq3A = arith.constant 0 : i32
    %eq3A_1 = arith.cmpi eq, %add3A, %eq3A : i32
    %convert_element_type3A = arith.extui %eq3A_1 : i1 to i32
    %cond3A = arith.constant 0 : i32
    %cond3A_2 = arith.cmpi ne, %convert_element_type3A, %cond3A : i32
    scf.if %cond3A_2 {
      "tpu.region"() ({
        %run_scoped3A = tpu.sem_alloc : memref<!tpu.dma_semaphore, #tpu.memory_space<semaphore_mem>>
        %dma_start3A = arith.constant 100000 : i32
        %dma_start3A_3 = arith.constant 0 : i32
        %dma_start3A_4 = tpu.memref_slice %arg2[%dma_start3A, %dma_start3A_3] : memref<100001x256xf32, #tpu.memory_space<hbm>> -> memref<1x256xf32, #tpu.memory_space<hbm>>
        %dma_start3A_5 = arith.constant 100000 : i32
        %dma_start3A_6 = arith.constant 0 : i32
        %dma_start3A_7 = tpu.memref_slice %arg2[%dma_start3A_5, %dma_start3A_6] : memref<100001x256xf32, #tpu.memory_space<hbm>> -> memref<1x256xf32, #tpu.memory_space<hbm>>
        tpu.enqueue_dma source(%dma_start3A_7 : memref<1x256xf32, #tpu.memory_space<hbm>>) target(%arg5 : memref<1x256xf32, #tpu.memory_space<vmem>>) target_semaphore(%run_scoped3A : memref<!tpu.dma_semaphore, #tpu.memory_space<semaphore_mem>>)
        %dma_wait3A = arith.constant 100000 : i32
        %dma_wait3A_8 = arith.constant 0 : i32
        %dma_wait3A_9 = tpu.memref_slice %arg2[%dma_wait3A, %dma_wait3A_8] : memref<100001x256xf32, #tpu.memory_space<hbm>> -> memref<1x256xf32, #tpu.memory_space<hbm>>
        %dma_wait3A_10 = arith.constant 100000 : i32
        %dma_wait3A_11 = arith.constant 0 : i32
        %dma_wait3A_12 = tpu.memref_slice %arg2[%dma_wait3A_10, %dma_wait3A_11] : memref<100001x256xf32, #tpu.memory_space<hbm>> -> memref<1x256xf32, #tpu.memory_space<hbm>>
        tpu.wait_dma2 semaphore(%run_scoped3A : memref<!tpu.dma_semaphore, #tpu.memory_space<semaphore_mem>>) src(%dma_wait3A_12 : memref<1x256xf32, #tpu.memory_space<hbm>>) dst(%arg5 : memref<1x256xf32, #tpu.memory_space<vmem>>)
        tpu.yield
      }) : () -> ()
      "tpu.region"() ({
        %run_scoped3A = tpu.sem_alloc : memref<!tpu.dma_semaphore, #tpu.memory_space<semaphore_mem>>
        %dma_start3A = arith.constant 100000 : i32
        %dma_start3A_3 = arith.constant 0 : i32
        %dma_start3A_4 = tpu.memref_slice %arg3[%dma_start3A, %dma_start3A_3] : memref<100001x256xf32, #tpu.memory_space<hbm>> -> memref<1x256xf32, #tpu.memory_space<hbm>>
        %dma_start3A_5 = arith.constant 100000 : i32
        %dma_start3A_6 = arith.constant 0 : i32
        %dma_start3A_7 = tpu.memref_slice %arg3[%dma_start3A_5, %dma_start3A_6] : memref<100001x256xf32, #tpu.memory_space<hbm>> -> memref<1x256xf32, #tpu.memory_space<hbm>>
        tpu.enqueue_dma source(%arg5 : memref<1x256xf32, #tpu.memory_space<vmem>>) target(%dma_start3A_7 : memref<1x256xf32, #tpu.memory_space<hbm>>) target_semaphore(%run_scoped3A : memref<!tpu.dma_semaphore, #tpu.memory_space<semaphore_mem>>)
        %dma_wait3A = arith.constant 100000 : i32
        %dma_wait3A_8 = arith.constant 0 : i32
        %dma_wait3A_9 = tpu.memref_slice %arg3[%dma_wait3A, %dma_wait3A_8] : memref<100001x256xf32, #tpu.memory_space<hbm>> -> memref<1x256xf32, #tpu.memory_space<hbm>>
        %dma_wait3A_10 = arith.constant 100000 : i32
        %dma_wait3A_11 = arith.constant 0 : i32
        %dma_wait3A_12 = tpu.memref_slice %arg3[%dma_wait3A_10, %dma_wait3A_11] : memref<100001x256xf32, #tpu.memory_space<hbm>> -> memref<1x256xf32, #tpu.memory_space<hbm>>
        tpu.wait_dma2 semaphore(%run_scoped3A : memref<!tpu.dma_semaphore, #tpu.memory_space<semaphore_mem>>) src(%arg5 : memref<1x256xf32, #tpu.memory_space<vmem>>) dst(%dma_wait3A_12 : memref<1x256xf32, #tpu.memory_space<hbm>>)
        tpu.yield
      }) : () -> ()
    } else {
    }
    return
  }
}

#map = affine_map<(d0, d1) -> (0, 0)>
#map1 = affine_map<(d0, d1) -> (0)>
module attributes {stable_mosaic.version = 14 : i64} {
  func.func @new_body(%arg0: i32, %arg1: i32, %arg2: memref<128x128xi32, #tpu.memory_space<hbm>>, %arg3: memref<100096xi32, #tpu.memory_space<hbm>>, %arg4: memref<16384x256xf32, #tpu.memory_space<hbm>>, %arg5: memref<100001x256xf32, #tpu.memory_space<hbm>>, %arg6: memref<100001x256xf32, #tpu.memory_space<hbm>>, %arg7: memref<4x128xi32, #tpu.memory_space<vmem>>, %arg8: memref<4x128xi32, #tpu.memory_space<vmem>>, %arg9: memref<4x128xi32, #tpu.memory_space<vmem>>, %arg10: memref<128x256xf32, #tpu.memory_space<vmem>>, %arg11: memref<128x256xf32, #tpu.memory_space<vmem>>, %arg12: memref<!tpu.dma_semaphore, #tpu.memory_space<semaphore_mem>>, %arg13: memref<!tpu.dma_semaphore, #tpu.memory_space<semaphore_mem>>, %arg14: memref<!tpu.dma_semaphore, #tpu.memory_space<semaphore_mem>>, %arg15: memref<!tpu.dma_semaphore, #tpu.memory_space<semaphore_mem>>, %arg16: memref<!tpu.dma_semaphore, #tpu.memory_space<semaphore_mem>>) attributes {dimension_semantics = [#tpu.dimension_semantics<core_parallel>, #tpu.dimension_semantics<subcore_parallel>], iteration_bounds = array<i64: 2, 16>, scalar_prefetch = 0 : i64, scratch_operands = 10 : i64, tpu.core_type = #tpu.core_type<sc_vector_subcore>, window_params = [{transform_indices = #map}, {transform_indices = #map1}, {transform_indices = #map}, {transform_indices = #map}, {transform_indices = #map}]} {
    %mul3A = arith.constant 2 : i32
    %mul3A_0 = arith.muli %arg1, %mul3A : i32
    %add3A = arith.addi %mul3A_0, %arg0 : i32
    %mul3A_1 = arith.constant 512 : i32
    %mul3A_2 = arith.muli %add3A, %mul3A_1 : i32
    %mul3A_3 = arith.constant 4 : i32
    %mul3A_4 = arith.muli %add3A, %mul3A_3 : i32
    "tpu.region"() ({
      %run_scoped3A = tpu.sem_alloc : memref<!tpu.dma_semaphore, #tpu.memory_space<semaphore_mem>>
      %dma_start3A_1005 = arith.constant 0 : i32
      %dma_start3A_1006 = tpu.memref_slice %arg2[%mul3A_4, %dma_start3A_1005] : memref<128x128xi32, #tpu.memory_space<hbm>> -> memref<4x128xi32, #tpu.memory_space<hbm>>
      %dma_start3A_1007 = arith.constant 0 : i32
      %dma_start3A_1008 = tpu.memref_slice %arg2[%mul3A_4, %dma_start3A_1007] : memref<128x128xi32, #tpu.memory_space<hbm>> -> memref<4x128xi32, #tpu.memory_space<hbm>>
      tpu.enqueue_dma source(%dma_start3A_1008 : memref<4x128xi32, #tpu.memory_space<hbm>>) target(%arg7 : memref<4x128xi32, #tpu.memory_space<vmem>>) target_semaphore(%run_scoped3A : memref<!tpu.dma_semaphore, #tpu.memory_space<semaphore_mem>>)
      %dma_wait3A_1009 = arith.constant 0 : i32
      %dma_wait3A_1010 = tpu.memref_slice %arg2[%mul3A_4, %dma_wait3A_1009] : memref<128x128xi32, #tpu.memory_space<hbm>> -> memref<4x128xi32, #tpu.memory_space<hbm>>
      %dma_wait3A_1011 = arith.constant 0 : i32
      %dma_wait3A_1012 = tpu.memref_slice %arg2[%mul3A_4, %dma_wait3A_1011] : memref<128x128xi32, #tpu.memory_space<hbm>> -> memref<4x128xi32, #tpu.memory_space<hbm>>
      tpu.wait_dma2 semaphore(%run_scoped3A : memref<!tpu.dma_semaphore, #tpu.memory_space<semaphore_mem>>) src(%dma_wait3A_1012 : memref<4x128xi32, #tpu.memory_space<hbm>>) dst(%arg7 : memref<4x128xi32, #tpu.memory_space<vmem>>)
      tpu.yield
    }) : () -> ()
    %dma_start3A = arith.constant 0 : i32
    %dma_start3A_5 = arith.constant 0 : i32
    %dma_start3A_6 = arith.constant 0 : i32
    %dma_start3A_7 = tpu.memref_slice %arg8[%dma_start3A_5, %dma_start3A_6] : memref<4x128xi32, #tpu.memory_space<vmem>> -> memref<1x128xi32, #tpu.memory_space<vmem>>
    %dma_start3A_8 = tpu.memref_squeeze %dma_start3A_7 : memref<1x128xi32, #tpu.memory_space<vmem>> -> memref<128xi32, #tpu.memory_space<vmem>>
    %dma_start3A_9 = arith.constant 0 : i32
    %dma_start3A_10 = tpu.memref_slice %arg7[%dma_start3A, %dma_start3A_9] : memref<4x128xi32, #tpu.memory_space<vmem>> -> memref<1x128xi32, #tpu.memory_space<vmem>>
    %dma_start3A_11 = tpu.memref_squeeze %dma_start3A_10 : memref<1x128xi32, #tpu.memory_space<vmem>> -> memref<128xi32, #tpu.memory_space<vmem>>
    %dma_start3A_12 = arith.constant 0 : i32
    %dma_start3A_13 = tpu.memref_slice %arg3[%dma_start3A_12] : memref<100096xi32, #tpu.memory_space<hbm>> -> memref<100096xi32, #tpu.memory_space<hbm>>
    tpu.enqueue_indirect_dma source(%dma_start3A_13 : memref<100096xi32, #tpu.memory_space<hbm>>) target(%dma_start3A_8 : memref<128xi32, #tpu.memory_space<vmem>>) offsets(%dma_start3A_11 : memref<128xi32, #tpu.memory_space<vmem>>) semaphore(%arg12 : memref<!tpu.dma_semaphore, #tpu.memory_space<semaphore_mem>>)
    %dma_start3A_14 = arith.constant 1 : i32
    %dma_start3A_15 = arith.constant 1 : i32
    %dma_start3A_16 = arith.constant 0 : i32
    %dma_start3A_17 = tpu.memref_slice %arg8[%dma_start3A_15, %dma_start3A_16] : memref<4x128xi32, #tpu.memory_space<vmem>> -> memref<1x128xi32, #tpu.memory_space<vmem>>
    %dma_start3A_18 = tpu.memref_squeeze %dma_start3A_17 : memref<1x128xi32, #tpu.memory_space<vmem>> -> memref<128xi32, #tpu.memory_space<vmem>>
    %dma_start3A_19 = arith.constant 0 : i32
    %dma_start3A_20 = tpu.memref_slice %arg7[%dma_start3A_14, %dma_start3A_19] : memref<4x128xi32, #tpu.memory_space<vmem>> -> memref<1x128xi32, #tpu.memory_space<vmem>>
    %dma_start3A_21 = tpu.memref_squeeze %dma_start3A_20 : memref<1x128xi32, #tpu.memory_space<vmem>> -> memref<128xi32, #tpu.memory_space<vmem>>
    %dma_start3A_22 = arith.constant 0 : i32
    %dma_start3A_23 = tpu.memref_slice %arg3[%dma_start3A_22] : memref<100096xi32, #tpu.memory_space<hbm>> -> memref<100096xi32, #tpu.memory_space<hbm>>
    tpu.enqueue_indirect_dma source(%dma_start3A_23 : memref<100096xi32, #tpu.memory_space<hbm>>) target(%dma_start3A_18 : memref<128xi32, #tpu.memory_space<vmem>>) offsets(%dma_start3A_21 : memref<128xi32, #tpu.memory_space<vmem>>) semaphore(%arg12 : memref<!tpu.dma_semaphore, #tpu.memory_space<semaphore_mem>>)
    %dma_start3A_24 = arith.constant 2 : i32
    %dma_start3A_25 = arith.constant 2 : i32
    %dma_start3A_26 = arith.constant 0 : i32
    %dma_start3A_27 = tpu.memref_slice %arg8[%dma_start3A_25, %dma_start3A_26] : memref<4x128xi32, #tpu.memory_space<vmem>> -> memref<1x128xi32, #tpu.memory_space<vmem>>
    %dma_start3A_28 = tpu.memref_squeeze %dma_start3A_27 : memref<1x128xi32, #tpu.memory_space<vmem>> -> memref<128xi32, #tpu.memory_space<vmem>>
    %dma_start3A_29 = arith.constant 0 : i32
    %dma_start3A_30 = tpu.memref_slice %arg7[%dma_start3A_24, %dma_start3A_29] : memref<4x128xi32, #tpu.memory_space<vmem>> -> memref<1x128xi32, #tpu.memory_space<vmem>>
    %dma_start3A_31 = tpu.memref_squeeze %dma_start3A_30 : memref<1x128xi32, #tpu.memory_space<vmem>> -> memref<128xi32, #tpu.memory_space<vmem>>
    %dma_start3A_32 = arith.constant 0 : i32
    %dma_start3A_33 = tpu.memref_slice %arg3[%dma_start3A_32] : memref<100096xi32, #tpu.memory_space<hbm>> -> memref<100096xi32, #tpu.memory_space<hbm>>
    tpu.enqueue_indirect_dma source(%dma_start3A_33 : memref<100096xi32, #tpu.memory_space<hbm>>) target(%dma_start3A_28 : memref<128xi32, #tpu.memory_space<vmem>>) offsets(%dma_start3A_31 : memref<128xi32, #tpu.memory_space<vmem>>) semaphore(%arg12 : memref<!tpu.dma_semaphore, #tpu.memory_space<semaphore_mem>>)
    %dma_start3A_34 = arith.constant 3 : i32
    %dma_start3A_35 = arith.constant 3 : i32
    %dma_start3A_36 = arith.constant 0 : i32
    %dma_start3A_37 = tpu.memref_slice %arg8[%dma_start3A_35, %dma_start3A_36] : memref<4x128xi32, #tpu.memory_space<vmem>> -> memref<1x128xi32, #tpu.memory_space<vmem>>
    %dma_start3A_38 = tpu.memref_squeeze %dma_start3A_37 : memref<1x128xi32, #tpu.memory_space<vmem>> -> memref<128xi32, #tpu.memory_space<vmem>>
    %dma_start3A_39 = arith.constant 0 : i32
    %dma_start3A_40 = tpu.memref_slice %arg7[%dma_start3A_34, %dma_start3A_39] : memref<4x128xi32, #tpu.memory_space<vmem>> -> memref<1x128xi32, #tpu.memory_space<vmem>>
    %dma_start3A_41 = tpu.memref_squeeze %dma_start3A_40 : memref<1x128xi32, #tpu.memory_space<vmem>> -> memref<128xi32, #tpu.memory_space<vmem>>
    %dma_start3A_42 = arith.constant 0 : i32
    %dma_start3A_43 = tpu.memref_slice %arg3[%dma_start3A_42] : memref<100096xi32, #tpu.memory_space<hbm>> -> memref<100096xi32, #tpu.memory_space<hbm>>
    tpu.enqueue_indirect_dma source(%dma_start3A_43 : memref<100096xi32, #tpu.memory_space<hbm>>) target(%dma_start3A_38 : memref<128xi32, #tpu.memory_space<vmem>>) offsets(%dma_start3A_41 : memref<128xi32, #tpu.memory_space<vmem>>) semaphore(%arg12 : memref<!tpu.dma_semaphore, #tpu.memory_space<semaphore_mem>>)
    %add3A_44 = arith.constant 0 : i32
    %add3A_45 = arith.addi %mul3A_2, %add3A_44 : i32
    %dma_start3A_46 = arith.constant 0 : i32
    %dma_start3A_47 = tpu.memref_slice %arg4[%add3A_45, %dma_start3A_46] : memref<16384x256xf32, #tpu.memory_space<hbm>> -> memref<128x256xf32, #tpu.memory_space<hbm>>
    %dma_start3A_48 = arith.constant 0 : i32
    %dma_start3A_49 = tpu.memref_slice %arg4[%add3A_45, %dma_start3A_48] : memref<16384x256xf32, #tpu.memory_space<hbm>> -> memref<128x256xf32, #tpu.memory_space<hbm>>
    tpu.enqueue_dma source(%dma_start3A_49 : memref<128x256xf32, #tpu.memory_space<hbm>>) target(%arg10 : memref<128x256xf32, #tpu.memory_space<vmem>>) target_semaphore(%arg13 : memref<!tpu.dma_semaphore, #tpu.memory_space<semaphore_mem>>)
    %add3A_50 = arith.constant 128 : i32
    %add3A_51 = arith.addi %mul3A_2, %add3A_50 : i32
    %dma_start3A_52 = arith.constant 0 : i32
    %dma_start3A_53 = tpu.memref_slice %arg4[%add3A_51, %dma_start3A_52] : memref<16384x256xf32, #tpu.memory_space<hbm>> -> memref<128x256xf32, #tpu.memory_space<hbm>>
    %dma_start3A_54 = arith.constant 0 : i32
    %dma_start3A_55 = tpu.memref_slice %arg4[%add3A_51, %dma_start3A_54] : memref<16384x256xf32, #tpu.memory_space<hbm>> -> memref<128x256xf32, #tpu.memory_space<hbm>>
    tpu.enqueue_dma source(%dma_start3A_55 : memref<128x256xf32, #tpu.memory_space<hbm>>) target(%arg11 : memref<128x256xf32, #tpu.memory_space<vmem>>) target_semaphore(%arg14 : memref<!tpu.dma_semaphore, #tpu.memory_space<semaphore_mem>>)
    %dma_wait3A = arith.constant 0 : i32
    %dma_wait3A_56 = arith.constant 0 : i32
    %dma_wait3A_57 = arith.constant 0 : i32
    %dma_wait3A_58 = tpu.memref_slice %arg8[%dma_wait3A_56, %dma_wait3A_57] : memref<4x128xi32, #tpu.memory_space<vmem>> -> memref<1x128xi32, #tpu.memory_space<vmem>>
    %dma_wait3A_59 = tpu.memref_squeeze %dma_wait3A_58 : memref<1x128xi32, #tpu.memory_space<vmem>> -> memref<128xi32, #tpu.memory_space<vmem>>
    %dma_wait3A_60 = arith.constant 0 : i32
    %dma_wait3A_61 = tpu.memref_slice %arg7[%dma_wait3A, %dma_wait3A_60] : memref<4x128xi32, #tpu.memory_space<vmem>> -> memref<1x128xi32, #tpu.memory_space<vmem>>
    %dma_wait3A_62 = tpu.memref_squeeze %dma_wait3A_61 : memref<1x128xi32, #tpu.memory_space<vmem>> -> memref<128xi32, #tpu.memory_space<vmem>>
    %dma_wait3A_63 = arith.constant 0 : i32
    %dma_wait3A_64 = tpu.memref_slice %arg3[%dma_wait3A_63] : memref<100096xi32, #tpu.memory_space<hbm>> -> memref<100096xi32, #tpu.memory_space<hbm>>
    tpu.wait_indirect_dma semaphore(%arg12 : memref<!tpu.dma_semaphore, #tpu.memory_space<semaphore_mem>>) src(%dma_wait3A_64 : memref<100096xi32, #tpu.memory_space<hbm>>) dst(%dma_wait3A_59 : memref<128xi32, #tpu.memory_space<vmem>>)
    %dma_wait3A_65 = arith.constant 1 : i32
    %dma_wait3A_66 = arith.constant 1 : i32
    %dma_wait3A_67 = arith.constant 0 : i32
    %dma_wait3A_68 = tpu.memref_slice %arg8[%dma_wait3A_66, %dma_wait3A_67] : memref<4x128xi32, #tpu.memory_space<vmem>> -> memref<1x128xi32, #tpu.memory_space<vmem>>
    %dma_wait3A_69 = tpu.memref_squeeze %dma_wait3A_68 : memref<1x128xi32, #tpu.memory_space<vmem>> -> memref<128xi32, #tpu.memory_space<vmem>>
    %dma_wait3A_70 = arith.constant 0 : i32
    %dma_wait3A_71 = tpu.memref_slice %arg7[%dma_wait3A_65, %dma_wait3A_70] : memref<4x128xi32, #tpu.memory_space<vmem>> -> memref<1x128xi32, #tpu.memory_space<vmem>>
    %dma_wait3A_72 = tpu.memref_squeeze %dma_wait3A_71 : memref<1x128xi32, #tpu.memory_space<vmem>> -> memref<128xi32, #tpu.memory_space<vmem>>
    %dma_wait3A_73 = arith.constant 0 : i32
    %dma_wait3A_74 = tpu.memref_slice %arg3[%dma_wait3A_73] : memref<100096xi32, #tpu.memory_space<hbm>> -> memref<100096xi32, #tpu.memory_space<hbm>>
    tpu.wait_indirect_dma semaphore(%arg12 : memref<!tpu.dma_semaphore, #tpu.memory_space<semaphore_mem>>) src(%dma_wait3A_74 : memref<100096xi32, #tpu.memory_space<hbm>>) dst(%dma_wait3A_69 : memref<128xi32, #tpu.memory_space<vmem>>)
    %dma_wait3A_75 = arith.constant 2 : i32
    %dma_wait3A_76 = arith.constant 2 : i32
    %dma_wait3A_77 = arith.constant 0 : i32
    %dma_wait3A_78 = tpu.memref_slice %arg8[%dma_wait3A_76, %dma_wait3A_77] : memref<4x128xi32, #tpu.memory_space<vmem>> -> memref<1x128xi32, #tpu.memory_space<vmem>>
    %dma_wait3A_79 = tpu.memref_squeeze %dma_wait3A_78 : memref<1x128xi32, #tpu.memory_space<vmem>> -> memref<128xi32, #tpu.memory_space<vmem>>
    %dma_wait3A_80 = arith.constant 0 : i32
    %dma_wait3A_81 = tpu.memref_slice %arg7[%dma_wait3A_75, %dma_wait3A_80] : memref<4x128xi32, #tpu.memory_space<vmem>> -> memref<1x128xi32, #tpu.memory_space<vmem>>
    %dma_wait3A_82 = tpu.memref_squeeze %dma_wait3A_81 : memref<1x128xi32, #tpu.memory_space<vmem>> -> memref<128xi32, #tpu.memory_space<vmem>>
    %dma_wait3A_83 = arith.constant 0 : i32
    %dma_wait3A_84 = tpu.memref_slice %arg3[%dma_wait3A_83] : memref<100096xi32, #tpu.memory_space<hbm>> -> memref<100096xi32, #tpu.memory_space<hbm>>
    tpu.wait_indirect_dma semaphore(%arg12 : memref<!tpu.dma_semaphore, #tpu.memory_space<semaphore_mem>>) src(%dma_wait3A_84 : memref<100096xi32, #tpu.memory_space<hbm>>) dst(%dma_wait3A_79 : memref<128xi32, #tpu.memory_space<vmem>>)
    %dma_wait3A_85 = arith.constant 3 : i32
    %dma_wait3A_86 = arith.constant 3 : i32
    %dma_wait3A_87 = arith.constant 0 : i32
    %dma_wait3A_88 = tpu.memref_slice %arg8[%dma_wait3A_86, %dma_wait3A_87] : memref<4x128xi32, #tpu.memory_space<vmem>> -> memref<1x128xi32, #tpu.memory_space<vmem>>
    %dma_wait3A_89 = tpu.memref_squeeze %dma_wait3A_88 : memref<1x128xi32, #tpu.memory_space<vmem>> -> memref<128xi32, #tpu.memory_space<vmem>>
    %dma_wait3A_90 = arith.constant 0 : i32
    %dma_wait3A_91 = tpu.memref_slice %arg7[%dma_wait3A_85, %dma_wait3A_90] : memref<4x128xi32, #tpu.memory_space<vmem>> -> memref<1x128xi32, #tpu.memory_space<vmem>>
    %dma_wait3A_92 = tpu.memref_squeeze %dma_wait3A_91 : memref<1x128xi32, #tpu.memory_space<vmem>> -> memref<128xi32, #tpu.memory_space<vmem>>
    %dma_wait3A_93 = arith.constant 0 : i32
    %dma_wait3A_94 = tpu.memref_slice %arg3[%dma_wait3A_93] : memref<100096xi32, #tpu.memory_space<hbm>> -> memref<100096xi32, #tpu.memory_space<hbm>>
    tpu.wait_indirect_dma semaphore(%arg12 : memref<!tpu.dma_semaphore, #tpu.memory_space<semaphore_mem>>) src(%dma_wait3A_94 : memref<100096xi32, #tpu.memory_space<hbm>>) dst(%dma_wait3A_89 : memref<128xi32, #tpu.memory_space<vmem>>)
    %iota3A = tpu.iota {dimensions = array<i32: 0>} : vector<16xi32>
    %get3A = arith.constant 0 : i32
    %get3A_95 = arith.index_cast %get3A : i32 to index
    %get3A_96 = arith.constant 0 : index
    %get3A_97 = tpu.vector_load %arg7[%get3A_95, %get3A_96] {strides = array<i32>} : memref<4x128xi32, #tpu.memory_space<vmem>>, vector<1x16xi32>,
    %get3A_98 = vector.shape_cast %get3A_97 : vector<1x16xi32> to vector<16xi32>
    %get3A_99 = arith.constant 0 : i32
    %get3A_100 = arith.index_cast %get3A_99 : i32 to index
    %get3A_101 = arith.constant 0 : index
    %get3A_102 = tpu.vector_load %arg8[%get3A_100, %get3A_101] {strides = array<i32>} : memref<4x128xi32, #tpu.memory_space<vmem>>, vector<1x16xi32>,
    %get3A_103 = vector.shape_cast %get3A_102 : vector<1x16xi32> to vector<16xi32>
    %add3A_104 = arith.constant 0 : i32
    %add3A_105 = arith.addi %mul3A_2, %add3A_104 : i32
    %add3A_106 = arith.constant 0 : i32
    %add3A_107 = arith.addi %add3A_105, %add3A_106 : i32
    %add3A_108 = vector.broadcast %add3A_107 : i32 to vector<16xi32>
    %add3A_109 = arith.addi %add3A_108, %iota3A : vector<16xi32>
    %eq3A = arith.cmpi eq, %get3A_103, %add3A_109 : vector<16xi32>
    %jit3A = arith.constant 100000 : i32
    %broadcast_in_dim3A = vector.broadcast %jit3A : i32 to vector<16xi32>
    %select_n3A = arith.select %eq3A, %get3A_98, %broadcast_in_dim3A : vector<16xi1>, vector<16xi32>
    %swap3A = arith.constant 0 : i32
    %swap3A_110 = arith.index_cast %swap3A : i32 to index
    %swap3A_111 = arith.constant 0 : index
    %swap3A_112 = tpu.vector_load %arg9[%swap3A_110, %swap3A_111] {strides = array<i32>} : memref<4x128xi32, #tpu.memory_space<vmem>>, vector<1x16xi32>,
    %swap3A_113 = vector.shape_cast %swap3A_112 : vector<1x16xi32> to vector<16xi32>
    %swap3A_114 = vector.shape_cast %select_n3A : vector<16xi32> to vector<1x16xi32>
    tpu.vector_store %arg9[%swap3A_110, %swap3A_111], %swap3A_114 {strides = array<i32>} : memref<4x128xi32, #tpu.memory_space<vmem>>, vector<1x16xi32>,
    %get3A_115 = arith.constant 0 : i32
    %get3A_116 = arith.index_cast %get3A_115 : i32 to index
    %get3A_117 = arith.constant 16 : index
    %get3A_118 = tpu.vector_load %arg7[%get3A_116, %get3A_117] {strides = array<i32>} : memref<4x128xi32, #tpu.memory_space<vmem>>, vector<1x16xi32>,
    %get3A_119 = vector.shape_cast %get3A_118 : vector<1x16xi32> to vector<16xi32>
    %get3A_120 = arith.constant 0 : i32
    %get3A_121 = arith.index_cast %get3A_120 : i32 to index
    %get3A_122 = arith.constant 16 : index
    %get3A_123 = tpu.vector_load %arg8[%get3A_121, %get3A_122] {strides = array<i32>} : memref<4x128xi32, #tpu.memory_space<vmem>>, vector<1x16xi32>,
    %get3A_124 = vector.shape_cast %get3A_123 : vector<1x16xi32> to vector<16xi32>
    %add3A_125 = arith.constant 0 : i32
    %add3A_126 = arith.addi %mul3A_2, %add3A_125 : i32
    %add3A_127 = arith.constant 16 : i32
    %add3A_128 = arith.addi %add3A_126, %add3A_127 : i32
    %add3A_129 = vector.broadcast %add3A_128 : i32 to vector<16xi32>
    %add3A_130 = arith.addi %add3A_129, %iota3A : vector<16xi32>
    %eq3A_131 = arith.cmpi eq, %get3A_124, %add3A_130 : vector<16xi32>
    %jit3A_132 = arith.constant 100000 : i32
    %broadcast_in_dim3A_133 = vector.broadcast %jit3A_132 : i32 to vector<16xi32>
    %select_n3A_134 = arith.select %eq3A_131, %get3A_119, %broadcast_in_dim3A_133 : vector<16xi1>, vector<16xi32>
    %swap3A_135 = arith.constant 0 : i32
    %swap3A_136 = arith.index_cast %swap3A_135 : i32 to index
    %swap3A_137 = arith.constant 16 : index
    %swap3A_138 = tpu.vector_load %arg9[%swap3A_136, %swap3A_137] {strides = array<i32>} : memref<4x128xi32, #tpu.memory_space<vmem>>, vector<1x16xi32>,
    %swap3A_139 = vector.shape_cast %swap3A_138 : vector<1x16xi32> to vector<16xi32>
    %swap3A_140 = vector.shape_cast %select_n3A_134 : vector<16xi32> to vector<1x16xi32>
    tpu.vector_store %arg9[%swap3A_136, %swap3A_137], %swap3A_140 {strides = array<i32>} : memref<4x128xi32, #tpu.memory_space<vmem>>, vector<1x16xi32>,
    %get3A_141 = arith.constant 0 : i32
    %get3A_142 = arith.index_cast %get3A_141 : i32 to index
    %get3A_143 = arith.constant 32 : index
    %get3A_144 = tpu.vector_load %arg7[%get3A_142, %get3A_143] {strides = array<i32>} : memref<4x128xi32, #tpu.memory_space<vmem>>, vector<1x16xi32>,
    %get3A_145 = vector.shape_cast %get3A_144 : vector<1x16xi32> to vector<16xi32>
    %get3A_146 = arith.constant 0 : i32
    %get3A_147 = arith.index_cast %get3A_146 : i32 to index
    %get3A_148 = arith.constant 32 : index
    %get3A_149 = tpu.vector_load %arg8[%get3A_147, %get3A_148] {strides = array<i32>} : memref<4x128xi32, #tpu.memory_space<vmem>>, vector<1x16xi32>,
    %get3A_150 = vector.shape_cast %get3A_149 : vector<1x16xi32> to vector<16xi32>
    %add3A_151 = arith.constant 0 : i32
    %add3A_152 = arith.addi %mul3A_2, %add3A_151 : i32
    %add3A_153 = arith.constant 32 : i32
    %add3A_154 = arith.addi %add3A_152, %add3A_153 : i32
    %add3A_155 = vector.broadcast %add3A_154 : i32 to vector<16xi32>
    %add3A_156 = arith.addi %add3A_155, %iota3A : vector<16xi32>
    %eq3A_157 = arith.cmpi eq, %get3A_150, %add3A_156 : vector<16xi32>
    %jit3A_158 = arith.constant 100000 : i32
    %broadcast_in_dim3A_159 = vector.broadcast %jit3A_158 : i32 to vector<16xi32>
    %select_n3A_160 = arith.select %eq3A_157, %get3A_145, %broadcast_in_dim3A_159 : vector<16xi1>, vector<16xi32>
    %swap3A_161 = arith.constant 0 : i32
    %swap3A_162 = arith.index_cast %swap3A_161 : i32 to index
    %swap3A_163 = arith.constant 32 : index
    %swap3A_164 = tpu.vector_load %arg9[%swap3A_162, %swap3A_163] {strides = array<i32>} : memref<4x128xi32, #tpu.memory_space<vmem>>, vector<1x16xi32>,
    %swap3A_165 = vector.shape_cast %swap3A_164 : vector<1x16xi32> to vector<16xi32>
    %swap3A_166 = vector.shape_cast %select_n3A_160 : vector<16xi32> to vector<1x16xi32>
    tpu.vector_store %arg9[%swap3A_162, %swap3A_163], %swap3A_166 {strides = array<i32>} : memref<4x128xi32, #tpu.memory_space<vmem>>, vector<1x16xi32>,
    %get3A_167 = arith.constant 0 : i32
    %get3A_168 = arith.index_cast %get3A_167 : i32 to index
    %get3A_169 = arith.constant 48 : index
    %get3A_170 = tpu.vector_load %arg7[%get3A_168, %get3A_169] {strides = array<i32>} : memref<4x128xi32, #tpu.memory_space<vmem>>, vector<1x16xi32>,
    %get3A_171 = vector.shape_cast %get3A_170 : vector<1x16xi32> to vector<16xi32>
    %get3A_172 = arith.constant 0 : i32
    %get3A_173 = arith.index_cast %get3A_172 : i32 to index
    %get3A_174 = arith.constant 48 : index
    %get3A_175 = tpu.vector_load %arg8[%get3A_173, %get3A_174] {strides = array<i32>} : memref<4x128xi32, #tpu.memory_space<vmem>>, vector<1x16xi32>,
    %get3A_176 = vector.shape_cast %get3A_175 : vector<1x16xi32> to vector<16xi32>
    %add3A_177 = arith.constant 0 : i32
    %add3A_178 = arith.addi %mul3A_2, %add3A_177 : i32
    %add3A_179 = arith.constant 48 : i32
    %add3A_180 = arith.addi %add3A_178, %add3A_179 : i32
    %add3A_181 = vector.broadcast %add3A_180 : i32 to vector<16xi32>
    %add3A_182 = arith.addi %add3A_181, %iota3A : vector<16xi32>
    %eq3A_183 = arith.cmpi eq, %get3A_176, %add3A_182 : vector<16xi32>
    %jit3A_184 = arith.constant 100000 : i32
    %broadcast_in_dim3A_185 = vector.broadcast %jit3A_184 : i32 to vector<16xi32>
    %select_n3A_186 = arith.select %eq3A_183, %get3A_171, %broadcast_in_dim3A_185 : vector<16xi1>, vector<16xi32>
    %swap3A_187 = arith.constant 0 : i32
    %swap3A_188 = arith.index_cast %swap3A_187 : i32 to index
    %swap3A_189 = arith.constant 48 : index
    %swap3A_190 = tpu.vector_load %arg9[%swap3A_188, %swap3A_189] {strides = array<i32>} : memref<4x128xi32, #tpu.memory_space<vmem>>, vector<1x16xi32>,
    %swap3A_191 = vector.shape_cast %swap3A_190 : vector<1x16xi32> to vector<16xi32>
    %swap3A_192 = vector.shape_cast %select_n3A_186 : vector<16xi32> to vector<1x16xi32>
    tpu.vector_store %arg9[%swap3A_188, %swap3A_189], %swap3A_192 {strides = array<i32>} : memref<4x128xi32, #tpu.memory_space<vmem>>, vector<1x16xi32>,
    %get3A_193 = arith.constant 0 : i32
    %get3A_194 = arith.index_cast %get3A_193 : i32 to index
    %get3A_195 = arith.constant 64 : index
    %get3A_196 = tpu.vector_load %arg7[%get3A_194, %get3A_195] {strides = array<i32>} : memref<4x128xi32, #tpu.memory_space<vmem>>, vector<1x16xi32>,
    %get3A_197 = vector.shape_cast %get3A_196 : vector<1x16xi32> to vector<16xi32>
    %get3A_198 = arith.constant 0 : i32
    %get3A_199 = arith.index_cast %get3A_198 : i32 to index
    %get3A_200 = arith.constant 64 : index
    %get3A_201 = tpu.vector_load %arg8[%get3A_199, %get3A_200] {strides = array<i32>} : memref<4x128xi32, #tpu.memory_space<vmem>>, vector<1x16xi32>,
    %get3A_202 = vector.shape_cast %get3A_201 : vector<1x16xi32> to vector<16xi32>
    %add3A_203 = arith.constant 0 : i32
    %add3A_204 = arith.addi %mul3A_2, %add3A_203 : i32
    %add3A_205 = arith.constant 64 : i32
    %add3A_206 = arith.addi %add3A_204, %add3A_205 : i32
    %add3A_207 = vector.broadcast %add3A_206 : i32 to vector<16xi32>
    %add3A_208 = arith.addi %add3A_207, %iota3A : vector<16xi32>
    %eq3A_209 = arith.cmpi eq, %get3A_202, %add3A_208 : vector<16xi32>
    %jit3A_210 = arith.constant 100000 : i32
    %broadcast_in_dim3A_211 = vector.broadcast %jit3A_210 : i32 to vector<16xi32>
    %select_n3A_212 = arith.select %eq3A_209, %get3A_197, %broadcast_in_dim3A_211 : vector<16xi1>, vector<16xi32>
    %swap3A_213 = arith.constant 0 : i32
    %swap3A_214 = arith.index_cast %swap3A_213 : i32 to index
    %swap3A_215 = arith.constant 64 : index
    %swap3A_216 = tpu.vector_load %arg9[%swap3A_214, %swap3A_215] {strides = array<i32>} : memref<4x128xi32, #tpu.memory_space<vmem>>, vector<1x16xi32>,
    %swap3A_217 = vector.shape_cast %swap3A_216 : vector<1x16xi32> to vector<16xi32>
    %swap3A_218 = vector.shape_cast %select_n3A_212 : vector<16xi32> to vector<1x16xi32>
    tpu.vector_store %arg9[%swap3A_214, %swap3A_215], %swap3A_218 {strides = array<i32>} : memref<4x128xi32, #tpu.memory_space<vmem>>, vector<1x16xi32>,
    %get3A_219 = arith.constant 0 : i32
    %get3A_220 = arith.index_cast %get3A_219 : i32 to index
    %get3A_221 = arith.constant 80 : index
    %get3A_222 = tpu.vector_load %arg7[%get3A_220, %get3A_221] {strides = array<i32>} : memref<4x128xi32, #tpu.memory_space<vmem>>, vector<1x16xi32>,
    %get3A_223 = vector.shape_cast %get3A_222 : vector<1x16xi32> to vector<16xi32>
    %get3A_224 = arith.constant 0 : i32
    %get3A_225 = arith.index_cast %get3A_224 : i32 to index
    %get3A_226 = arith.constant 80 : index
    %get3A_227 = tpu.vector_load %arg8[%get3A_225, %get3A_226] {strides = array<i32>} : memref<4x128xi32, #tpu.memory_space<vmem>>, vector<1x16xi32>,
    %get3A_228 = vector.shape_cast %get3A_227 : vector<1x16xi32> to vector<16xi32>
    %add3A_229 = arith.constant 0 : i32
    %add3A_230 = arith.addi %mul3A_2, %add3A_229 : i32
    %add3A_231 = arith.constant 80 : i32
    %add3A_232 = arith.addi %add3A_230, %add3A_231 : i32
    %add3A_233 = vector.broadcast %add3A_232 : i32 to vector<16xi32>
    %add3A_234 = arith.addi %add3A_233, %iota3A : vector<16xi32>
    %eq3A_235 = arith.cmpi eq, %get3A_228, %add3A_234 : vector<16xi32>
    %jit3A_236 = arith.constant 100000 : i32
    %broadcast_in_dim3A_237 = vector.broadcast %jit3A_236 : i32 to vector<16xi32>
    %select_n3A_238 = arith.select %eq3A_235, %get3A_223, %broadcast_in_dim3A_237 : vector<16xi1>, vector<16xi32>
    %swap3A_239 = arith.constant 0 : i32
    %swap3A_240 = arith.index_cast %swap3A_239 : i32 to index
    %swap3A_241 = arith.constant 80 : index
    %swap3A_242 = tpu.vector_load %arg9[%swap3A_240, %swap3A_241] {strides = array<i32>} : memref<4x128xi32, #tpu.memory_space<vmem>>, vector<1x16xi32>,
    %swap3A_243 = vector.shape_cast %swap3A_242 : vector<1x16xi32> to vector<16xi32>
    %swap3A_244 = vector.shape_cast %select_n3A_238 : vector<16xi32> to vector<1x16xi32>
    tpu.vector_store %arg9[%swap3A_240, %swap3A_241], %swap3A_244 {strides = array<i32>} : memref<4x128xi32, #tpu.memory_space<vmem>>, vector<1x16xi32>,
    %get3A_245 = arith.constant 0 : i32
    %get3A_246 = arith.index_cast %get3A_245 : i32 to index
    %get3A_247 = arith.constant 96 : index
    %get3A_248 = tpu.vector_load %arg7[%get3A_246, %get3A_247] {strides = array<i32>} : memref<4x128xi32, #tpu.memory_space<vmem>>, vector<1x16xi32>,
    %get3A_249 = vector.shape_cast %get3A_248 : vector<1x16xi32> to vector<16xi32>
    %get3A_250 = arith.constant 0 : i32
    %get3A_251 = arith.index_cast %get3A_250 : i32 to index
    %get3A_252 = arith.constant 96 : index
    %get3A_253 = tpu.vector_load %arg8[%get3A_251, %get3A_252] {strides = array<i32>} : memref<4x128xi32, #tpu.memory_space<vmem>>, vector<1x16xi32>,
    %get3A_254 = vector.shape_cast %get3A_253 : vector<1x16xi32> to vector<16xi32>
    %add3A_255 = arith.constant 0 : i32
    %add3A_256 = arith.addi %mul3A_2, %add3A_255 : i32
    %add3A_257 = arith.constant 96 : i32
    %add3A_258 = arith.addi %add3A_256, %add3A_257 : i32
    %add3A_259 = vector.broadcast %add3A_258 : i32 to vector<16xi32>
    %add3A_260 = arith.addi %add3A_259, %iota3A : vector<16xi32>
    %eq3A_261 = arith.cmpi eq, %get3A_254, %add3A_260 : vector<16xi32>
    %jit3A_262 = arith.constant 100000 : i32
    %broadcast_in_dim3A_263 = vector.broadcast %jit3A_262 : i32 to vector<16xi32>
    %select_n3A_264 = arith.select %eq3A_261, %get3A_249, %broadcast_in_dim3A_263 : vector<16xi1>, vector<16xi32>
    %swap3A_265 = arith.constant 0 : i32
    %swap3A_266 = arith.index_cast %swap3A_265 : i32 to index
    %swap3A_267 = arith.constant 96 : index
    %swap3A_268 = tpu.vector_load %arg9[%swap3A_266, %swap3A_267] {strides = array<i32>} : memref<4x128xi32, #tpu.memory_space<vmem>>, vector<1x16xi32>,
    %swap3A_269 = vector.shape_cast %swap3A_268 : vector<1x16xi32> to vector<16xi32>
    %swap3A_270 = vector.shape_cast %select_n3A_264 : vector<16xi32> to vector<1x16xi32>
    tpu.vector_store %arg9[%swap3A_266, %swap3A_267], %swap3A_270 {strides = array<i32>} : memref<4x128xi32, #tpu.memory_space<vmem>>, vector<1x16xi32>,
    %get3A_271 = arith.constant 0 : i32
    %get3A_272 = arith.index_cast %get3A_271 : i32 to index
    %get3A_273 = arith.constant 112 : index
    %get3A_274 = tpu.vector_load %arg7[%get3A_272, %get3A_273] {strides = array<i32>} : memref<4x128xi32, #tpu.memory_space<vmem>>, vector<1x16xi32>,
    %get3A_275 = vector.shape_cast %get3A_274 : vector<1x16xi32> to vector<16xi32>
    %get3A_276 = arith.constant 0 : i32
    %get3A_277 = arith.index_cast %get3A_276 : i32 to index
    %get3A_278 = arith.constant 112 : index
    %get3A_279 = tpu.vector_load %arg8[%get3A_277, %get3A_278] {strides = array<i32>} : memref<4x128xi32, #tpu.memory_space<vmem>>, vector<1x16xi32>,
    %get3A_280 = vector.shape_cast %get3A_279 : vector<1x16xi32> to vector<16xi32>
    %add3A_281 = arith.constant 0 : i32
    %add3A_282 = arith.addi %mul3A_2, %add3A_281 : i32
    %add3A_283 = arith.constant 112 : i32
    %add3A_284 = arith.addi %add3A_282, %add3A_283 : i32
    %add3A_285 = vector.broadcast %add3A_284 : i32 to vector<16xi32>
    %add3A_286 = arith.addi %add3A_285, %iota3A : vector<16xi32>
    %eq3A_287 = arith.cmpi eq, %get3A_280, %add3A_286 : vector<16xi32>
    %jit3A_288 = arith.constant 100000 : i32
    %broadcast_in_dim3A_289 = vector.broadcast %jit3A_288 : i32 to vector<16xi32>
    %select_n3A_290 = arith.select %eq3A_287, %get3A_275, %broadcast_in_dim3A_289 : vector<16xi1>, vector<16xi32>
    %swap3A_291 = arith.constant 0 : i32
    %swap3A_292 = arith.index_cast %swap3A_291 : i32 to index
    %swap3A_293 = arith.constant 112 : index
    %swap3A_294 = tpu.vector_load %arg9[%swap3A_292, %swap3A_293] {strides = array<i32>} : memref<4x128xi32, #tpu.memory_space<vmem>>, vector<1x16xi32>,
    %swap3A_295 = vector.shape_cast %swap3A_294 : vector<1x16xi32> to vector<16xi32>
    %swap3A_296 = vector.shape_cast %select_n3A_290 : vector<16xi32> to vector<1x16xi32>
    tpu.vector_store %arg9[%swap3A_292, %swap3A_293], %swap3A_296 {strides = array<i32>} : memref<4x128xi32, #tpu.memory_space<vmem>>, vector<1x16xi32>,
    %get3A_297 = arith.constant 1 : i32
    %get3A_298 = arith.index_cast %get3A_297 : i32 to index
    %get3A_299 = arith.constant 0 : index
    %get3A_300 = tpu.vector_load %arg7[%get3A_298, %get3A_299] {strides = array<i32>} : memref<4x128xi32, #tpu.memory_space<vmem>>, vector<1x16xi32>,
    %get3A_301 = vector.shape_cast %get3A_300 : vector<1x16xi32> to vector<16xi32>
    %get3A_302 = arith.constant 1 : i32
    %get3A_303 = arith.index_cast %get3A_302 : i32 to index
    %get3A_304 = arith.constant 0 : index
    %get3A_305 = tpu.vector_load %arg8[%get3A_303, %get3A_304] {strides = array<i32>} : memref<4x128xi32, #tpu.memory_space<vmem>>, vector<1x16xi32>,
    %get3A_306 = vector.shape_cast %get3A_305 : vector<1x16xi32> to vector<16xi32>
    %add3A_307 = arith.constant 128 : i32
    %add3A_308 = arith.addi %mul3A_2, %add3A_307 : i32
    %add3A_309 = arith.constant 0 : i32
    %add3A_310 = arith.addi %add3A_308, %add3A_309 : i32
    %add3A_311 = vector.broadcast %add3A_310 : i32 to vector<16xi32>
    %add3A_312 = arith.addi %add3A_311, %iota3A : vector<16xi32>
    %eq3A_313 = arith.cmpi eq, %get3A_306, %add3A_312 : vector<16xi32>
    %jit3A_314 = arith.constant 100000 : i32
    %broadcast_in_dim3A_315 = vector.broadcast %jit3A_314 : i32 to vector<16xi32>
    %select_n3A_316 = arith.select %eq3A_313, %get3A_301, %broadcast_in_dim3A_315 : vector<16xi1>, vector<16xi32>
    %swap3A_317 = arith.constant 1 : i32
    %swap3A_318 = arith.index_cast %swap3A_317 : i32 to index
    %swap3A_319 = arith.constant 0 : index
    %swap3A_320 = tpu.vector_load %arg9[%swap3A_318, %swap3A_319] {strides = array<i32>} : memref<4x128xi32, #tpu.memory_space<vmem>>, vector<1x16xi32>,
    %swap3A_321 = vector.shape_cast %swap3A_320 : vector<1x16xi32> to vector<16xi32>
    %swap3A_322 = vector.shape_cast %select_n3A_316 : vector<16xi32> to vector<1x16xi32>
    tpu.vector_store %arg9[%swap3A_318, %swap3A_319], %swap3A_322 {strides = array<i32>} : memref<4x128xi32, #tpu.memory_space<vmem>>, vector<1x16xi32>,
    %get3A_323 = arith.constant 1 : i32
    %get3A_324 = arith.index_cast %get3A_323 : i32 to index
    %get3A_325 = arith.constant 16 : index
    %get3A_326 = tpu.vector_load %arg7[%get3A_324, %get3A_325] {strides = array<i32>} : memref<4x128xi32, #tpu.memory_space<vmem>>, vector<1x16xi32>,
    %get3A_327 = vector.shape_cast %get3A_326 : vector<1x16xi32> to vector<16xi32>
    %get3A_328 = arith.constant 1 : i32
    %get3A_329 = arith.index_cast %get3A_328 : i32 to index
    %get3A_330 = arith.constant 16 : index
    %get3A_331 = tpu.vector_load %arg8[%get3A_329, %get3A_330] {strides = array<i32>} : memref<4x128xi32, #tpu.memory_space<vmem>>, vector<1x16xi32>,
    %get3A_332 = vector.shape_cast %get3A_331 : vector<1x16xi32> to vector<16xi32>
    %add3A_333 = arith.constant 128 : i32
    %add3A_334 = arith.addi %mul3A_2, %add3A_333 : i32
    %add3A_335 = arith.constant 16 : i32
    %add3A_336 = arith.addi %add3A_334, %add3A_335 : i32
    %add3A_337 = vector.broadcast %add3A_336 : i32 to vector<16xi32>
    %add3A_338 = arith.addi %add3A_337, %iota3A : vector<16xi32>
    %eq3A_339 = arith.cmpi eq, %get3A_332, %add3A_338 : vector<16xi32>
    %jit3A_340 = arith.constant 100000 : i32
    %broadcast_in_dim3A_341 = vector.broadcast %jit3A_340 : i32 to vector<16xi32>
    %select_n3A_342 = arith.select %eq3A_339, %get3A_327, %broadcast_in_dim3A_341 : vector<16xi1>, vector<16xi32>
    %swap3A_343 = arith.constant 1 : i32
    %swap3A_344 = arith.index_cast %swap3A_343 : i32 to index
    %swap3A_345 = arith.constant 16 : index
    %swap3A_346 = tpu.vector_load %arg9[%swap3A_344, %swap3A_345] {strides = array<i32>} : memref<4x128xi32, #tpu.memory_space<vmem>>, vector<1x16xi32>,
    %swap3A_347 = vector.shape_cast %swap3A_346 : vector<1x16xi32> to vector<16xi32>
    %swap3A_348 = vector.shape_cast %select_n3A_342 : vector<16xi32> to vector<1x16xi32>
    tpu.vector_store %arg9[%swap3A_344, %swap3A_345], %swap3A_348 {strides = array<i32>} : memref<4x128xi32, #tpu.memory_space<vmem>>, vector<1x16xi32>,
    %get3A_349 = arith.constant 1 : i32
    %get3A_350 = arith.index_cast %get3A_349 : i32 to index
    %get3A_351 = arith.constant 32 : index
    %get3A_352 = tpu.vector_load %arg7[%get3A_350, %get3A_351] {strides = array<i32>} : memref<4x128xi32, #tpu.memory_space<vmem>>, vector<1x16xi32>,
    %get3A_353 = vector.shape_cast %get3A_352 : vector<1x16xi32> to vector<16xi32>
    %get3A_354 = arith.constant 1 : i32
    %get3A_355 = arith.index_cast %get3A_354 : i32 to index
    %get3A_356 = arith.constant 32 : index
    %get3A_357 = tpu.vector_load %arg8[%get3A_355, %get3A_356] {strides = array<i32>} : memref<4x128xi32, #tpu.memory_space<vmem>>, vector<1x16xi32>,
    %get3A_358 = vector.shape_cast %get3A_357 : vector<1x16xi32> to vector<16xi32>
    %add3A_359 = arith.constant 128 : i32
    %add3A_360 = arith.addi %mul3A_2, %add3A_359 : i32
    %add3A_361 = arith.constant 32 : i32
    %add3A_362 = arith.addi %add3A_360, %add3A_361 : i32
    %add3A_363 = vector.broadcast %add3A_362 : i32 to vector<16xi32>
    %add3A_364 = arith.addi %add3A_363, %iota3A : vector<16xi32>
    %eq3A_365 = arith.cmpi eq, %get3A_358, %add3A_364 : vector<16xi32>
    %jit3A_366 = arith.constant 100000 : i32
    %broadcast_in_dim3A_367 = vector.broadcast %jit3A_366 : i32 to vector<16xi32>
    %select_n3A_368 = arith.select %eq3A_365, %get3A_353, %broadcast_in_dim3A_367 : vector<16xi1>, vector<16xi32>
    %swap3A_369 = arith.constant 1 : i32
    %swap3A_370 = arith.index_cast %swap3A_369 : i32 to index
    %swap3A_371 = arith.constant 32 : index
    %swap3A_372 = tpu.vector_load %arg9[%swap3A_370, %swap3A_371] {strides = array<i32>} : memref<4x128xi32, #tpu.memory_space<vmem>>, vector<1x16xi32>,
    %swap3A_373 = vector.shape_cast %swap3A_372 : vector<1x16xi32> to vector<16xi32>
    %swap3A_374 = vector.shape_cast %select_n3A_368 : vector<16xi32> to vector<1x16xi32>
    tpu.vector_store %arg9[%swap3A_370, %swap3A_371], %swap3A_374 {strides = array<i32>} : memref<4x128xi32, #tpu.memory_space<vmem>>, vector<1x16xi32>,
    %get3A_375 = arith.constant 1 : i32
    %get3A_376 = arith.index_cast %get3A_375 : i32 to index
    %get3A_377 = arith.constant 48 : index
    %get3A_378 = tpu.vector_load %arg7[%get3A_376, %get3A_377] {strides = array<i32>} : memref<4x128xi32, #tpu.memory_space<vmem>>, vector<1x16xi32>,
    %get3A_379 = vector.shape_cast %get3A_378 : vector<1x16xi32> to vector<16xi32>
    %get3A_380 = arith.constant 1 : i32
    %get3A_381 = arith.index_cast %get3A_380 : i32 to index
    %get3A_382 = arith.constant 48 : index
    %get3A_383 = tpu.vector_load %arg8[%get3A_381, %get3A_382] {strides = array<i32>} : memref<4x128xi32, #tpu.memory_space<vmem>>, vector<1x16xi32>,
    %get3A_384 = vector.shape_cast %get3A_383 : vector<1x16xi32> to vector<16xi32>
    %add3A_385 = arith.constant 128 : i32
    %add3A_386 = arith.addi %mul3A_2, %add3A_385 : i32
    %add3A_387 = arith.constant 48 : i32
    %add3A_388 = arith.addi %add3A_386, %add3A_387 : i32
    %add3A_389 = vector.broadcast %add3A_388 : i32 to vector<16xi32>
    %add3A_390 = arith.addi %add3A_389, %iota3A : vector<16xi32>
    %eq3A_391 = arith.cmpi eq, %get3A_384, %add3A_390 : vector<16xi32>
    %jit3A_392 = arith.constant 100000 : i32
    %broadcast_in_dim3A_393 = vector.broadcast %jit3A_392 : i32 to vector<16xi32>
    %select_n3A_394 = arith.select %eq3A_391, %get3A_379, %broadcast_in_dim3A_393 : vector<16xi1>, vector<16xi32>
    %swap3A_395 = arith.constant 1 : i32
    %swap3A_396 = arith.index_cast %swap3A_395 : i32 to index
    %swap3A_397 = arith.constant 48 : index
    %swap3A_398 = tpu.vector_load %arg9[%swap3A_396, %swap3A_397] {strides = array<i32>} : memref<4x128xi32, #tpu.memory_space<vmem>>, vector<1x16xi32>,
    %swap3A_399 = vector.shape_cast %swap3A_398 : vector<1x16xi32> to vector<16xi32>
    %swap3A_400 = vector.shape_cast %select_n3A_394 : vector<16xi32> to vector<1x16xi32>
    tpu.vector_store %arg9[%swap3A_396, %swap3A_397], %swap3A_400 {strides = array<i32>} : memref<4x128xi32, #tpu.memory_space<vmem>>, vector<1x16xi32>,
    %get3A_401 = arith.constant 1 : i32
    %get3A_402 = arith.index_cast %get3A_401 : i32 to index
    %get3A_403 = arith.constant 64 : index
    %get3A_404 = tpu.vector_load %arg7[%get3A_402, %get3A_403] {strides = array<i32>} : memref<4x128xi32, #tpu.memory_space<vmem>>, vector<1x16xi32>,
    %get3A_405 = vector.shape_cast %get3A_404 : vector<1x16xi32> to vector<16xi32>
    %get3A_406 = arith.constant 1 : i32
    %get3A_407 = arith.index_cast %get3A_406 : i32 to index
    %get3A_408 = arith.constant 64 : index
    %get3A_409 = tpu.vector_load %arg8[%get3A_407, %get3A_408] {strides = array<i32>} : memref<4x128xi32, #tpu.memory_space<vmem>>, vector<1x16xi32>,
    %get3A_410 = vector.shape_cast %get3A_409 : vector<1x16xi32> to vector<16xi32>
    %add3A_411 = arith.constant 128 : i32
    %add3A_412 = arith.addi %mul3A_2, %add3A_411 : i32
    %add3A_413 = arith.constant 64 : i32
    %add3A_414 = arith.addi %add3A_412, %add3A_413 : i32
    %add3A_415 = vector.broadcast %add3A_414 : i32 to vector<16xi32>
    %add3A_416 = arith.addi %add3A_415, %iota3A : vector<16xi32>
    %eq3A_417 = arith.cmpi eq, %get3A_410, %add3A_416 : vector<16xi32>
    %jit3A_418 = arith.constant 100000 : i32
    %broadcast_in_dim3A_419 = vector.broadcast %jit3A_418 : i32 to vector<16xi32>
    %select_n3A_420 = arith.select %eq3A_417, %get3A_405, %broadcast_in_dim3A_419 : vector<16xi1>, vector<16xi32>
    %swap3A_421 = arith.constant 1 : i32
    %swap3A_422 = arith.index_cast %swap3A_421 : i32 to index
    %swap3A_423 = arith.constant 64 : index
    %swap3A_424 = tpu.vector_load %arg9[%swap3A_422, %swap3A_423] {strides = array<i32>} : memref<4x128xi32, #tpu.memory_space<vmem>>, vector<1x16xi32>,
    %swap3A_425 = vector.shape_cast %swap3A_424 : vector<1x16xi32> to vector<16xi32>
    %swap3A_426 = vector.shape_cast %select_n3A_420 : vector<16xi32> to vector<1x16xi32>
    tpu.vector_store %arg9[%swap3A_422, %swap3A_423], %swap3A_426 {strides = array<i32>} : memref<4x128xi32, #tpu.memory_space<vmem>>, vector<1x16xi32>,
    %get3A_427 = arith.constant 1 : i32
    %get3A_428 = arith.index_cast %get3A_427 : i32 to index
    %get3A_429 = arith.constant 80 : index
    %get3A_430 = tpu.vector_load %arg7[%get3A_428, %get3A_429] {strides = array<i32>} : memref<4x128xi32, #tpu.memory_space<vmem>>, vector<1x16xi32>,
    %get3A_431 = vector.shape_cast %get3A_430 : vector<1x16xi32> to vector<16xi32>
    %get3A_432 = arith.constant 1 : i32
    %get3A_433 = arith.index_cast %get3A_432 : i32 to index
    %get3A_434 = arith.constant 80 : index
    %get3A_435 = tpu.vector_load %arg8[%get3A_433, %get3A_434] {strides = array<i32>} : memref<4x128xi32, #tpu.memory_space<vmem>>, vector<1x16xi32>,
    %get3A_436 = vector.shape_cast %get3A_435 : vector<1x16xi32> to vector<16xi32>
    %add3A_437 = arith.constant 128 : i32
    %add3A_438 = arith.addi %mul3A_2, %add3A_437 : i32
    %add3A_439 = arith.constant 80 : i32
    %add3A_440 = arith.addi %add3A_438, %add3A_439 : i32
    %add3A_441 = vector.broadcast %add3A_440 : i32 to vector<16xi32>
    %add3A_442 = arith.addi %add3A_441, %iota3A : vector<16xi32>
    %eq3A_443 = arith.cmpi eq, %get3A_436, %add3A_442 : vector<16xi32>
    %jit3A_444 = arith.constant 100000 : i32
    %broadcast_in_dim3A_445 = vector.broadcast %jit3A_444 : i32 to vector<16xi32>
    %select_n3A_446 = arith.select %eq3A_443, %get3A_431, %broadcast_in_dim3A_445 : vector<16xi1>, vector<16xi32>
    %swap3A_447 = arith.constant 1 : i32
    %swap3A_448 = arith.index_cast %swap3A_447 : i32 to index
    %swap3A_449 = arith.constant 80 : index
    %swap3A_450 = tpu.vector_load %arg9[%swap3A_448, %swap3A_449] {strides = array<i32>} : memref<4x128xi32, #tpu.memory_space<vmem>>, vector<1x16xi32>,
    %swap3A_451 = vector.shape_cast %swap3A_450 : vector<1x16xi32> to vector<16xi32>
    %swap3A_452 = vector.shape_cast %select_n3A_446 : vector<16xi32> to vector<1x16xi32>
    tpu.vector_store %arg9[%swap3A_448, %swap3A_449], %swap3A_452 {strides = array<i32>} : memref<4x128xi32, #tpu.memory_space<vmem>>, vector<1x16xi32>,
    %get3A_453 = arith.constant 1 : i32
    %get3A_454 = arith.index_cast %get3A_453 : i32 to index
    %get3A_455 = arith.constant 96 : index
    %get3A_456 = tpu.vector_load %arg7[%get3A_454, %get3A_455] {strides = array<i32>} : memref<4x128xi32, #tpu.memory_space<vmem>>, vector<1x16xi32>,
    %get3A_457 = vector.shape_cast %get3A_456 : vector<1x16xi32> to vector<16xi32>
    %get3A_458 = arith.constant 1 : i32
    %get3A_459 = arith.index_cast %get3A_458 : i32 to index
    %get3A_460 = arith.constant 96 : index
    %get3A_461 = tpu.vector_load %arg8[%get3A_459, %get3A_460] {strides = array<i32>} : memref<4x128xi32, #tpu.memory_space<vmem>>, vector<1x16xi32>,
    %get3A_462 = vector.shape_cast %get3A_461 : vector<1x16xi32> to vector<16xi32>
    %add3A_463 = arith.constant 128 : i32
    %add3A_464 = arith.addi %mul3A_2, %add3A_463 : i32
    %add3A_465 = arith.constant 96 : i32
    %add3A_466 = arith.addi %add3A_464, %add3A_465 : i32
    %add3A_467 = vector.broadcast %add3A_466 : i32 to vector<16xi32>
    %add3A_468 = arith.addi %add3A_467, %iota3A : vector<16xi32>
    %eq3A_469 = arith.cmpi eq, %get3A_462, %add3A_468 : vector<16xi32>
    %jit3A_470 = arith.constant 100000 : i32
    %broadcast_in_dim3A_471 = vector.broadcast %jit3A_470 : i32 to vector<16xi32>
    %select_n3A_472 = arith.select %eq3A_469, %get3A_457, %broadcast_in_dim3A_471 : vector<16xi1>, vector<16xi32>
    %swap3A_473 = arith.constant 1 : i32
    %swap3A_474 = arith.index_cast %swap3A_473 : i32 to index
    %swap3A_475 = arith.constant 96 : index
    %swap3A_476 = tpu.vector_load %arg9[%swap3A_474, %swap3A_475] {strides = array<i32>} : memref<4x128xi32, #tpu.memory_space<vmem>>, vector<1x16xi32>,
    %swap3A_477 = vector.shape_cast %swap3A_476 : vector<1x16xi32> to vector<16xi32>
    %swap3A_478 = vector.shape_cast %select_n3A_472 : vector<16xi32> to vector<1x16xi32>
    tpu.vector_store %arg9[%swap3A_474, %swap3A_475], %swap3A_478 {strides = array<i32>} : memref<4x128xi32, #tpu.memory_space<vmem>>, vector<1x16xi32>,
    %get3A_479 = arith.constant 1 : i32
    %get3A_480 = arith.index_cast %get3A_479 : i32 to index
    %get3A_481 = arith.constant 112 : index
    %get3A_482 = tpu.vector_load %arg7[%get3A_480, %get3A_481] {strides = array<i32>} : memref<4x128xi32, #tpu.memory_space<vmem>>, vector<1x16xi32>,
    %get3A_483 = vector.shape_cast %get3A_482 : vector<1x16xi32> to vector<16xi32>
    %get3A_484 = arith.constant 1 : i32
    %get3A_485 = arith.index_cast %get3A_484 : i32 to index
    %get3A_486 = arith.constant 112 : index
    %get3A_487 = tpu.vector_load %arg8[%get3A_485, %get3A_486] {strides = array<i32>} : memref<4x128xi32, #tpu.memory_space<vmem>>, vector<1x16xi32>,
    %get3A_488 = vector.shape_cast %get3A_487 : vector<1x16xi32> to vector<16xi32>
    %add3A_489 = arith.constant 128 : i32
    %add3A_490 = arith.addi %mul3A_2, %add3A_489 : i32
    %add3A_491 = arith.constant 112 : i32
    %add3A_492 = arith.addi %add3A_490, %add3A_491 : i32
    %add3A_493 = vector.broadcast %add3A_492 : i32 to vector<16xi32>
    %add3A_494 = arith.addi %add3A_493, %iota3A : vector<16xi32>
    %eq3A_495 = arith.cmpi eq, %get3A_488, %add3A_494 : vector<16xi32>
    %jit3A_496 = arith.constant 100000 : i32
    %broadcast_in_dim3A_497 = vector.broadcast %jit3A_496 : i32 to vector<16xi32>
    %select_n3A_498 = arith.select %eq3A_495, %get3A_483, %broadcast_in_dim3A_497 : vector<16xi1>, vector<16xi32>
    %swap3A_499 = arith.constant 1 : i32
    %swap3A_500 = arith.index_cast %swap3A_499 : i32 to index
    %swap3A_501 = arith.constant 112 : index
    %swap3A_502 = tpu.vector_load %arg9[%swap3A_500, %swap3A_501] {strides = array<i32>} : memref<4x128xi32, #tpu.memory_space<vmem>>, vector<1x16xi32>,
    %swap3A_503 = vector.shape_cast %swap3A_502 : vector<1x16xi32> to vector<16xi32>
    %swap3A_504 = vector.shape_cast %select_n3A_498 : vector<16xi32> to vector<1x16xi32>
    tpu.vector_store %arg9[%swap3A_500, %swap3A_501], %swap3A_504 {strides = array<i32>} : memref<4x128xi32, #tpu.memory_space<vmem>>, vector<1x16xi32>,
    %get3A_505 = arith.constant 2 : i32
    %get3A_506 = arith.index_cast %get3A_505 : i32 to index
    %get3A_507 = arith.constant 0 : index
    %get3A_508 = tpu.vector_load %arg7[%get3A_506, %get3A_507] {strides = array<i32>} : memref<4x128xi32, #tpu.memory_space<vmem>>, vector<1x16xi32>,
    %get3A_509 = vector.shape_cast %get3A_508 : vector<1x16xi32> to vector<16xi32>
    %get3A_510 = arith.constant 2 : i32
    %get3A_511 = arith.index_cast %get3A_510 : i32 to index
    %get3A_512 = arith.constant 0 : index
    %get3A_513 = tpu.vector_load %arg8[%get3A_511, %get3A_512] {strides = array<i32>} : memref<4x128xi32, #tpu.memory_space<vmem>>, vector<1x16xi32>,
    %get3A_514 = vector.shape_cast %get3A_513 : vector<1x16xi32> to vector<16xi32>
    %add3A_515 = arith.constant 256 : i32
    %add3A_516 = arith.addi %mul3A_2, %add3A_515 : i32
    %add3A_517 = arith.constant 0 : i32
    %add3A_518 = arith.addi %add3A_516, %add3A_517 : i32
    %add3A_519 = vector.broadcast %add3A_518 : i32 to vector<16xi32>
    %add3A_520 = arith.addi %add3A_519, %iota3A : vector<16xi32>
    %eq3A_521 = arith.cmpi eq, %get3A_514, %add3A_520 : vector<16xi32>
    %jit3A_522 = arith.constant 100000 : i32
    %broadcast_in_dim3A_523 = vector.broadcast %jit3A_522 : i32 to vector<16xi32>
    %select_n3A_524 = arith.select %eq3A_521, %get3A_509, %broadcast_in_dim3A_523 : vector<16xi1>, vector<16xi32>
    %swap3A_525 = arith.constant 2 : i32
    %swap3A_526 = arith.index_cast %swap3A_525 : i32 to index
    %swap3A_527 = arith.constant 0 : index
    %swap3A_528 = tpu.vector_load %arg9[%swap3A_526, %swap3A_527] {strides = array<i32>} : memref<4x128xi32, #tpu.memory_space<vmem>>, vector<1x16xi32>,
    %swap3A_529 = vector.shape_cast %swap3A_528 : vector<1x16xi32> to vector<16xi32>
    %swap3A_530 = vector.shape_cast %select_n3A_524 : vector<16xi32> to vector<1x16xi32>
    tpu.vector_store %arg9[%swap3A_526, %swap3A_527], %swap3A_530 {strides = array<i32>} : memref<4x128xi32, #tpu.memory_space<vmem>>, vector<1x16xi32>,
    %get3A_531 = arith.constant 2 : i32
    %get3A_532 = arith.index_cast %get3A_531 : i32 to index
    %get3A_533 = arith.constant 16 : index
    %get3A_534 = tpu.vector_load %arg7[%get3A_532, %get3A_533] {strides = array<i32>} : memref<4x128xi32, #tpu.memory_space<vmem>>, vector<1x16xi32>,
    %get3A_535 = vector.shape_cast %get3A_534 : vector<1x16xi32> to vector<16xi32>
    %get3A_536 = arith.constant 2 : i32
    %get3A_537 = arith.index_cast %get3A_536 : i32 to index
    %get3A_538 = arith.constant 16 : index
    %get3A_539 = tpu.vector_load %arg8[%get3A_537, %get3A_538] {strides = array<i32>} : memref<4x128xi32, #tpu.memory_space<vmem>>, vector<1x16xi32>,
    %get3A_540 = vector.shape_cast %get3A_539 : vector<1x16xi32> to vector<16xi32>
    %add3A_541 = arith.constant 256 : i32
    %add3A_542 = arith.addi %mul3A_2, %add3A_541 : i32
    %add3A_543 = arith.constant 16 : i32
    %add3A_544 = arith.addi %add3A_542, %add3A_543 : i32
    %add3A_545 = vector.broadcast %add3A_544 : i32 to vector<16xi32>
    %add3A_546 = arith.addi %add3A_545, %iota3A : vector<16xi32>
    %eq3A_547 = arith.cmpi eq, %get3A_540, %add3A_546 : vector<16xi32>
    %jit3A_548 = arith.constant 100000 : i32
    %broadcast_in_dim3A_549 = vector.broadcast %jit3A_548 : i32 to vector<16xi32>
    %select_n3A_550 = arith.select %eq3A_547, %get3A_535, %broadcast_in_dim3A_549 : vector<16xi1>, vector<16xi32>
    %swap3A_551 = arith.constant 2 : i32
    %swap3A_552 = arith.index_cast %swap3A_551 : i32 to index
    %swap3A_553 = arith.constant 16 : index
    %swap3A_554 = tpu.vector_load %arg9[%swap3A_552, %swap3A_553] {strides = array<i32>} : memref<4x128xi32, #tpu.memory_space<vmem>>, vector<1x16xi32>,
    %swap3A_555 = vector.shape_cast %swap3A_554 : vector<1x16xi32> to vector<16xi32>
    %swap3A_556 = vector.shape_cast %select_n3A_550 : vector<16xi32> to vector<1x16xi32>
    tpu.vector_store %arg9[%swap3A_552, %swap3A_553], %swap3A_556 {strides = array<i32>} : memref<4x128xi32, #tpu.memory_space<vmem>>, vector<1x16xi32>,
    %get3A_557 = arith.constant 2 : i32
    %get3A_558 = arith.index_cast %get3A_557 : i32 to index
    %get3A_559 = arith.constant 32 : index
    %get3A_560 = tpu.vector_load %arg7[%get3A_558, %get3A_559] {strides = array<i32>} : memref<4x128xi32, #tpu.memory_space<vmem>>, vector<1x16xi32>,
    %get3A_561 = vector.shape_cast %get3A_560 : vector<1x16xi32> to vector<16xi32>
    %get3A_562 = arith.constant 2 : i32
    %get3A_563 = arith.index_cast %get3A_562 : i32 to index
    %get3A_564 = arith.constant 32 : index
    %get3A_565 = tpu.vector_load %arg8[%get3A_563, %get3A_564] {strides = array<i32>} : memref<4x128xi32, #tpu.memory_space<vmem>>, vector<1x16xi32>,
    %get3A_566 = vector.shape_cast %get3A_565 : vector<1x16xi32> to vector<16xi32>
    %add3A_567 = arith.constant 256 : i32
    %add3A_568 = arith.addi %mul3A_2, %add3A_567 : i32
    %add3A_569 = arith.constant 32 : i32
    %add3A_570 = arith.addi %add3A_568, %add3A_569 : i32
    %add3A_571 = vector.broadcast %add3A_570 : i32 to vector<16xi32>
    %add3A_572 = arith.addi %add3A_571, %iota3A : vector<16xi32>
    %eq3A_573 = arith.cmpi eq, %get3A_566, %add3A_572 : vector<16xi32>
    %jit3A_574 = arith.constant 100000 : i32
    %broadcast_in_dim3A_575 = vector.broadcast %jit3A_574 : i32 to vector<16xi32>
    %select_n3A_576 = arith.select %eq3A_573, %get3A_561, %broadcast_in_dim3A_575 : vector<16xi1>, vector<16xi32>
    %swap3A_577 = arith.constant 2 : i32
    %swap3A_578 = arith.index_cast %swap3A_577 : i32 to index
    %swap3A_579 = arith.constant 32 : index
    %swap3A_580 = tpu.vector_load %arg9[%swap3A_578, %swap3A_579] {strides = array<i32>} : memref<4x128xi32, #tpu.memory_space<vmem>>, vector<1x16xi32>,
    %swap3A_581 = vector.shape_cast %swap3A_580 : vector<1x16xi32> to vector<16xi32>
    %swap3A_582 = vector.shape_cast %select_n3A_576 : vector<16xi32> to vector<1x16xi32>
    tpu.vector_store %arg9[%swap3A_578, %swap3A_579], %swap3A_582 {strides = array<i32>} : memref<4x128xi32, #tpu.memory_space<vmem>>, vector<1x16xi32>,
    %get3A_583 = arith.constant 2 : i32
    %get3A_584 = arith.index_cast %get3A_583 : i32 to index
    %get3A_585 = arith.constant 48 : index
    %get3A_586 = tpu.vector_load %arg7[%get3A_584, %get3A_585] {strides = array<i32>} : memref<4x128xi32, #tpu.memory_space<vmem>>, vector<1x16xi32>,
    %get3A_587 = vector.shape_cast %get3A_586 : vector<1x16xi32> to vector<16xi32>
    %get3A_588 = arith.constant 2 : i32
    %get3A_589 = arith.index_cast %get3A_588 : i32 to index
    %get3A_590 = arith.constant 48 : index
    %get3A_591 = tpu.vector_load %arg8[%get3A_589, %get3A_590] {strides = array<i32>} : memref<4x128xi32, #tpu.memory_space<vmem>>, vector<1x16xi32>,
    %get3A_592 = vector.shape_cast %get3A_591 : vector<1x16xi32> to vector<16xi32>
    %add3A_593 = arith.constant 256 : i32
    %add3A_594 = arith.addi %mul3A_2, %add3A_593 : i32
    %add3A_595 = arith.constant 48 : i32
    %add3A_596 = arith.addi %add3A_594, %add3A_595 : i32
    %add3A_597 = vector.broadcast %add3A_596 : i32 to vector<16xi32>
    %add3A_598 = arith.addi %add3A_597, %iota3A : vector<16xi32>
    %eq3A_599 = arith.cmpi eq, %get3A_592, %add3A_598 : vector<16xi32>
    %jit3A_600 = arith.constant 100000 : i32
    %broadcast_in_dim3A_601 = vector.broadcast %jit3A_600 : i32 to vector<16xi32>
    %select_n3A_602 = arith.select %eq3A_599, %get3A_587, %broadcast_in_dim3A_601 : vector<16xi1>, vector<16xi32>
    %swap3A_603 = arith.constant 2 : i32
    %swap3A_604 = arith.index_cast %swap3A_603 : i32 to index
    %swap3A_605 = arith.constant 48 : index
    %swap3A_606 = tpu.vector_load %arg9[%swap3A_604, %swap3A_605] {strides = array<i32>} : memref<4x128xi32, #tpu.memory_space<vmem>>, vector<1x16xi32>,
    %swap3A_607 = vector.shape_cast %swap3A_606 : vector<1x16xi32> to vector<16xi32>
    %swap3A_608 = vector.shape_cast %select_n3A_602 : vector<16xi32> to vector<1x16xi32>
    tpu.vector_store %arg9[%swap3A_604, %swap3A_605], %swap3A_608 {strides = array<i32>} : memref<4x128xi32, #tpu.memory_space<vmem>>, vector<1x16xi32>,
    %get3A_609 = arith.constant 2 : i32
    %get3A_610 = arith.index_cast %get3A_609 : i32 to index
    %get3A_611 = arith.constant 64 : index
    %get3A_612 = tpu.vector_load %arg7[%get3A_610, %get3A_611] {strides = array<i32>} : memref<4x128xi32, #tpu.memory_space<vmem>>, vector<1x16xi32>,
    %get3A_613 = vector.shape_cast %get3A_612 : vector<1x16xi32> to vector<16xi32>
    %get3A_614 = arith.constant 2 : i32
    %get3A_615 = arith.index_cast %get3A_614 : i32 to index
    %get3A_616 = arith.constant 64 : index
    %get3A_617 = tpu.vector_load %arg8[%get3A_615, %get3A_616] {strides = array<i32>} : memref<4x128xi32, #tpu.memory_space<vmem>>, vector<1x16xi32>,
    %get3A_618 = vector.shape_cast %get3A_617 : vector<1x16xi32> to vector<16xi32>
    %add3A_619 = arith.constant 256 : i32
    %add3A_620 = arith.addi %mul3A_2, %add3A_619 : i32
    %add3A_621 = arith.constant 64 : i32
    %add3A_622 = arith.addi %add3A_620, %add3A_621 : i32
    %add3A_623 = vector.broadcast %add3A_622 : i32 to vector<16xi32>
    %add3A_624 = arith.addi %add3A_623, %iota3A : vector<16xi32>
    %eq3A_625 = arith.cmpi eq, %get3A_618, %add3A_624 : vector<16xi32>
    %jit3A_626 = arith.constant 100000 : i32
    %broadcast_in_dim3A_627 = vector.broadcast %jit3A_626 : i32 to vector<16xi32>
    %select_n3A_628 = arith.select %eq3A_625, %get3A_613, %broadcast_in_dim3A_627 : vector<16xi1>, vector<16xi32>
    %swap3A_629 = arith.constant 2 : i32
    %swap3A_630 = arith.index_cast %swap3A_629 : i32 to index
    %swap3A_631 = arith.constant 64 : index
    %swap3A_632 = tpu.vector_load %arg9[%swap3A_630, %swap3A_631] {strides = array<i32>} : memref<4x128xi32, #tpu.memory_space<vmem>>, vector<1x16xi32>,
    %swap3A_633 = vector.shape_cast %swap3A_632 : vector<1x16xi32> to vector<16xi32>
    %swap3A_634 = vector.shape_cast %select_n3A_628 : vector<16xi32> to vector<1x16xi32>
    tpu.vector_store %arg9[%swap3A_630, %swap3A_631], %swap3A_634 {strides = array<i32>} : memref<4x128xi32, #tpu.memory_space<vmem>>, vector<1x16xi32>,
    %get3A_635 = arith.constant 2 : i32
    %get3A_636 = arith.index_cast %get3A_635 : i32 to index
    %get3A_637 = arith.constant 80 : index
    %get3A_638 = tpu.vector_load %arg7[%get3A_636, %get3A_637] {strides = array<i32>} : memref<4x128xi32, #tpu.memory_space<vmem>>, vector<1x16xi32>,
    %get3A_639 = vector.shape_cast %get3A_638 : vector<1x16xi32> to vector<16xi32>
    %get3A_640 = arith.constant 2 : i32
    %get3A_641 = arith.index_cast %get3A_640 : i32 to index
    %get3A_642 = arith.constant 80 : index
    %get3A_643 = tpu.vector_load %arg8[%get3A_641, %get3A_642] {strides = array<i32>} : memref<4x128xi32, #tpu.memory_space<vmem>>, vector<1x16xi32>,
    %get3A_644 = vector.shape_cast %get3A_643 : vector<1x16xi32> to vector<16xi32>
    %add3A_645 = arith.constant 256 : i32
    %add3A_646 = arith.addi %mul3A_2, %add3A_645 : i32
    %add3A_647 = arith.constant 80 : i32
    %add3A_648 = arith.addi %add3A_646, %add3A_647 : i32
    %add3A_649 = vector.broadcast %add3A_648 : i32 to vector<16xi32>
    %add3A_650 = arith.addi %add3A_649, %iota3A : vector<16xi32>
    %eq3A_651 = arith.cmpi eq, %get3A_644, %add3A_650 : vector<16xi32>
    %jit3A_652 = arith.constant 100000 : i32
    %broadcast_in_dim3A_653 = vector.broadcast %jit3A_652 : i32 to vector<16xi32>
    %select_n3A_654 = arith.select %eq3A_651, %get3A_639, %broadcast_in_dim3A_653 : vector<16xi1>, vector<16xi32>
    %swap3A_655 = arith.constant 2 : i32
    %swap3A_656 = arith.index_cast %swap3A_655 : i32 to index
    %swap3A_657 = arith.constant 80 : index
    %swap3A_658 = tpu.vector_load %arg9[%swap3A_656, %swap3A_657] {strides = array<i32>} : memref<4x128xi32, #tpu.memory_space<vmem>>, vector<1x16xi32>,
    %swap3A_659 = vector.shape_cast %swap3A_658 : vector<1x16xi32> to vector<16xi32>
    %swap3A_660 = vector.shape_cast %select_n3A_654 : vector<16xi32> to vector<1x16xi32>
    tpu.vector_store %arg9[%swap3A_656, %swap3A_657], %swap3A_660 {strides = array<i32>} : memref<4x128xi32, #tpu.memory_space<vmem>>, vector<1x16xi32>,
    %get3A_661 = arith.constant 2 : i32
    %get3A_662 = arith.index_cast %get3A_661 : i32 to index
    %get3A_663 = arith.constant 96 : index
    %get3A_664 = tpu.vector_load %arg7[%get3A_662, %get3A_663] {strides = array<i32>} : memref<4x128xi32, #tpu.memory_space<vmem>>, vector<1x16xi32>,
    %get3A_665 = vector.shape_cast %get3A_664 : vector<1x16xi32> to vector<16xi32>
    %get3A_666 = arith.constant 2 : i32
    %get3A_667 = arith.index_cast %get3A_666 : i32 to index
    %get3A_668 = arith.constant 96 : index
    %get3A_669 = tpu.vector_load %arg8[%get3A_667, %get3A_668] {strides = array<i32>} : memref<4x128xi32, #tpu.memory_space<vmem>>, vector<1x16xi32>,
    %get3A_670 = vector.shape_cast %get3A_669 : vector<1x16xi32> to vector<16xi32>
    %add3A_671 = arith.constant 256 : i32
    %add3A_672 = arith.addi %mul3A_2, %add3A_671 : i32
    %add3A_673 = arith.constant 96 : i32
    %add3A_674 = arith.addi %add3A_672, %add3A_673 : i32
    %add3A_675 = vector.broadcast %add3A_674 : i32 to vector<16xi32>
    %add3A_676 = arith.addi %add3A_675, %iota3A : vector<16xi32>
    %eq3A_677 = arith.cmpi eq, %get3A_670, %add3A_676 : vector<16xi32>
    %jit3A_678 = arith.constant 100000 : i32
    %broadcast_in_dim3A_679 = vector.broadcast %jit3A_678 : i32 to vector<16xi32>
    %select_n3A_680 = arith.select %eq3A_677, %get3A_665, %broadcast_in_dim3A_679 : vector<16xi1>, vector<16xi32>
    %swap3A_681 = arith.constant 2 : i32
    %swap3A_682 = arith.index_cast %swap3A_681 : i32 to index
    %swap3A_683 = arith.constant 96 : index
    %swap3A_684 = tpu.vector_load %arg9[%swap3A_682, %swap3A_683] {strides = array<i32>} : memref<4x128xi32, #tpu.memory_space<vmem>>, vector<1x16xi32>,
    %swap3A_685 = vector.shape_cast %swap3A_684 : vector<1x16xi32> to vector<16xi32>
    %swap3A_686 = vector.shape_cast %select_n3A_680 : vector<16xi32> to vector<1x16xi32>
    tpu.vector_store %arg9[%swap3A_682, %swap3A_683], %swap3A_686 {strides = array<i32>} : memref<4x128xi32, #tpu.memory_space<vmem>>, vector<1x16xi32>,
    %get3A_687 = arith.constant 2 : i32
    %get3A_688 = arith.index_cast %get3A_687 : i32 to index
    %get3A_689 = arith.constant 112 : index
    %get3A_690 = tpu.vector_load %arg7[%get3A_688, %get3A_689] {strides = array<i32>} : memref<4x128xi32, #tpu.memory_space<vmem>>, vector<1x16xi32>,
    %get3A_691 = vector.shape_cast %get3A_690 : vector<1x16xi32> to vector<16xi32>
    %get3A_692 = arith.constant 2 : i32
    %get3A_693 = arith.index_cast %get3A_692 : i32 to index
    %get3A_694 = arith.constant 112 : index
    %get3A_695 = tpu.vector_load %arg8[%get3A_693, %get3A_694] {strides = array<i32>} : memref<4x128xi32, #tpu.memory_space<vmem>>, vector<1x16xi32>,
    %get3A_696 = vector.shape_cast %get3A_695 : vector<1x16xi32> to vector<16xi32>
    %add3A_697 = arith.constant 256 : i32
    %add3A_698 = arith.addi %mul3A_2, %add3A_697 : i32
    %add3A_699 = arith.constant 112 : i32
    %add3A_700 = arith.addi %add3A_698, %add3A_699 : i32
    %add3A_701 = vector.broadcast %add3A_700 : i32 to vector<16xi32>
    %add3A_702 = arith.addi %add3A_701, %iota3A : vector<16xi32>
    %eq3A_703 = arith.cmpi eq, %get3A_696, %add3A_702 : vector<16xi32>
    %jit3A_704 = arith.constant 100000 : i32
    %broadcast_in_dim3A_705 = vector.broadcast %jit3A_704 : i32 to vector<16xi32>
    %select_n3A_706 = arith.select %eq3A_703, %get3A_691, %broadcast_in_dim3A_705 : vector<16xi1>, vector<16xi32>
    %swap3A_707 = arith.constant 2 : i32
    %swap3A_708 = arith.index_cast %swap3A_707 : i32 to index
    %swap3A_709 = arith.constant 112 : index
    %swap3A_710 = tpu.vector_load %arg9[%swap3A_708, %swap3A_709] {strides = array<i32>} : memref<4x128xi32, #tpu.memory_space<vmem>>, vector<1x16xi32>,
    %swap3A_711 = vector.shape_cast %swap3A_710 : vector<1x16xi32> to vector<16xi32>
    %swap3A_712 = vector.shape_cast %select_n3A_706 : vector<16xi32> to vector<1x16xi32>
    tpu.vector_store %arg9[%swap3A_708, %swap3A_709], %swap3A_712 {strides = array<i32>} : memref<4x128xi32, #tpu.memory_space<vmem>>, vector<1x16xi32>,
    %get3A_713 = arith.constant 3 : i32
    %get3A_714 = arith.index_cast %get3A_713 : i32 to index
    %get3A_715 = arith.constant 0 : index
    %get3A_716 = tpu.vector_load %arg7[%get3A_714, %get3A_715] {strides = array<i32>} : memref<4x128xi32, #tpu.memory_space<vmem>>, vector<1x16xi32>,
    %get3A_717 = vector.shape_cast %get3A_716 : vector<1x16xi32> to vector<16xi32>
    %get3A_718 = arith.constant 3 : i32
    %get3A_719 = arith.index_cast %get3A_718 : i32 to index
    %get3A_720 = arith.constant 0 : index
    %get3A_721 = tpu.vector_load %arg8[%get3A_719, %get3A_720] {strides = array<i32>} : memref<4x128xi32, #tpu.memory_space<vmem>>, vector<1x16xi32>,
    %get3A_722 = vector.shape_cast %get3A_721 : vector<1x16xi32> to vector<16xi32>
    %add3A_723 = arith.constant 384 : i32
    %add3A_724 = arith.addi %mul3A_2, %add3A_723 : i32
    %add3A_725 = arith.constant 0 : i32
    %add3A_726 = arith.addi %add3A_724, %add3A_725 : i32
    %add3A_727 = vector.broadcast %add3A_726 : i32 to vector<16xi32>
    %add3A_728 = arith.addi %add3A_727, %iota3A : vector<16xi32>
    %eq3A_729 = arith.cmpi eq, %get3A_722, %add3A_728 : vector<16xi32>
    %jit3A_730 = arith.constant 100000 : i32
    %broadcast_in_dim3A_731 = vector.broadcast %jit3A_730 : i32 to vector<16xi32>
    %select_n3A_732 = arith.select %eq3A_729, %get3A_717, %broadcast_in_dim3A_731 : vector<16xi1>, vector<16xi32>
    %swap3A_733 = arith.constant 3 : i32
    %swap3A_734 = arith.index_cast %swap3A_733 : i32 to index
    %swap3A_735 = arith.constant 0 : index
    %swap3A_736 = tpu.vector_load %arg9[%swap3A_734, %swap3A_735] {strides = array<i32>} : memref<4x128xi32, #tpu.memory_space<vmem>>, vector<1x16xi32>,
    %swap3A_737 = vector.shape_cast %swap3A_736 : vector<1x16xi32> to vector<16xi32>
    %swap3A_738 = vector.shape_cast %select_n3A_732 : vector<16xi32> to vector<1x16xi32>
    tpu.vector_store %arg9[%swap3A_734, %swap3A_735], %swap3A_738 {strides = array<i32>} : memref<4x128xi32, #tpu.memory_space<vmem>>, vector<1x16xi32>,
    %get3A_739 = arith.constant 3 : i32
    %get3A_740 = arith.index_cast %get3A_739 : i32 to index
    %get3A_741 = arith.constant 16 : index
    %get3A_742 = tpu.vector_load %arg7[%get3A_740, %get3A_741] {strides = array<i32>} : memref<4x128xi32, #tpu.memory_space<vmem>>, vector<1x16xi32>,
    %get3A_743 = vector.shape_cast %get3A_742 : vector<1x16xi32> to vector<16xi32>
    %get3A_744 = arith.constant 3 : i32
    %get3A_745 = arith.index_cast %get3A_744 : i32 to index
    %get3A_746 = arith.constant 16 : index
    %get3A_747 = tpu.vector_load %arg8[%get3A_745, %get3A_746] {strides = array<i32>} : memref<4x128xi32, #tpu.memory_space<vmem>>, vector<1x16xi32>,
    %get3A_748 = vector.shape_cast %get3A_747 : vector<1x16xi32> to vector<16xi32>
    %add3A_749 = arith.constant 384 : i32
    %add3A_750 = arith.addi %mul3A_2, %add3A_749 : i32
    %add3A_751 = arith.constant 16 : i32
    %add3A_752 = arith.addi %add3A_750, %add3A_751 : i32
    %add3A_753 = vector.broadcast %add3A_752 : i32 to vector<16xi32>
    %add3A_754 = arith.addi %add3A_753, %iota3A : vector<16xi32>
    %eq3A_755 = arith.cmpi eq, %get3A_748, %add3A_754 : vector<16xi32>
    %jit3A_756 = arith.constant 100000 : i32
    %broadcast_in_dim3A_757 = vector.broadcast %jit3A_756 : i32 to vector<16xi32>
    %select_n3A_758 = arith.select %eq3A_755, %get3A_743, %broadcast_in_dim3A_757 : vector<16xi1>, vector<16xi32>
    %swap3A_759 = arith.constant 3 : i32
    %swap3A_760 = arith.index_cast %swap3A_759 : i32 to index
    %swap3A_761 = arith.constant 16 : index
    %swap3A_762 = tpu.vector_load %arg9[%swap3A_760, %swap3A_761] {strides = array<i32>} : memref<4x128xi32, #tpu.memory_space<vmem>>, vector<1x16xi32>,
    %swap3A_763 = vector.shape_cast %swap3A_762 : vector<1x16xi32> to vector<16xi32>
    %swap3A_764 = vector.shape_cast %select_n3A_758 : vector<16xi32> to vector<1x16xi32>
    tpu.vector_store %arg9[%swap3A_760, %swap3A_761], %swap3A_764 {strides = array<i32>} : memref<4x128xi32, #tpu.memory_space<vmem>>, vector<1x16xi32>,
    %get3A_765 = arith.constant 3 : i32
    %get3A_766 = arith.index_cast %get3A_765 : i32 to index
    %get3A_767 = arith.constant 32 : index
    %get3A_768 = tpu.vector_load %arg7[%get3A_766, %get3A_767] {strides = array<i32>} : memref<4x128xi32, #tpu.memory_space<vmem>>, vector<1x16xi32>,
    %get3A_769 = vector.shape_cast %get3A_768 : vector<1x16xi32> to vector<16xi32>
    %get3A_770 = arith.constant 3 : i32
    %get3A_771 = arith.index_cast %get3A_770 : i32 to index
    %get3A_772 = arith.constant 32 : index
    %get3A_773 = tpu.vector_load %arg8[%get3A_771, %get3A_772] {strides = array<i32>} : memref<4x128xi32, #tpu.memory_space<vmem>>, vector<1x16xi32>,
    %get3A_774 = vector.shape_cast %get3A_773 : vector<1x16xi32> to vector<16xi32>
    %add3A_775 = arith.constant 384 : i32
    %add3A_776 = arith.addi %mul3A_2, %add3A_775 : i32
    %add3A_777 = arith.constant 32 : i32
    %add3A_778 = arith.addi %add3A_776, %add3A_777 : i32
    %add3A_779 = vector.broadcast %add3A_778 : i32 to vector<16xi32>
    %add3A_780 = arith.addi %add3A_779, %iota3A : vector<16xi32>
    %eq3A_781 = arith.cmpi eq, %get3A_774, %add3A_780 : vector<16xi32>
    %jit3A_782 = arith.constant 100000 : i32
    %broadcast_in_dim3A_783 = vector.broadcast %jit3A_782 : i32 to vector<16xi32>
    %select_n3A_784 = arith.select %eq3A_781, %get3A_769, %broadcast_in_dim3A_783 : vector<16xi1>, vector<16xi32>
    %swap3A_785 = arith.constant 3 : i32
    %swap3A_786 = arith.index_cast %swap3A_785 : i32 to index
    %swap3A_787 = arith.constant 32 : index
    %swap3A_788 = tpu.vector_load %arg9[%swap3A_786, %swap3A_787] {strides = array<i32>} : memref<4x128xi32, #tpu.memory_space<vmem>>, vector<1x16xi32>,
    %swap3A_789 = vector.shape_cast %swap3A_788 : vector<1x16xi32> to vector<16xi32>
    %swap3A_790 = vector.shape_cast %select_n3A_784 : vector<16xi32> to vector<1x16xi32>
    tpu.vector_store %arg9[%swap3A_786, %swap3A_787], %swap3A_790 {strides = array<i32>} : memref<4x128xi32, #tpu.memory_space<vmem>>, vector<1x16xi32>,
    %get3A_791 = arith.constant 3 : i32
    %get3A_792 = arith.index_cast %get3A_791 : i32 to index
    %get3A_793 = arith.constant 48 : index
    %get3A_794 = tpu.vector_load %arg7[%get3A_792, %get3A_793] {strides = array<i32>} : memref<4x128xi32, #tpu.memory_space<vmem>>, vector<1x16xi32>,
    %get3A_795 = vector.shape_cast %get3A_794 : vector<1x16xi32> to vector<16xi32>
    %get3A_796 = arith.constant 3 : i32
    %get3A_797 = arith.index_cast %get3A_796 : i32 to index
    %get3A_798 = arith.constant 48 : index
    %get3A_799 = tpu.vector_load %arg8[%get3A_797, %get3A_798] {strides = array<i32>} : memref<4x128xi32, #tpu.memory_space<vmem>>, vector<1x16xi32>,
    %get3A_800 = vector.shape_cast %get3A_799 : vector<1x16xi32> to vector<16xi32>
    %add3A_801 = arith.constant 384 : i32
    %add3A_802 = arith.addi %mul3A_2, %add3A_801 : i32
    %add3A_803 = arith.constant 48 : i32
    %add3A_804 = arith.addi %add3A_802, %add3A_803 : i32
    %add3A_805 = vector.broadcast %add3A_804 : i32 to vector<16xi32>
    %add3A_806 = arith.addi %add3A_805, %iota3A : vector<16xi32>
    %eq3A_807 = arith.cmpi eq, %get3A_800, %add3A_806 : vector<16xi32>
    %jit3A_808 = arith.constant 100000 : i32
    %broadcast_in_dim3A_809 = vector.broadcast %jit3A_808 : i32 to vector<16xi32>
    %select_n3A_810 = arith.select %eq3A_807, %get3A_795, %broadcast_in_dim3A_809 : vector<16xi1>, vector<16xi32>
    %swap3A_811 = arith.constant 3 : i32
    %swap3A_812 = arith.index_cast %swap3A_811 : i32 to index
    %swap3A_813 = arith.constant 48 : index
    %swap3A_814 = tpu.vector_load %arg9[%swap3A_812, %swap3A_813] {strides = array<i32>} : memref<4x128xi32, #tpu.memory_space<vmem>>, vector<1x16xi32>,
    %swap3A_815 = vector.shape_cast %swap3A_814 : vector<1x16xi32> to vector<16xi32>
    %swap3A_816 = vector.shape_cast %select_n3A_810 : vector<16xi32> to vector<1x16xi32>
    tpu.vector_store %arg9[%swap3A_812, %swap3A_813], %swap3A_816 {strides = array<i32>} : memref<4x128xi32, #tpu.memory_space<vmem>>, vector<1x16xi32>,
    %get3A_817 = arith.constant 3 : i32
    %get3A_818 = arith.index_cast %get3A_817 : i32 to index
    %get3A_819 = arith.constant 64 : index
    %get3A_820 = tpu.vector_load %arg7[%get3A_818, %get3A_819] {strides = array<i32>} : memref<4x128xi32, #tpu.memory_space<vmem>>, vector<1x16xi32>,
    %get3A_821 = vector.shape_cast %get3A_820 : vector<1x16xi32> to vector<16xi32>
    %get3A_822 = arith.constant 3 : i32
    %get3A_823 = arith.index_cast %get3A_822 : i32 to index
    %get3A_824 = arith.constant 64 : index
    %get3A_825 = tpu.vector_load %arg8[%get3A_823, %get3A_824] {strides = array<i32>} : memref<4x128xi32, #tpu.memory_space<vmem>>, vector<1x16xi32>,
    %get3A_826 = vector.shape_cast %get3A_825 : vector<1x16xi32> to vector<16xi32>
    %add3A_827 = arith.constant 384 : i32
    %add3A_828 = arith.addi %mul3A_2, %add3A_827 : i32
    %add3A_829 = arith.constant 64 : i32
    %add3A_830 = arith.addi %add3A_828, %add3A_829 : i32
    %add3A_831 = vector.broadcast %add3A_830 : i32 to vector<16xi32>
    %add3A_832 = arith.addi %add3A_831, %iota3A : vector<16xi32>
    %eq3A_833 = arith.cmpi eq, %get3A_826, %add3A_832 : vector<16xi32>
    %jit3A_834 = arith.constant 100000 : i32
    %broadcast_in_dim3A_835 = vector.broadcast %jit3A_834 : i32 to vector<16xi32>
    %select_n3A_836 = arith.select %eq3A_833, %get3A_821, %broadcast_in_dim3A_835 : vector<16xi1>, vector<16xi32>
    %swap3A_837 = arith.constant 3 : i32
    %swap3A_838 = arith.index_cast %swap3A_837 : i32 to index
    %swap3A_839 = arith.constant 64 : index
    %swap3A_840 = tpu.vector_load %arg9[%swap3A_838, %swap3A_839] {strides = array<i32>} : memref<4x128xi32, #tpu.memory_space<vmem>>, vector<1x16xi32>,
    %swap3A_841 = vector.shape_cast %swap3A_840 : vector<1x16xi32> to vector<16xi32>
    %swap3A_842 = vector.shape_cast %select_n3A_836 : vector<16xi32> to vector<1x16xi32>
    tpu.vector_store %arg9[%swap3A_838, %swap3A_839], %swap3A_842 {strides = array<i32>} : memref<4x128xi32, #tpu.memory_space<vmem>>, vector<1x16xi32>,
    %get3A_843 = arith.constant 3 : i32
    %get3A_844 = arith.index_cast %get3A_843 : i32 to index
    %get3A_845 = arith.constant 80 : index
    %get3A_846 = tpu.vector_load %arg7[%get3A_844, %get3A_845] {strides = array<i32>} : memref<4x128xi32, #tpu.memory_space<vmem>>, vector<1x16xi32>,
    %get3A_847 = vector.shape_cast %get3A_846 : vector<1x16xi32> to vector<16xi32>
    %get3A_848 = arith.constant 3 : i32
    %get3A_849 = arith.index_cast %get3A_848 : i32 to index
    %get3A_850 = arith.constant 80 : index
    %get3A_851 = tpu.vector_load %arg8[%get3A_849, %get3A_850] {strides = array<i32>} : memref<4x128xi32, #tpu.memory_space<vmem>>, vector<1x16xi32>,
    %get3A_852 = vector.shape_cast %get3A_851 : vector<1x16xi32> to vector<16xi32>
    %add3A_853 = arith.constant 384 : i32
    %add3A_854 = arith.addi %mul3A_2, %add3A_853 : i32
    %add3A_855 = arith.constant 80 : i32
    %add3A_856 = arith.addi %add3A_854, %add3A_855 : i32
    %add3A_857 = vector.broadcast %add3A_856 : i32 to vector<16xi32>
    %add3A_858 = arith.addi %add3A_857, %iota3A : vector<16xi32>
    %eq3A_859 = arith.cmpi eq, %get3A_852, %add3A_858 : vector<16xi32>
    %jit3A_860 = arith.constant 100000 : i32
    %broadcast_in_dim3A_861 = vector.broadcast %jit3A_860 : i32 to vector<16xi32>
    %select_n3A_862 = arith.select %eq3A_859, %get3A_847, %broadcast_in_dim3A_861 : vector<16xi1>, vector<16xi32>
    %swap3A_863 = arith.constant 3 : i32
    %swap3A_864 = arith.index_cast %swap3A_863 : i32 to index
    %swap3A_865 = arith.constant 80 : index
    %swap3A_866 = tpu.vector_load %arg9[%swap3A_864, %swap3A_865] {strides = array<i32>} : memref<4x128xi32, #tpu.memory_space<vmem>>, vector<1x16xi32>,
    %swap3A_867 = vector.shape_cast %swap3A_866 : vector<1x16xi32> to vector<16xi32>
    %swap3A_868 = vector.shape_cast %select_n3A_862 : vector<16xi32> to vector<1x16xi32>
    tpu.vector_store %arg9[%swap3A_864, %swap3A_865], %swap3A_868 {strides = array<i32>} : memref<4x128xi32, #tpu.memory_space<vmem>>, vector<1x16xi32>,
    %get3A_869 = arith.constant 3 : i32
    %get3A_870 = arith.index_cast %get3A_869 : i32 to index
    %get3A_871 = arith.constant 96 : index
    %get3A_872 = tpu.vector_load %arg7[%get3A_870, %get3A_871] {strides = array<i32>} : memref<4x128xi32, #tpu.memory_space<vmem>>, vector<1x16xi32>,
    %get3A_873 = vector.shape_cast %get3A_872 : vector<1x16xi32> to vector<16xi32>
    %get3A_874 = arith.constant 3 : i32
    %get3A_875 = arith.index_cast %get3A_874 : i32 to index
    %get3A_876 = arith.constant 96 : index
    %get3A_877 = tpu.vector_load %arg8[%get3A_875, %get3A_876] {strides = array<i32>} : memref<4x128xi32, #tpu.memory_space<vmem>>, vector<1x16xi32>,
    %get3A_878 = vector.shape_cast %get3A_877 : vector<1x16xi32> to vector<16xi32>
    %add3A_879 = arith.constant 384 : i32
    %add3A_880 = arith.addi %mul3A_2, %add3A_879 : i32
    %add3A_881 = arith.constant 96 : i32
    %add3A_882 = arith.addi %add3A_880, %add3A_881 : i32
    %add3A_883 = vector.broadcast %add3A_882 : i32 to vector<16xi32>
    %add3A_884 = arith.addi %add3A_883, %iota3A : vector<16xi32>
    %eq3A_885 = arith.cmpi eq, %get3A_878, %add3A_884 : vector<16xi32>
    %jit3A_886 = arith.constant 100000 : i32
    %broadcast_in_dim3A_887 = vector.broadcast %jit3A_886 : i32 to vector<16xi32>
    %select_n3A_888 = arith.select %eq3A_885, %get3A_873, %broadcast_in_dim3A_887 : vector<16xi1>, vector<16xi32>
    %swap3A_889 = arith.constant 3 : i32
    %swap3A_890 = arith.index_cast %swap3A_889 : i32 to index
    %swap3A_891 = arith.constant 96 : index
    %swap3A_892 = tpu.vector_load %arg9[%swap3A_890, %swap3A_891] {strides = array<i32>} : memref<4x128xi32, #tpu.memory_space<vmem>>, vector<1x16xi32>,
    %swap3A_893 = vector.shape_cast %swap3A_892 : vector<1x16xi32> to vector<16xi32>
    %swap3A_894 = vector.shape_cast %select_n3A_888 : vector<16xi32> to vector<1x16xi32>
    tpu.vector_store %arg9[%swap3A_890, %swap3A_891], %swap3A_894 {strides = array<i32>} : memref<4x128xi32, #tpu.memory_space<vmem>>, vector<1x16xi32>,
    %get3A_895 = arith.constant 3 : i32
    %get3A_896 = arith.index_cast %get3A_895 : i32 to index
    %get3A_897 = arith.constant 112 : index
    %get3A_898 = tpu.vector_load %arg7[%get3A_896, %get3A_897] {strides = array<i32>} : memref<4x128xi32, #tpu.memory_space<vmem>>, vector<1x16xi32>,
    %get3A_899 = vector.shape_cast %get3A_898 : vector<1x16xi32> to vector<16xi32>
    %get3A_900 = arith.constant 3 : i32
    %get3A_901 = arith.index_cast %get3A_900 : i32 to index
    %get3A_902 = arith.constant 112 : index
    %get3A_903 = tpu.vector_load %arg8[%get3A_901, %get3A_902] {strides = array<i32>} : memref<4x128xi32, #tpu.memory_space<vmem>>, vector<1x16xi32>,
    %get3A_904 = vector.shape_cast %get3A_903 : vector<1x16xi32> to vector<16xi32>
    %add3A_905 = arith.constant 384 : i32
    %add3A_906 = arith.addi %mul3A_2, %add3A_905 : i32
    %add3A_907 = arith.constant 112 : i32
    %add3A_908 = arith.addi %add3A_906, %add3A_907 : i32
    %add3A_909 = vector.broadcast %add3A_908 : i32 to vector<16xi32>
    %add3A_910 = arith.addi %add3A_909, %iota3A : vector<16xi32>
    %eq3A_911 = arith.cmpi eq, %get3A_904, %add3A_910 : vector<16xi32>
    %jit3A_912 = arith.constant 100000 : i32
    %broadcast_in_dim3A_913 = vector.broadcast %jit3A_912 : i32 to vector<16xi32>
    %select_n3A_914 = arith.select %eq3A_911, %get3A_899, %broadcast_in_dim3A_913 : vector<16xi1>, vector<16xi32>
    %swap3A_915 = arith.constant 3 : i32
    %swap3A_916 = arith.index_cast %swap3A_915 : i32 to index
    %swap3A_917 = arith.constant 112 : index
    %swap3A_918 = tpu.vector_load %arg9[%swap3A_916, %swap3A_917] {strides = array<i32>} : memref<4x128xi32, #tpu.memory_space<vmem>>, vector<1x16xi32>,
    %swap3A_919 = vector.shape_cast %swap3A_918 : vector<1x16xi32> to vector<16xi32>
    %swap3A_920 = vector.shape_cast %select_n3A_914 : vector<16xi32> to vector<1x16xi32>
    tpu.vector_store %arg9[%swap3A_916, %swap3A_917], %swap3A_920 {strides = array<i32>} : memref<4x128xi32, #tpu.memory_space<vmem>>, vector<1x16xi32>,
    %dma_wait3A_921 = arith.constant 0 : i32
    %dma_wait3A_922 = tpu.memref_slice %arg4[%add3A_45, %dma_wait3A_921] : memref<16384x256xf32, #tpu.memory_space<hbm>> -> memref<128x256xf32, #tpu.memory_space<hbm>>
    %dma_wait3A_923 = arith.constant 0 : i32
    %dma_wait3A_924 = tpu.memref_slice %arg4[%add3A_45, %dma_wait3A_923] : memref<16384x256xf32, #tpu.memory_space<hbm>> -> memref<128x256xf32, #tpu.memory_space<hbm>>
    tpu.wait_dma2 semaphore(%arg13 : memref<!tpu.dma_semaphore, #tpu.memory_space<semaphore_mem>>) src(%dma_wait3A_924 : memref<128x256xf32, #tpu.memory_space<hbm>>) dst(%arg10 : memref<128x256xf32, #tpu.memory_space<vmem>>)
    %dma_start3A_925 = arith.constant 0 : i32
    %dma_start3A_926 = arith.constant 0 : i32
    %dma_start3A_927 = tpu.memref_slice %arg9[%dma_start3A_925, %dma_start3A_926] : memref<4x128xi32, #tpu.memory_space<vmem>> -> memref<1x128xi32, #tpu.memory_space<vmem>>
    %dma_start3A_928 = tpu.memref_squeeze %dma_start3A_927 : memref<1x128xi32, #tpu.memory_space<vmem>> -> memref<128xi32, #tpu.memory_space<vmem>>
    %dma_start3A_929 = arith.constant 0 : i32
    %dma_start3A_930 = arith.constant 0 : i32
    %dma_start3A_931 = tpu.memref_slice %arg5[%dma_start3A_929, %dma_start3A_930] : memref<100001x256xf32, #tpu.memory_space<hbm>> -> memref<100001x256xf32, #tpu.memory_space<hbm>>
    tpu.enqueue_indirect_dma source(%arg10 : memref<128x256xf32, #tpu.memory_space<vmem>>) target(%dma_start3A_931 : memref<100001x256xf32, #tpu.memory_space<hbm>>) offsets(%dma_start3A_928 : memref<128xi32, #tpu.memory_space<vmem>>) semaphore(%arg15 : memref<!tpu.dma_semaphore, #tpu.memory_space<semaphore_mem>>)
    %dma_wait3A_932 = arith.constant 0 : i32
    %dma_wait3A_933 = tpu.memref_slice %arg4[%add3A_51, %dma_wait3A_932] : memref<16384x256xf32, #tpu.memory_space<hbm>> -> memref<128x256xf32, #tpu.memory_space<hbm>>
    %dma_wait3A_934 = arith.constant 0 : i32
    %dma_wait3A_935 = tpu.memref_slice %arg4[%add3A_51, %dma_wait3A_934] : memref<16384x256xf32, #tpu.memory_space<hbm>> -> memref<128x256xf32, #tpu.memory_space<hbm>>
    tpu.wait_dma2 semaphore(%arg14 : memref<!tpu.dma_semaphore, #tpu.memory_space<semaphore_mem>>) src(%dma_wait3A_935 : memref<128x256xf32, #tpu.memory_space<hbm>>) dst(%arg11 : memref<128x256xf32, #tpu.memory_space<vmem>>)
    %dma_start3A_936 = arith.constant 1 : i32
    %dma_start3A_937 = arith.constant 0 : i32
    %dma_start3A_938 = tpu.memref_slice %arg9[%dma_start3A_936, %dma_start3A_937] : memref<4x128xi32, #tpu.memory_space<vmem>> -> memref<1x128xi32, #tpu.memory_space<vmem>>
    %dma_start3A_939 = tpu.memref_squeeze %dma_start3A_938 : memref<1x128xi32, #tpu.memory_space<vmem>> -> memref<128xi32, #tpu.memory_space<vmem>>
    %dma_start3A_940 = arith.constant 0 : i32
    %dma_start3A_941 = arith.constant 0 : i32
    %dma_start3A_942 = tpu.memref_slice %arg5[%dma_start3A_940, %dma_start3A_941] : memref<100001x256xf32, #tpu.memory_space<hbm>> -> memref<100001x256xf32, #tpu.memory_space<hbm>>
    tpu.enqueue_indirect_dma source(%arg11 : memref<128x256xf32, #tpu.memory_space<vmem>>) target(%dma_start3A_942 : memref<100001x256xf32, #tpu.memory_space<hbm>>) offsets(%dma_start3A_939 : memref<128xi32, #tpu.memory_space<vmem>>) semaphore(%arg16 : memref<!tpu.dma_semaphore, #tpu.memory_space<semaphore_mem>>)
    %dma_wait3A_943 = arith.constant 0 : i32
    %dma_wait3A_944 = arith.constant 0 : i32
    %dma_wait3A_945 = tpu.memref_slice %arg9[%dma_wait3A_943, %dma_wait3A_944] : memref<4x128xi32, #tpu.memory_space<vmem>> -> memref<1x128xi32, #tpu.memory_space<vmem>>
    %dma_wait3A_946 = tpu.memref_squeeze %dma_wait3A_945 : memref<1x128xi32, #tpu.memory_space<vmem>> -> memref<128xi32, #tpu.memory_space<vmem>>
    %dma_wait3A_947 = arith.constant 0 : i32
    %dma_wait3A_948 = arith.constant 0 : i32
    %dma_wait3A_949 = tpu.memref_slice %arg5[%dma_wait3A_947, %dma_wait3A_948] : memref<100001x256xf32, #tpu.memory_space<hbm>> -> memref<100001x256xf32, #tpu.memory_space<hbm>>
    tpu.wait_indirect_dma semaphore(%arg15 : memref<!tpu.dma_semaphore, #tpu.memory_space<semaphore_mem>>) src(%arg10 : memref<128x256xf32, #tpu.memory_space<vmem>>) dst(%dma_wait3A_949 : memref<100001x256xf32, #tpu.memory_space<hbm>>)
    %add3A_950 = arith.constant 256 : i32
    %add3A_951 = arith.addi %mul3A_2, %add3A_950 : i32
    %dma_start3A_952 = arith.constant 0 : i32
    %dma_start3A_953 = tpu.memref_slice %arg4[%add3A_951, %dma_start3A_952] : memref<16384x256xf32, #tpu.memory_space<hbm>> -> memref<128x256xf32, #tpu.memory_space<hbm>>
    %dma_start3A_954 = arith.constant 0 : i32
    %dma_start3A_955 = tpu.memref_slice %arg4[%add3A_951, %dma_start3A_954] : memref<16384x256xf32, #tpu.memory_space<hbm>> -> memref<128x256xf32, #tpu.memory_space<hbm>>
    tpu.enqueue_dma source(%dma_start3A_955 : memref<128x256xf32, #tpu.memory_space<hbm>>) target(%arg10 : memref<128x256xf32, #tpu.memory_space<vmem>>) target_semaphore(%arg13 : memref<!tpu.dma_semaphore, #tpu.memory_space<semaphore_mem>>)
    %dma_wait3A_956 = arith.constant 1 : i32
    %dma_wait3A_957 = arith.constant 0 : i32
    %dma_wait3A_958 = tpu.memref_slice %arg9[%dma_wait3A_956, %dma_wait3A_957] : memref<4x128xi32, #tpu.memory_space<vmem>> -> memref<1x128xi32, #tpu.memory_space<vmem>>
    %dma_wait3A_959 = tpu.memref_squeeze %dma_wait3A_958 : memref<1x128xi32, #tpu.memory_space<vmem>> -> memref<128xi32, #tpu.memory_space<vmem>>
    %dma_wait3A_960 = arith.constant 0 : i32
    %dma_wait3A_961 = arith.constant 0 : i32
    %dma_wait3A_962 = tpu.memref_slice %arg5[%dma_wait3A_960, %dma_wait3A_961] : memref<100001x256xf32, #tpu.memory_space<hbm>> -> memref<100001x256xf32, #tpu.memory_space<hbm>>
    tpu.wait_indirect_dma semaphore(%arg16 : memref<!tpu.dma_semaphore, #tpu.memory_space<semaphore_mem>>) src(%arg11 : memref<128x256xf32, #tpu.memory_space<vmem>>) dst(%dma_wait3A_962 : memref<100001x256xf32, #tpu.memory_space<hbm>>)
    %add3A_963 = arith.constant 384 : i32
    %add3A_964 = arith.addi %mul3A_2, %add3A_963 : i32
    %dma_start3A_965 = arith.constant 0 : i32
    %dma_start3A_966 = tpu.memref_slice %arg4[%add3A_964, %dma_start3A_965] : memref<16384x256xf32, #tpu.memory_space<hbm>> -> memref<128x256xf32, #tpu.memory_space<hbm>>
    %dma_start3A_967 = arith.constant 0 : i32
    %dma_start3A_968 = tpu.memref_slice %arg4[%add3A_964, %dma_start3A_967] : memref<16384x256xf32, #tpu.memory_space<hbm>> -> memref<128x256xf32, #tpu.memory_space<hbm>>
    tpu.enqueue_dma source(%dma_start3A_968 : memref<128x256xf32, #tpu.memory_space<hbm>>) target(%arg11 : memref<128x256xf32, #tpu.memory_space<vmem>>) target_semaphore(%arg14 : memref<!tpu.dma_semaphore, #tpu.memory_space<semaphore_mem>>)
    %dma_wait3A_969 = arith.constant 0 : i32
    %dma_wait3A_970 = tpu.memref_slice %arg4[%add3A_951, %dma_wait3A_969] : memref<16384x256xf32, #tpu.memory_space<hbm>> -> memref<128x256xf32, #tpu.memory_space<hbm>>
    %dma_wait3A_971 = arith.constant 0 : i32
    %dma_wait3A_972 = tpu.memref_slice %arg4[%add3A_951, %dma_wait3A_971] : memref<16384x256xf32, #tpu.memory_space<hbm>> -> memref<128x256xf32, #tpu.memory_space<hbm>>
    tpu.wait_dma2 semaphore(%arg13 : memref<!tpu.dma_semaphore, #tpu.memory_space<semaphore_mem>>) src(%dma_wait3A_972 : memref<128x256xf32, #tpu.memory_space<hbm>>) dst(%arg10 : memref<128x256xf32, #tpu.memory_space<vmem>>)
    %dma_start3A_973 = arith.constant 2 : i32
    %dma_start3A_974 = arith.constant 0 : i32
    %dma_start3A_975 = tpu.memref_slice %arg9[%dma_start3A_973, %dma_start3A_974] : memref<4x128xi32, #tpu.memory_space<vmem>> -> memref<1x128xi32, #tpu.memory_space<vmem>>
    %dma_start3A_976 = tpu.memref_squeeze %dma_start3A_975 : memref<1x128xi32, #tpu.memory_space<vmem>> -> memref<128xi32, #tpu.memory_space<vmem>>
    %dma_start3A_977 = arith.constant 0 : i32
    %dma_start3A_978 = arith.constant 0 : i32
    %dma_start3A_979 = tpu.memref_slice %arg5[%dma_start3A_977, %dma_start3A_978] : memref<100001x256xf32, #tpu.memory_space<hbm>> -> memref<100001x256xf32, #tpu.memory_space<hbm>>
    tpu.enqueue_indirect_dma source(%arg10 : memref<128x256xf32, #tpu.memory_space<vmem>>) target(%dma_start3A_979 : memref<100001x256xf32, #tpu.memory_space<hbm>>) offsets(%dma_start3A_976 : memref<128xi32, #tpu.memory_space<vmem>>) semaphore(%arg15 : memref<!tpu.dma_semaphore, #tpu.memory_space<semaphore_mem>>)
    %dma_wait3A_980 = arith.constant 0 : i32
    %dma_wait3A_981 = tpu.memref_slice %arg4[%add3A_964, %dma_wait3A_980] : memref<16384x256xf32, #tpu.memory_space<hbm>> -> memref<128x256xf32, #tpu.memory_space<hbm>>
    %dma_wait3A_982 = arith.constant 0 : i32
    %dma_wait3A_983 = tpu.memref_slice %arg4[%add3A_964, %dma_wait3A_982] : memref<16384x256xf32, #tpu.memory_space<hbm>> -> memref<128x256xf32, #tpu.memory_space<hbm>>
    tpu.wait_dma2 semaphore(%arg14 : memref<!tpu.dma_semaphore, #tpu.memory_space<semaphore_mem>>) src(%dma_wait3A_983 : memref<128x256xf32, #tpu.memory_space<hbm>>) dst(%arg11 : memref<128x256xf32, #tpu.memory_space<vmem>>)
    %dma_start3A_984 = arith.constant 3 : i32
    %dma_start3A_985 = arith.constant 0 : i32
    %dma_start3A_986 = tpu.memref_slice %arg9[%dma_start3A_984, %dma_start3A_985] : memref<4x128xi32, #tpu.memory_space<vmem>> -> memref<1x128xi32, #tpu.memory_space<vmem>>
    %dma_start3A_987 = tpu.memref_squeeze %dma_start3A_986 : memref<1x128xi32, #tpu.memory_space<vmem>> -> memref<128xi32, #tpu.memory_space<vmem>>
    %dma_start3A_988 = arith.constant 0 : i32
    %dma_start3A_989 = arith.constant 0 : i32
    %dma_start3A_990 = tpu.memref_slice %arg5[%dma_start3A_988, %dma_start3A_989] : memref<100001x256xf32, #tpu.memory_space<hbm>> -> memref<100001x256xf32, #tpu.memory_space<hbm>>
    tpu.enqueue_indirect_dma source(%arg11 : memref<128x256xf32, #tpu.memory_space<vmem>>) target(%dma_start3A_990 : memref<100001x256xf32, #tpu.memory_space<hbm>>) offsets(%dma_start3A_987 : memref<128xi32, #tpu.memory_space<vmem>>) semaphore(%arg16 : memref<!tpu.dma_semaphore, #tpu.memory_space<semaphore_mem>>)
    %dma_wait3A_991 = arith.constant 2 : i32
    %dma_wait3A_992 = arith.constant 0 : i32
    %dma_wait3A_993 = tpu.memref_slice %arg9[%dma_wait3A_991, %dma_wait3A_992] : memref<4x128xi32, #tpu.memory_space<vmem>> -> memref<1x128xi32, #tpu.memory_space<vmem>>
    %dma_wait3A_994 = tpu.memref_squeeze %dma_wait3A_993 : memref<1x128xi32, #tpu.memory_space<vmem>> -> memref<128xi32, #tpu.memory_space<vmem>>
    %dma_wait3A_995 = arith.constant 0 : i32
    %dma_wait3A_996 = arith.constant 0 : i32
    %dma_wait3A_997 = tpu.memref_slice %arg5[%dma_wait3A_995, %dma_wait3A_996] : memref<100001x256xf32, #tpu.memory_space<hbm>> -> memref<100001x256xf32, #tpu.memory_space<hbm>>
    tpu.wait_indirect_dma semaphore(%arg15 : memref<!tpu.dma_semaphore, #tpu.memory_space<semaphore_mem>>) src(%arg10 : memref<128x256xf32, #tpu.memory_space<vmem>>) dst(%dma_wait3A_997 : memref<100001x256xf32, #tpu.memory_space<hbm>>)
    %dma_wait3A_998 = arith.constant 3 : i32
    %dma_wait3A_999 = arith.constant 0 : i32
    %dma_wait3A_1000 = tpu.memref_slice %arg9[%dma_wait3A_998, %dma_wait3A_999] : memref<4x128xi32, #tpu.memory_space<vmem>> -> memref<1x128xi32, #tpu.memory_space<vmem>>
    %dma_wait3A_1001 = tpu.memref_squeeze %dma_wait3A_1000 : memref<1x128xi32, #tpu.memory_space<vmem>> -> memref<128xi32, #tpu.memory_space<vmem>>
    %dma_wait3A_1002 = arith.constant 0 : i32
    %dma_wait3A_1003 = arith.constant 0 : i32
    %dma_wait3A_1004 = tpu.memref_slice %arg5[%dma_wait3A_1002, %dma_wait3A_1003] : memref<100001x256xf32, #tpu.memory_space<hbm>> -> memref<100001x256xf32, #tpu.memory_space<hbm>>
    tpu.wait_indirect_dma semaphore(%arg16 : memref<!tpu.dma_semaphore, #tpu.memory_space<semaphore_mem>>) src(%arg11 : memref<128x256xf32, #tpu.memory_space<vmem>>) dst(%dma_wait3A_1004 : memref<100001x256xf32, #tpu.memory_space<hbm>>)
    return
  }
}

module attributes {stable_mosaic.version = 14 : i64} {
  func.func @_gru_body(%arg0: i32, %arg1: memref<1024x256xf32, #tpu.memory_space<vmem>>, %arg2: memref<1024x256xf32, #tpu.memory_space<vmem>>, %arg3: memref<256x256xf32, #tpu.memory_space<vmem>>, %arg4: memref<768x256xf32, #tpu.memory_space<vmem>>, %arg5: memref<768x256xf32, #tpu.memory_space<vmem>>, %arg6: memref<768xf32, #tpu.memory_space<vmem>>, %arg7: memref<768xf32, #tpu.memory_space<vmem>>, %arg8: memref<1024x256xf32, #tpu.memory_space<vmem>>) attributes {dimension_semantics = [#tpu.dimension_semantics<arbitrary>], iteration_bounds = array<i64: 16>, scalar_prefetch = 0 : i64, scratch_operands = 0 : i64, tpu.core_type = #tpu.core_type<tc>, window_params = [{transform_indices = @transform_0, window_bounds = array<i64: 1024, 256>}, {transform_indices = @transform_1, window_bounds = array<i64: 1024, 256>}, {pipeline_mode = #tpu.pipeline_mode<synchronous>, transform_indices = @transform_2, window_bounds = array<i64: 256, 256>}, {pipeline_mode = #tpu.pipeline_mode<synchronous>, transform_indices = @transform_3, window_bounds = array<i64: 768, 256>}, {pipeline_mode = #tpu.pipeline_mode<synchronous>, transform_indices = @transform_4, window_bounds = array<i64: 768, 256>}, {pipeline_mode = #tpu.pipeline_mode<synchronous>, transform_indices = @transform_5, window_bounds = array<i64: 768>}, {pipeline_mode = #tpu.pipeline_mode<synchronous>, transform_indices = @transform_6, window_bounds = array<i64: 768>}, {transform_indices = @transform_7, window_bounds = array<i64: 1024, 256>}]} {
    %get3A = arith.constant 0 : index
    %get3A_0 = arith.constant 0 : index
    %get3A_1 = vector.load %arg1[%get3A, %get3A_0] : memref<1024x256xf32, #tpu.memory_space<vmem>>, vector<1024x256xf32>
    %get3A_2 = arith.constant 0 : index
    %get3A_3 = arith.constant 0 : index
    %get3A_4 = vector.load %arg2[%get3A_2, %get3A_3] : memref<1024x256xf32, #tpu.memory_space<vmem>>, vector<1024x256xf32>
    %get3A_5 = arith.constant 0 : index
    %get3A_6 = arith.constant 0 : index
    %get3A_7 = vector.load %arg3[%get3A_5, %get3A_6] : memref<256x256xf32, #tpu.memory_space<vmem>>, vector<256x256xf32>
    %dot_general3A = arith.constant dense<0.000000e+00> : vector<1024x256xf32>
    %dot_general3A_8 = tpu.matmul %get3A_1, %get3A_7, %dot_general3A {dimension_numbers = #tpu.dot_dimension_numbers<[1], [0], [0], [1], [0, 0, 1, 1], [], []>, transpose_lhs_hint = false} : vector<1024x256xf32>, vector<256x256xf32>, vector<1024x256xf32> -> vector<1024x256xf32>
    %get3A_9 = arith.constant 0 : index
    %get3A_10 = arith.constant 0 : index
    %get3A_11 = vector.load %arg4[%get3A_9, %get3A_10] : memref<768x256xf32, #tpu.memory_space<vmem>>, vector<768x256xf32>
    %dot_general3A_12 = arith.constant dense<0.000000e+00> : vector<1024x768xf32>
    %dot_general3A_13 = tpu.matmul %dot_general3A_8, %get3A_11, %dot_general3A_12 {dimension_numbers = #tpu.dot_dimension_numbers<[1], [1], [0], [0], [0, 0, 1, 0], [], []>, transpose_lhs_hint = false} : vector<1024x256xf32>, vector<768x256xf32>, vector<1024x768xf32> -> vector<1024x768xf32>
    %get3A_14 = arith.constant 0 : index
    %get3A_15 = vector.load %arg6[%get3A_14] : memref<768xf32, #tpu.memory_space<vmem>>, vector<768xf32>
    %broadcast_in_dim3A = vector.shape_cast %get3A_15 : vector<768xf32> to vector<1x768xf32>
    %add3A = vector.broadcast %broadcast_in_dim3A : vector<1x768xf32> to vector<1024x768xf32>
    %add3A_16 = arith.addf %dot_general3A_13, %add3A : vector<1024x768xf32>
    %get3A_17 = arith.constant 0 : index
    %get3A_18 = arith.constant 0 : index
    %get3A_19 = vector.load %arg5[%get3A_17, %get3A_18] : memref<768x256xf32, #tpu.memory_space<vmem>>, vector<768x256xf32>
    %dot_general3A_20 = arith.constant dense<0.000000e+00> : vector<1024x768xf32>
    %dot_general3A_21 = tpu.matmul %get3A_4, %get3A_19, %dot_general3A_20 {dimension_numbers = #tpu.dot_dimension_numbers<[1], [1], [0], [0], [0, 0, 1, 0], [], []>, transpose_lhs_hint = false} : vector<1024x256xf32>, vector<768x256xf32>, vector<1024x768xf32> -> vector<1024x768xf32>
    %get3A_22 = arith.constant 0 : index
    %get3A_23 = vector.load %arg7[%get3A_22] : memref<768xf32, #tpu.memory_space<vmem>>, vector<768xf32>
    %broadcast_in_dim3A_24 = vector.shape_cast %get3A_23 : vector<768xf32> to vector<1x768xf32>
    %add3A_25 = vector.broadcast %broadcast_in_dim3A_24 : vector<1x768xf32> to vector<1024x768xf32>
    %add3A_26 = arith.addf %dot_general3A_21, %add3A_25 : vector<1024x768xf32>
    %slice3A = vector.extract_strided_slice %add3A_16 {offsets = [0, 0], sizes = [1024, 256], strides = [1, 1]} : vector<1024x768xf32> to vector<1024x256xf32>
    %slice3A_27 = vector.extract_strided_slice %add3A_16 {offsets = [0, 256], sizes = [1024, 256], strides = [1, 1]} : vector<1024x768xf32> to vector<1024x256xf32>
    %slice3A_28 = vector.extract_strided_slice %add3A_16 {offsets = [0, 512], sizes = [1024, 256], strides = [1, 1]} : vector<1024x768xf32> to vector<1024x256xf32>
    %slice3A_29 = vector.extract_strided_slice %add3A_26 {offsets = [0, 0], sizes = [1024, 256], strides = [1, 1]} : vector<1024x768xf32> to vector<1024x256xf32>
    %slice3A_30 = vector.extract_strided_slice %add3A_26 {offsets = [0, 256], sizes = [1024, 256], strides = [1, 1]} : vector<1024x768xf32> to vector<1024x256xf32>
    %slice3A_31 = vector.extract_strided_slice %add3A_26 {offsets = [0, 512], sizes = [1024, 256], strides = [1, 1]} : vector<1024x768xf32> to vector<1024x256xf32>
    %add3A_32 = arith.addf %slice3A, %slice3A_29 : vector<1024x256xf32>
    %logistic3A = arith.negf %add3A_32 : vector<1024x256xf32>
    %logistic3A_33 = math.exp %logistic3A : vector<1024x256xf32>
    %logistic3A_34 = arith.constant 1.000000e+00 : f32
    %logistic3A_35 = vector.broadcast %logistic3A_34 : f32 to vector<1024x256xf32>
    %logistic3A_36 = arith.addf %logistic3A_35, %logistic3A_33 : vector<1024x256xf32>
    %logistic3A_37 = arith.divf %logistic3A_35, %logistic3A_36 : vector<1024x256xf32>
    %add3A_38 = arith.addf %slice3A_27, %slice3A_30 : vector<1024x256xf32>
    %logistic3A_39 = arith.negf %add3A_38 : vector<1024x256xf32>
    %logistic3A_40 = math.exp %logistic3A_39 : vector<1024x256xf32>
    %logistic3A_41 = arith.constant 1.000000e+00 : f32
    %logistic3A_42 = vector.broadcast %logistic3A_41 : f32 to vector<1024x256xf32>
    %logistic3A_43 = arith.addf %logistic3A_42, %logistic3A_40 : vector<1024x256xf32>
    %logistic3A_44 = arith.divf %logistic3A_42, %logistic3A_43 : vector<1024x256xf32>
    %mul3A = arith.mulf %logistic3A_37, %slice3A_31 : vector<1024x256xf32>
    %add3A_45 = arith.addf %slice3A_28, %mul3A : vector<1024x256xf32>
    %tanh3A = math.tanh %add3A_45 : vector<1024x256xf32>
    %sub3A = arith.constant 1.000000e+00 : f32
    %sub3A_46 = vector.broadcast %sub3A : f32 to vector<1024x256xf32>
    %sub3A_47 = arith.subf %sub3A_46, %logistic3A_44 : vector<1024x256xf32>
    %mul3A_48 = arith.mulf %sub3A_47, %tanh3A : vector<1024x256xf32>
    %mul3A_49 = arith.mulf %logistic3A_44, %get3A_4 : vector<1024x256xf32>
    %add3A_50 = arith.addf %mul3A_48, %mul3A_49 : vector<1024x256xf32>
    %swap3A = arith.constant 0 : index
    %swap3A_51 = arith.constant 0 : index
    %swap3A_52 = vector.load %arg8[%swap3A, %swap3A_51] : memref<1024x256xf32, #tpu.memory_space<vmem>>, vector<1024x256xf32>
    tpu.vector_store %arg8[%swap3A, %swap3A_51], %add3A_50 {strides = array<i32>} : memref<1024x256xf32, #tpu.memory_space<vmem>>, vector<1024x256xf32>,
    return
  }
  func.func @transform_0(%arg0: i32) -> (i32, i32) {
    %c0_i32 = arith.constant 0 : i32
    %c0_i32_0 = arith.constant 0 : i32
    return %arg0, %c0_i32 : i32, i32
  }
  func.func @transform_1(%arg0: i32) -> (i32, i32) {
    %c0_i32 = arith.constant 0 : i32
    %c0_i32_0 = arith.constant 0 : i32
    return %arg0, %c0_i32 : i32, i32
  }
  func.func @transform_2(%arg0: i32) -> (i32, i32) {
    %c0_i32 = arith.constant 0 : i32
    %c0_i32_0 = arith.constant 0 : i32
    %c0_i32_1 = arith.constant 0 : i32
    return %c0_i32, %c0_i32_0 : i32, i32
  }
  func.func @transform_3(%arg0: i32) -> (i32, i32) {
    %c0_i32 = arith.constant 0 : i32
    %c0_i32_0 = arith.constant 0 : i32
    %c0_i32_1 = arith.constant 0 : i32
    return %c0_i32, %c0_i32_0 : i32, i32
  }
  func.func @transform_4(%arg0: i32) -> (i32, i32) {
    %c0_i32 = arith.constant 0 : i32
    %c0_i32_0 = arith.constant 0 : i32
    %c0_i32_1 = arith.constant 0 : i32
    return %c0_i32, %c0_i32_0 : i32, i32
  }
  func.func @transform_5(%arg0: i32) -> i32 {
    %c0_i32 = arith.constant 0 : i32
    %c0_i32_0 = arith.constant 0 : i32
    return %c0_i32 : i32
  }
  func.func @transform_6(%arg0: i32) -> i32 {
    %c0_i32 = arith.constant 0 : i32
    %c0_i32_0 = arith.constant 0 : i32
    return %c0_i32 : i32
  }
  func.func @transform_7(%arg0: i32) -> (i32, i32) {
    %c0_i32 = arith.constant 0 : i32
    %c0_i32_0 = arith.constant 0 : i32
    return %arg0, %c0_i32 : i32, i32
  }
}

</mosaic_0001>

<sc_bundles>
// kernel: kernel.10.cloned.1.call-start
scs
__scs_entry_jumppad:
0x0: {  	(pc) =	sbr.rel $0x88, $3  }
0x1: {  	(tag) =	ssettag $0x0;
	lr =	simm.s32 $0x1  }
0x2: {  	[smem:$0x3F99] =	sst lr;
	_ =	strace $0xD0000000  }
0x3: {  	_ = 	snop  }
0x4: {  	_ = 	snop  }
0x5: {  	_ = 	snop  }
0x6: {  	_ = 	snop  }
0x7: {  	_ = 	snop  }
__scs_overlays_trampoline_lowered:
0x8: {  	[smem:$0x3FA8] =	sst s0  }
0x9: {  	[smem:$0x3FA9] =	sst s1  }
0xa: {  	[smem:$0x3FAA] =	sst s2  }
0xb: {  	[smem:$0x3FAB] =	sst s3  }
0xc: {  	[smem:$0x3FAC] =	sst s4  }
0xd: {  	[smem:$0x3FAD] =	sst s5  }
0xe: {  	[smem:$0x3FAE] =	sst s6  }
0xf: {  	[smem:$0x3FAF] =	sst s7  }
0x10: {  	[smem:$0x3FB0] =	sst s8  }
0x11: {  	[smem:$0x3FB1] =	sst s9;
	s0 =	simm.s32 @!p0 $0x0  }
0x12: {  	s1 =	sld [smem:$0x3F97];
	s0 =	simm.s32 @p0 $0x1  }
0x13: {  	[smem:$0x3FB2] =	sst s0;
	s0 =	simm.s32 @!p1 $0x0  }
0x14: {  	s2 =	sld [smem:$0x3F96];
	s0 =	simm.s32 @p1 $0x1  }
0x15: {  	[smem:$0x3FB3] =	sst s0;
	s0 =	simm.s32 @!p2 $0x0  }
0x16: {  	s3 =	sld [smem:$0x3FDB];
	s0 =	simm.s32 @p2 $0x1  }
0x17: {  	s4 =	simm.s32 $0x1BF5;
	[smem:$0x3FB5] =	sst s0  }
0x18: {  	s0 =	sld [smem:$0x3F98];
	_ =	swait.ge [sflag:s4], $0x0  }
0x19: {  	s7 =	sld [smem:$0x3F99]  }
0x1a: {  	s8 =	sadd.s32 $0xFFFFE003, lr  }
0x1b: {  	s9 =	sadd.s32 $0xFFFFFEF7, lr;
	s5 =	simm.s32 $0xFFFFFFFF;
	p2 =	slt.u32 s8, $0xFFFFF086  }
0x1c: {  	p1 =	slt.u32 s9, $0xF7A;
	s5 =	simm.s32 @!p2 $0x0  }
0x1d: {  	s5 =	simm.s32 @p1 $0x1;
	p0 =	seq.s32 s7, s2  }
0x1e: {  	s7 =	smul.u32 @!p0 $0xF7A, s2;
	p2 =	seq.s32 @!p0 s5, $0x0  }
0x1f: {  	s9 =	smul.u32 $0xF7A, s1;
	s8 =	simm.s32 @!p0 $0x1BF5;
	p2 =	por !p2, p0  }
0x20: {  	[sflag:s8] =	ssyncset.s32 @!p0 $0xFFFFF086;
	s6 =	sadd.s32 @!p0 s3, s7;
	s7 =	simm.s32 @!p0 $0x108  }
0x21: {  	s3 =	sadd.s32 s3, s9;
	s6 =	sadd.s32 @!p0 $0x88, s6;
	s7 =	simm.s32 @p2 $0x1082  }
0x22: {  	[simem:s7], [sflag:s8] =	dma.local @!p0 [hbm:s6], $0xF7A  }
0x23: {  	s9 =	sor.u32 $0xD0000000, s2;
	s6 =	simm.s32 $0x108;
	_ =	swait.ge @!p0 [sflag:s8], $0x0  }
0x24: {  	s3 =	sadd.s32 $0x88, s3;
	s6 =	simm.s32 @!p1 $0x1082;
	[sflag:s4] =	ssyncset.s32 $0xFFFFF086  }
0x25: {  	[simem:s6], [sflag:s4] =	dma.local [hbm:s3], $0xF7A  }
0x26: {  	[smem:$0x3F99] =	sst s1;
	(tag) =	ssettag s2;
	_ =	strace s9  }
0x27: {  	s1 =	sld [smem:$0x3FA9]  }
0x28: {  	s2 =	sld [smem:$0x3FAA]  }
0x29: {  	s4 =	sld [smem:$0x3FAC]  }
0x2a: {  	p0 =	seq.s32 s5, $0x0;
	s5 =	sld [smem:$0x3FAD]  }
0x2b: {  	s6 =	sld [smem:$0x3FAE]  }
0x2c: {  	s7 =	sld [smem:$0x3FAF]  }
0x2d: {  	s3 =	simm.s32 $0x108;
	s8 =	sld [smem:$0x3FB0]  }
0x2e: {  	s3 =	simm.s32 @!p0 $0x1082;
	s9 =	sld [smem:$0x3FB1]  }
0x2f: {  	lr =	sadd.s32 s0, s3;
	s0 =	sld [smem:$0x3FA8]  }
0x30: {  	s3 =	sld [smem:$0x3FAB]  }
0x31: {  	[smem:$0x3FB4] =	sst s10  }
0x32: {  	s10 =	sld [smem:$0x3FB2];
	_ =	sdelay $0x3  }
0x33: {  	p0 =	seq.s32 s10, $0x1;
	s10 =	sld [smem:$0x3FB4];
	_ =	sdelay $0x3  }
0x34: {  	[smem:$0x3FB4] =	sst s10  }
0x35: {  	s10 =	sld [smem:$0x3FB3];
	_ =	sdelay $0x3  }
0x36: {  	p1 =	seq.s32 s10, $0x1;
	s10 =	sld [smem:$0x3FB4];
	_ =	sdelay $0x3  }
0x37: {  	[smem:$0x3FB4] =	sst s10  }
0x38: {  	s10 =	sld [smem:$0x3FB5]  }
0x39: {  	_ = 	snop;
	(pc) =	sbr.ind lr, $3  }
0x3a: {  	_ = 	snop  }
0x3b: {  	_ = 	snop  }
0x3c: {  	p2 =	seq.s32 s10, $0x1;
	s10 =	sld [smem:$0x3FB4]  }
0x3d: {  	_ =	shalt  }
0x3e: {  	_ =	shalt  }
0x3f: {  	_ =	shalt  }
0x40: {  	_ =	shalt  }
0x41: {  	_ =	shalt  }
0x42: {  	_ =	shalt  }
0x43: {  	_ =	shalt  }
0x44: {  	_ =	shalt  }
0x45: {  	_ =	shalt  }
0x46: {  	_ =	shalt  }
0x47: {  	_ =	shalt  }
0x48: {  	_ =	shalt  }
0x49: {  	_ =	shalt  }
0x4a: {  	_ =	shalt  }
0x4b: {  	_ =	shalt  }
0x4c: {  	_ =	shalt  }
0x4d: {  	_ =	shalt  }
0x4e: {  	_ =	shalt  }
0x4f: {  	_ =	shalt  }
0x50: {  	_ =	shalt  }
0x51: {  	_ =	shalt  }
0x52: {  	_ =	shalt  }
0x53: {  	_ =	shalt  }
0x54: {  	_ =	shalt  }
0x55: {  	_ =	shalt  }
0x56: {  	_ =	shalt  }
0x57: {  	_ =	shalt  }
0x58: {  	_ =	shalt  }
0x59: {  	_ =	shalt  }
0x5a: {  	_ =	shalt  }
0x5b: {  	_ =	shalt  }
0x5c: {  	_ =	shalt  }
0x5d: {  	_ =	shalt  }
0x5e: {  	_ =	shalt  }
0x5f: {  	_ =	shalt  }
0x60: {  	_ =	shalt  }
0x61: {  	_ =	shalt  }
0x62: {  	_ =	shalt  }
0x63: {  	_ =	shalt  }
0x64: {  	_ =	shalt  }
0x65: {  	_ =	shalt  }
0x66: {  	_ =	shalt  }
0x67: {  	_ =	shalt  }
0x68: {  	_ =	shalt  }
0x69: {  	_ =	shalt  }
0x6a: {  	_ =	shalt  }
0x6b: {  	_ =	shalt  }
0x6c: {  	_ =	shalt  }
0x6d: {  	_ =	shalt  }
0x6e: {  	_ =	shalt  }
0x6f: {  	_ =	shalt  }
0x70: {  	_ =	shalt  }
0x71: {  	_ =	shalt  }
0x72: {  	_ =	shalt  }
0x73: {  	_ =	shalt  }
0x74: {  	_ =	shalt  }
0x75: {  	_ =	shalt  }
0x76: {  	_ =	shalt  }
0x77: {  	_ =	shalt  }
0x78: {  	_ =	shalt  }
0x79: {  	_ =	shalt  }
0x7a: {  	_ =	shalt  }
0x7b: {  	_ =	shalt  }
0x7c: {  	_ =	shalt  }
0x7d: {  	_ =	shalt  }
0x7e: {  	_ =	shalt  }
0x7f: {  	_ =	shalt  }
0x80: {  	_ =	shalt  }
0x81: {  	_ =	shalt  }
0x82: {  	_ =	shalt  }
0x83: {  	_ =	shalt  }
0x84: {  	_ =	shalt  }
0x85: {  	_ =	shalt  }
0x86: {  	_ =	shalt  }
0x87: {  	_ =	shalt  }
.Lfunc_end0:
.L_simem_size_0:
called_computation.1_lowered:
.L_overlay_start_0:
0x88: {  	s2 =	sld [smem:$0x3FD9]  }
0x89: {  	s3 =	sld [smem:$0x3FFE];
	_ =	sdelay $0x1  }
0x8a: {  	s1 =	srdreg.scid  }
0x8b: {  	s0 =	sand.u32 $0x1, s1  }
0x8c: {  	s17 =	sshll.u32 s0, $0xA;
	s2 =	sadd.s32 s3, s2  }
0x8d: {  	s2 =	sadd.s32 s2, s17  }
0x8e: {  	[smem:$0x3FC0] =	sst s2  }
0x8f: {  	_ = 	snop  }
0x90: {  	s18 =	sld [smem:$0x3FC8];
	(tm) =	ssettm $0x1  }
0x91: {  	s19 =	sld [smem:$0x3FFB];
	_ =	sdelay $0x3  }
0x92: {  	_ =	strace s19  }
0x93: {  	s2 =	sld [smem:$0x3FFC];
	_ =	sdelay $0x3  }
0x94: {  	_ =	strace s2  }
0x95: {  	s2 =	sld [smem:$0x3FFD];
	_ =	sdelay $0x3  }
0x96: {  	_ =	strace s2  }
0x97: {  	_ =	strace $0x8FFFFFFF  }
0x98: {  	s20 =	sld [smem:$0x3FDB];
	_ =	sdelay $0x1  }
0x99: {  	s4 =	simm.s32 $_scs_section_size  }
0x9a: {  	s5 =	simm.s32 $_size__tile_overlayer_lowered;
	s6 =	simm.s32 $_tile_overlayer_lowered  }
0x9b: {  	s7 =	simm.s32 $0x1BFF;
	s21 =	sshll.u32 s6, $0x1;
	s4 =	sadd.s32 s4, s20  }
0x9c: {  	s22 =	simm.s32 $0x0;
	s5 =	sshll.u32 s5, $0x1;
	s6 =	sadd.s32 s21, s4  }
0x9d: {  	[timem:s22], [sflag:s7] =	dma.local [hbm:s6], s5  }
0x9e: {  	_ =	swait.ge [sflag:s7], s5  }
0x9f: {  	s5 =	ssub.s32 $0x0, s5;
	[sflag:s7] =	ssyncset.done $0x0  }
0xa0: {  	[sflag:s7] =	ssyncadd.s32 s5;
	_ =	sdelay $0x1  }
0xa1: {  	s23 =	simm.s32 $0x1B8B  }
0xa2: {  	_ =	swait.ge [sflag:s23], $0x1  }
0xa3: {  	[sflag:s23] =	ssyncset.done $0x0  }
0xa4: {  	[sflag:s23] =	ssyncadd.s32 $0xFFFFFFFF  }
0xa5: {  	s5 =	sld [smem:$0x0]  }
0xa6: {  	s6 =	sand.u32 $0xFFFFFFFE, s1  }
0xa7: {  	p0 =	sne.s32 s1, s6  }
0xa8: {  	s6 =	sshll.u32 @p0 s6, $0xE  }
0xa9: {  	s6 =	sadd.s32 @p0 $0x11B8D, s6;
	s7 =	sshll.u32 @p0 s5, $0x11  }
0xaa: {  	s6 =	sor.u32 @p0 s7, s6  }
0xab: {  	[sflag:s6] =	ssyncadd.remote.s32 @p0 $0x1;
	_ =	sdelay $0x1  }
0xac: {  	s6 =	simm.s32 @p0 $0x1B8D  }
0xad: {  	_ =	swait.eq @p0 [sflag:s6], $0x1  }
0xae: {  	[sflag:s6] =	ssyncadd.s32 @p0 $0xFFFFFFFF  }
0xaf: {  	s7 =	sshll.u32 @!p0 s1, $0xE  }
0xb0: {  	s7 =	sor.u32 @!p0 $0x4000, s7;
	s6 =	simm.s32 @!p0 $0x1B8D  }
0xb1: {  	s5 =	sshll.u32 @!p0 s5, $0x11;
	s7 =	sadd.s32 @!p0 $0x11B8D, s7;
	_ =	swait.eq @!p0 [sflag:s6], $0x1  }
0xb2: {  	s5 =	sor.u32 @!p0 s5, s7;
	[sflag:s6] =	ssyncadd.s32 @!p0 $0xFFFFFFFF  }
0xb3: {  	s25 =	simm.s32 $0x1B8E;
	s24 =	sld [smem:$0x3FFE];
	[sflag:s5] =	ssyncadd.remote.s32 @!p0 $0x1  }
0xb4: {  	s26 =	simm.s32 $execute0_lowered;
	[smem:$0x3FD2] =	sst s25  }
0xb5: {  	s6 =	sshll.u32 s26, $0x1;
	_ =	strace $0x80000049;
	[dreg:$0x1] =	wrdreg $0xFFFFFFFF  }
0xb6: {  	s28 =	simm.s32 $_size_execute0_lowered;
	s4 =	sadd.s32 s4, s6;
	[dreg:$0x0] =	wrdreg $0x0  }
0xb7: {  	s6 =	sshll.u32 s28, $0x1;
	[dreg:$0x2] =	wrdreg s4  }
0xb8: {  	[dreg:$0x3] =	wrdreg s6  }
0xb9: {  	[dreg:$0x4] =	wrdreg $0xC0  }
0xba: {  	_ =	task [dreg:s22], $0x5FFFF  }
0xbb: {  	[dreg:$0x1] =	wrdreg $0xFFFFFFFF  }
0xbc: {  	[dreg:$0x0] =	wrdreg $0x60  }
0xbd: {  	[dreg:$0x2] =	wrdreg s18  }
0xbe: {  	[dreg:$0x3] =	wrdreg s24  }
0xbf: {  	[dreg:$0x4] =	wrdreg $0xA  }
0xc0: {  	_ =	task.clear_ibuf [dreg:s22], $0x5FFFF;
	_ =	strace $0x90000049  }
0xc1: {  	s29 =	simm.s32 $0xA;
	_ =	strace $0x8000004B  }
0xc2: {  	_ =	swait.ge [sflag:s29], $0x1  }
0xc3: {  	[sflag:s29] =	ssyncadd.s32 $0xFFFFFFFF  }
0xc4: {  	_ =	strace $0x9000004B  }
0xc5: {  	_ =	sfence  }
0xc6: {  	s30 =	sld [smem:$0x0];
	_ =	sdelay $0x2  }
0xc7: {  	s31 =	sshll.u32 s1, $0xD;
	s1 =	sshrl.u32 s1, $0x2  }
0xc8: {  	s4 =	sand.u32 $0x4000, s31;
	s1 =	sadd.s32 s1, s30  }
0xc9: {  	s0 =	sor.u32 s4, s0;
	s1 =	sshll.u32 s1, $0x11  }
0xca: {  	s0 =	sor.u32 s1, s0  }
0xcb: {  	s0 =	sadd.s32 $0x8F2B, s0  }
0xcc: {  	[sflag:s0] =	ssyncadd.remote.s32 $0x1  }
0xcd: {  	_ =	sfence.sel $0xFFFF  }
0xce: {  	[dreg:$0x0] =	wrdreg $0xFFFFFFFF;
	(pc) =	sbr.abs _section_cstart, $3  }
0xcf: {  	[dreg:$0x1] =	wrdreg $0xFFFFFFFF  }
0xd0: {  	_ =	task.clear_ibuf [dreg:s22], $0x2FFFF;
	_ =	strace $0x9FFFFFFF  }
0xd1: {  	(tm) =	ssettm $0x7FFFFFFF  }
tec
execute0_lowered:
.L_overlay_start_1:
0x0: {  	(tag) =	ssettag $0x1  }
0x1: {  	s1 =	srdreg.scid;
	s0 =	stileid.u32  }
0x2: {  	s2 =	rddreg [dreg:$0x0];
	s3 =	sand.u32 $0x1, s1;
	s31 =	sshll.u32 s0, $0x1  }
0x3: {  	s4 =	rddreg [dreg:$0x1];
	s1 =	sor.u32 s3, s31;
	s5 =	ssub.s32 $0x2, s3  }
0x4: {  	s3 =	simm.s32 $0x0;
	s6 =	smul.u32 $0xC38, s1;
	s1 =	rddreg [dreg:$0x2]  }
0x5: {  	s8 =	sshrl.u32 s5, $0x1;
	[smem:$0x7FF] =	sst s3  }
0x6: {  	s5 =	ssub.s32 s5, s8;
	_ =	strace $0x8000004A;
	s7 =	sshrl.u32 s6, $0x3  }
0x7: {  	s8 =	simm.s32 $0x0;
	s5 =	smax.u32 s5, $0x1;
	s4 =	sadd.s32 s7, s4  }
0x8: {  	v1 =	vlaneseq.u32;
	v0 =	vmov s6;
	s6 =	simm.s32 $0x1;
	s7 =	simm.s32 $0x4000;
	s4 =	sadd.s32 $0x81C00, s4  }
.LBB2_1:
0x9: {  	[tilespmem:s3], [sflag:$0x1] =	stream.linear.gather [hbm4b:s2+s3], $0x4000, $0x38;
	[tilespmem:$0x4C80] =	vst v63  }
0xa: {  	_ =	swait.ge [sflag:s6], $0x4000  }
0xb: {  	s9 =	simm.s32 $0x0;
	[sflag:s6] =	ssyncset.done $0x0  }
0xc: {  	s10 =	simm.s32 $0x0;
	s11 =	simm.s32 $0x0;
	[sflag:s6] =	ssyncadd.s32 $0xFFFFC000  }
.LBB2_2:
0xd: {  	v2 =	vmov s9;
	_ =	sdelay $0x3  }
0xe: {  	s12 =	simm.s32 $0x0  }
0xf: {  	v3 =	vld.idx.msk [tilespmem:v2+s12+$0x0 ss:$0x1], $0xffff;
	_ =	sdelay $0x4  }
0x10: {  	(xrf1) =	vunique.msk.u32 $0xffff, v3;
	_ =	sdelay $0xc  }
0x11: {  	v3 =	vsub.s32 v3, v0  }
0x12: {  	vm0 =	vlt.u32 v3, $0xC38;
	vm1 =	vgt.s32 v3, $0x0;
	_, v4, vm2 =	vpop (xrf1)  }
0x13: {  	v3 =	vnsel vm1, $0x0, v3;
	vm0 =	vmand vm2, vm0  }
0x14: {  	v3 =	vmin.u32 v3, $0xC37;
	_ =	sdelay $0x3  }
0x15: {  	v4 =	vor.u32 s10, v1  }
0x16: {  	s14 =	simm.s32 $0x10;
	s13 =	simm.s32 $0x80;
	s12 =	smov.u32 s10;
	[tilespmem:v3+s7+$0x0] =	vst.idx.msk vm0, v4  }
.LBB2_3:
0x17: {  	p0 =	sne.s32 s13, $0x1C0;
	v3 =	vld.idx.msk [tilespmem:v2+s14+$0x0 ss:$0x1], $0xffff;
	_ =	sdelay $0x5  }
0x18: {  	(xrf1) =	vunique.msk.u32 $0xffff, v3;
	_ =	sdelay $0xc  }
0x19: {  	v3 =	vsub.s32 v3, v0  }
0x1a: {  	vm0 =	vlt.u32 v3, $0xC38;
	vm1 =	vgt.s32 v3, $0x0;
	_, v4, vm2 =	vpop (xrf1)  }
0x1b: {  	v3 =	vnsel vm1, $0x0, v3;
	vm0 =	vmand vm2, vm0  }
0x1c: {  	v3 =	vmin.u32 v3, $0xC37  }
.Ltmp0:
0x1d: {  	(pc) =	sbr.rel @p0 .LBB2_3-.Ltmp0, $4  }
0x1e: {  	_ = 	snop  }
0x1f: {  	s12 =	sadd.s32 $0x10, s12  }
0x20: {  	v4 =	vor.u32 s12, v1  }
0x21: {  	s14 =	sshra.s32 s13, $0x2;
	s13 =	sadd.s32 $0x40, s13;
	[tilespmem:v3+s7+$0x0] =	vst.idx.msk vm0, v4  }
0x22: {  	_ =	sdelay $0x3  }
0x23: {  	v2 =	vld.idx.msk [tilespmem:v2+s14+$0x0 ss:$0x1], $0xffff;
	_ =	sdelay $0x4  }
0x24: {  	(xrf1) =	vunique.msk.u32 $0xffff, v2;
	_ =	sdelay $0xc  }
0x25: {  	v2 =	vsub.s32 v2, v0  }
0x26: {  	vm0 =	vlt.u32 v2, $0xC38;
	vm1 =	vgt.s32 v2, $0x0;
	_, v3, vm2 =	vpop (xrf1)  }
0x27: {  	s11 =	sadd.s32 $0x1, s11;
	v2 =	vnsel vm1, $0x0, v2;
	vm0 =	vmand vm2, vm0  }
0x28: {  	p0 =	sne.s32 s11, $0x80;
	v2 =	vmin.u32 v2, $0xC37  }
.Ltmp1:
0x29: {  	_ = 	snop;
	(pc) =	sbr.rel @p0 .LBB2_2-.Ltmp1, $4  }
0x2a: {  	_ = 	snop  }
0x2b: {  	s12 =	sadd.s32 $0x10, s12  }
0x2c: {  	v3 =	vor.u32 s12, v1  }
0x2d: {  	s10 =	sadd.s32 $0x80, s10;
	s9 =	sadd.s32 $0x80, s9;
	[tilespmem:v2+s7+$0x0] =	vst.idx.msk vm0, v3  }
0x2e: {  	s8 =	sadd.s32 $0x1, s8  }
0x2f: {  	p0 =	sne.s32 s8, s5  }
.Ltmp2:
0x30: {  	_ = 	snop;
	(pc) =	sbr.rel @p0 .LBB2_1-.Ltmp2, $4  }
0x31: {  	[hbm4b:s4+s3] =	stream.linear.scatter [tilespmem:s7], [sflag:$0x1], $0xC38, $0x38;
	[tilespmem:$0x4C80] =	vst v63  }
0x32: {  	_ =	swait.ge [sflag:s6], $0xC38  }
0x33: {  	[sflag:s6] =	ssyncset.done $0x0  }
0x34: {  	[sflag:s6] =	ssyncadd.s32 $0xFFFFF3C8  }
0x35: {  	_ =	sfence.sel $0x180000  }
0x36: {  	[bflag:$0x0] =	sbarrier.arrive $0xFFFF  }
0x37: {  	p0 =	sne.s32 s0, $0x0;
	_ =	strace $0x9000004A  }
0x38: {  	s0 =	sadd.s32 @!p0 $0x100000, s1;
	[bflag:$0x2] =	sbarrier.arrive $0xFFFF  }
0x39: {  	[sflag:s0] =	ssyncadd.tile.s32 @!p0 $0x1;
	_ =	shalt  }
.Lfunc_end2:
_tile_overlayer_lowered:
.L_overlay_start_2:
0x3a: {  	(tag) =	ssettag $0x2  }
0x3b: {  	s0 =	rddreg [dreg:$0x0];
	s2 =	stileid.u32  }
0x3c: {  	s1 =	rddreg [dreg:$0x1];
	p0 =	sne.s32 s2, $0x0  }
0x3d: {  	s3 =	rddreg [dreg:$0x2];
	[bflag:$0x3] =	sbarrier.arrive $0xFFFF;
	s2 =	simm.s32 @!p0 $0x1C01  }
0x3e: {  	[timem:s3], [sflag:s2] =	dma.local @!p0 [hbm:s0], s1  }
0x3f: {  	s0 =	simm.s32 @!p0 $0x1  }
0x40: {  	_ =	swait.ge @!p0 [sflag:s0], s1  }
0x41: {  	s1 =	ssub.s32 @!p0 $0x0, s1;
	[sflag:s0] =	ssyncset.done @!p0 $0x0  }
0x42: {  	[sflag:s0] =	ssyncadd.s32 @!p0 s1  }
0x43: {  	[bflag:$0x3] =	sbarrier.arrive $0xFFFF  }
0x44: {  	_ =	shalt  }

// kernel: kernel.13.cloned.1.call-start
scs
__scs_entry_jumppad:
0x0: {  	(pc) =	sbr.rel $0x88, $3  }
0x1: {  	(tag) =	ssettag $0x0;
	lr =	simm.s32 $0x1  }
0x2: {  	[smem:$0x3F99] =	sst lr;
	_ =	strace $0xD0000000  }
0x3: {  	_ = 	snop  }
0x4: {  	_ = 	snop  }
0x5: {  	_ = 	snop  }
0x6: {  	_ = 	snop  }
0x7: {  	_ = 	snop  }
__scs_overlays_trampoline_lowered:
0x8: {  	[smem:$0x3FA8] =	sst s0  }
0x9: {  	[smem:$0x3FA9] =	sst s1  }
0xa: {  	[smem:$0x3FAA] =	sst s2  }
0xb: {  	[smem:$0x3FAB] =	sst s3  }
0xc: {  	[smem:$0x3FAC] =	sst s4  }
0xd: {  	[smem:$0x3FAD] =	sst s5  }
0xe: {  	[smem:$0x3FAE] =	sst s6  }
0xf: {  	[smem:$0x3FAF] =	sst s7  }
0x10: {  	[smem:$0x3FB0] =	sst s8  }
0x11: {  	[smem:$0x3FB1] =	sst s9;
	s0 =	simm.s32 @!p0 $0x0  }
0x12: {  	s1 =	sld [smem:$0x3F97];
	s0 =	simm.s32 @p0 $0x1  }
0x13: {  	[smem:$0x3FB2] =	sst s0;
	s0 =	simm.s32 @!p1 $0x0  }
0x14: {  	s2 =	sld [smem:$0x3F96];
	s0 =	simm.s32 @p1 $0x1  }
0x15: {  	[smem:$0x3FB3] =	sst s0;
	s0 =	simm.s32 @!p2 $0x0  }
0x16: {  	s3 =	sld [smem:$0x3FDB];
	s0 =	simm.s32 @p2 $0x1  }
0x17: {  	s4 =	simm.s32 $0x1BF5;
	[smem:$0x3FB5] =	sst s0  }
0x18: {  	s0 =	sld [smem:$0x3F98];
	_ =	swait.ge [sflag:s4], $0x0  }
0x19: {  	s7 =	sld [smem:$0x3F99]  }
0x1a: {  	s8 =	sadd.s32 $0xFFFFE003, lr  }
0x1b: {  	s9 =	sadd.s32 $0xFFFFFEF7, lr;
	s5 =	simm.s32 $0xFFFFFFFF;
	p2 =	slt.u32 s8, $0xFFFFF086  }
0x1c: {  	p1 =	slt.u32 s9, $0xF7A;
	s5 =	simm.s32 @!p2 $0x0  }
0x1d: {  	s5 =	simm.s32 @p1 $0x1;
	p0 =	seq.s32 s7, s2  }
0x1e: {  	s7 =	smul.u32 @!p0 $0xF7A, s2;
	p2 =	seq.s32 @!p0 s5, $0x0  }
0x1f: {  	s9 =	smul.u32 $0xF7A, s1;
	s8 =	simm.s32 @!p0 $0x1BF5;
	p2 =	por !p2, p0  }
0x20: {  	[sflag:s8] =	ssyncset.s32 @!p0 $0xFFFFF086;
	s6 =	sadd.s32 @!p0 s3, s7;
	s7 =	simm.s32 @!p0 $0x108  }
0x21: {  	s3 =	sadd.s32 s3, s9;
	s6 =	sadd.s32 @!p0 $0x88, s6;
	s7 =	simm.s32 @p2 $0x1082  }
0x22: {  	[simem:s7], [sflag:s8] =	dma.local @!p0 [hbm:s6], $0xF7A  }
0x23: {  	s9 =	sor.u32 $0xD0000000, s2;
	s6 =	simm.s32 $0x108;
	_ =	swait.ge @!p0 [sflag:s8], $0x0  }
0x24: {  	s3 =	sadd.s32 $0x88, s3;
	s6 =	simm.s32 @!p1 $0x1082;
	[sflag:s4] =	ssyncset.s32 $0xFFFFF086  }
0x25: {  	[simem:s6], [sflag:s4] =	dma.local [hbm:s3], $0xF7A  }
0x26: {  	[smem:$0x3F99] =	sst s1;
	(tag) =	ssettag s2;
	_ =	strace s9  }
0x27: {  	s1 =	sld [smem:$0x3FA9]  }
0x28: {  	s2 =	sld [smem:$0x3FAA]  }
0x29: {  	s4 =	sld [smem:$0x3FAC]  }
0x2a: {  	p0 =	seq.s32 s5, $0x0;
	s5 =	sld [smem:$0x3FAD]  }
0x2b: {  	s6 =	sld [smem:$0x3FAE]  }
0x2c: {  	s7 =	sld [smem:$0x3FAF]  }
0x2d: {  	s3 =	simm.s32 $0x108;
	s8 =	sld [smem:$0x3FB0]  }
0x2e: {  	s3 =	simm.s32 @!p0 $0x1082;
	s9 =	sld [smem:$0x3FB1]  }
0x2f: {  	lr =	sadd.s32 s0, s3;
	s0 =	sld [smem:$0x3FA8]  }
0x30: {  	s3 =	sld [smem:$0x3FAB]  }
0x31: {  	[smem:$0x3FB4] =	sst s10  }
0x32: {  	s10 =	sld [smem:$0x3FB2];
	_ =	sdelay $0x3  }
0x33: {  	p0 =	seq.s32 s10, $0x1;
	s10 =	sld [smem:$0x3FB4];
	_ =	sdelay $0x3  }
0x34: {  	[smem:$0x3FB4] =	sst s10  }
0x35: {  	s10 =	sld [smem:$0x3FB3];
	_ =	sdelay $0x3  }
0x36: {  	p1 =	seq.s32 s10, $0x1;
	s10 =	sld [smem:$0x3FB4];
	_ =	sdelay $0x3  }
0x37: {  	[smem:$0x3FB4] =	sst s10  }
0x38: {  	s10 =	sld [smem:$0x3FB5]  }
0x39: {  	_ = 	snop;
	(pc) =	sbr.ind lr, $3  }
0x3a: {  	_ = 	snop  }
0x3b: {  	_ = 	snop  }
0x3c: {  	p2 =	seq.s32 s10, $0x1;
	s10 =	sld [smem:$0x3FB4]  }
0x3d: {  	_ =	shalt  }
0x3e: {  	_ =	shalt  }
0x3f: {  	_ =	shalt  }
0x40: {  	_ =	shalt  }
0x41: {  	_ =	shalt  }
0x42: {  	_ =	shalt  }
0x43: {  	_ =	shalt  }
0x44: {  	_ =	shalt  }
0x45: {  	_ =	shalt  }
0x46: {  	_ =	shalt  }
0x47: {  	_ =	shalt  }
0x48: {  	_ =	shalt  }
0x49: {  	_ =	shalt  }
0x4a: {  	_ =	shalt  }
0x4b: {  	_ =	shalt  }
0x4c: {  	_ =	shalt  }
0x4d: {  	_ =	shalt  }
0x4e: {  	_ =	shalt  }
0x4f: {  	_ =	shalt  }
0x50: {  	_ =	shalt  }
0x51: {  	_ =	shalt  }
0x52: {  	_ =	shalt  }
0x53: {  	_ =	shalt  }
0x54: {  	_ =	shalt  }
0x55: {  	_ =	shalt  }
0x56: {  	_ =	shalt  }
0x57: {  	_ =	shalt  }
0x58: {  	_ =	shalt  }
0x59: {  	_ =	shalt  }
0x5a: {  	_ =	shalt  }
0x5b: {  	_ =	shalt  }
0x5c: {  	_ =	shalt  }
0x5d: {  	_ =	shalt  }
0x5e: {  	_ =	shalt  }
0x5f: {  	_ =	shalt  }
0x60: {  	_ =	shalt  }
0x61: {  	_ =	shalt  }
0x62: {  	_ =	shalt  }
0x63: {  	_ =	shalt  }
0x64: {  	_ =	shalt  }
0x65: {  	_ =	shalt  }
0x66: {  	_ =	shalt  }
0x67: {  	_ =	shalt  }
0x68: {  	_ =	shalt  }
0x69: {  	_ =	shalt  }
0x6a: {  	_ =	shalt  }
0x6b: {  	_ =	shalt  }
0x6c: {  	_ =	shalt  }
0x6d: {  	_ =	shalt  }
0x6e: {  	_ =	shalt  }
0x6f: {  	_ =	shalt  }
0x70: {  	_ =	shalt  }
0x71: {  	_ =	shalt  }
0x72: {  	_ =	shalt  }
0x73: {  	_ =	shalt  }
0x74: {  	_ =	shalt  }
0x75: {  	_ =	shalt  }
0x76: {  	_ =	shalt  }
0x77: {  	_ =	shalt  }
0x78: {  	_ =	shalt  }
0x79: {  	_ =	shalt  }
0x7a: {  	_ =	shalt  }
0x7b: {  	_ =	shalt  }
0x7c: {  	_ =	shalt  }
0x7d: {  	_ =	shalt  }
0x7e: {  	_ =	shalt  }
0x7f: {  	_ =	shalt  }
0x80: {  	_ =	shalt  }
0x81: {  	_ =	shalt  }
0x82: {  	_ =	shalt  }
0x83: {  	_ =	shalt  }
0x84: {  	_ =	shalt  }
0x85: {  	_ =	shalt  }
0x86: {  	_ =	shalt  }
0x87: {  	_ =	shalt  }
.Lfunc_end0:
.L_simem_size_0:
called_computation.2_lowered:
.L_overlay_start_0:
0x88: {  	s2 =	sld [smem:$0x3FD9]  }
0x89: {  	s3 =	sld [smem:$0x3FFE];
	_ =	sdelay $0x1  }
0x8a: {  	s1 =	srdreg.scid  }
0x8b: {  	s0 =	sand.u32 $0x1, s1  }
0x8c: {  	s17 =	sshll.u32 s0, $0xA;
	s2 =	sadd.s32 s3, s2  }
0x8d: {  	s2 =	sadd.s32 s2, s17  }
0x8e: {  	[smem:$0x3FC0] =	sst s2  }
0x8f: {  	_ = 	snop  }
0x90: {  	s2 =	sld [smem:$0x3FC8]  }
0x91: {  	s18 =	sld [smem:$0x3FD0];
	(tm) =	ssettm $0x1  }
0x92: {  	s4 =	sld [smem:$0x3FFB];
	_ =	sdelay $0x3  }
0x93: {  	_ =	strace s4  }
0x94: {  	s4 =	sld [smem:$0x3FFC];
	_ =	sdelay $0x3  }
0x95: {  	_ =	strace s4  }
0x96: {  	s4 =	sld [smem:$0x3FFD];
	_ =	sdelay $0x3  }
0x97: {  	_ =	strace s4  }
0x98: {  	_ =	strace $0x8FFFFFFF  }
0x99: {  	s19 =	sld [smem:$0x3FDB];
	_ =	sdelay $0x1  }
0x9a: {  	s5 =	simm.s32 $_scs_section_size  }
0x9b: {  	s6 =	simm.s32 $_size__tile_overlayer_lowered;
	s7 =	simm.s32 $_tile_overlayer_lowered  }
0x9c: {  	s22 =	simm.s32 $0x1BFF;
	s21 =	sshll.u32 s7, $0x1;
	s4 =	sadd.s32 s5, s19  }
0x9d: {  	s8 =	simm.s32 $0x0;
	s20 =	sshll.u32 s6, $0x1;
	s6 =	sadd.s32 s21, s4  }
0x9e: {  	[timem:s8], [sflag:s22] =	dma.local [hbm:s6], s20  }
0x9f: {  	_ =	swait.ge [sflag:s22], s20  }
0xa0: {  	s5 =	ssub.s32 $0x0, s20;
	[sflag:s22] =	ssyncset.done $0x0  }
0xa1: {  	[sflag:s22] =	ssyncadd.s32 s5;
	_ =	sdelay $0x1  }
0xa2: {  	s23 =	simm.s32 $0x1B8B  }
0xa3: {  	_ =	swait.ge [sflag:s23], $0x1  }
0xa4: {  	[sflag:s23] =	ssyncset.done $0x0  }
0xa5: {  	s25 =	simm.s32 $0x1B8E;
	s24 =	sld [smem:$0x3FFE];
	[sflag:s23] =	ssyncadd.s32 $0xFFFFFFFF  }
0xa6: {  	s26 =	simm.s32 $execute0_lowered;
	[smem:$0x3FD2] =	sst s25  }
0xa7: {  	s6 =	sshll.u32 s26, $0x1;
	_ =	strace $0x8000004C;
	[dreg:$0x1] =	wrdreg $0xFFFFFFFF  }
0xa8: {  	s28 =	simm.s32 $_size_execute0_lowered;
	s4 =	sadd.s32 s4, s6;
	[dreg:$0x0] =	wrdreg $0x0  }
0xa9: {  	s6 =	sshll.u32 s28, $0x1;
	[dreg:$0x2] =	wrdreg s4  }
0xaa: {  	[dreg:$0x3] =	wrdreg s6  }
0xab: {  	[dreg:$0x4] =	wrdreg $0xC0  }
0xac: {  	_ =	task [dreg:s8], $0x5FFFF  }
0xad: {  	[dreg:$0x1] =	wrdreg $0xFFFFFFFF  }
0xae: {  	[dreg:$0x0] =	wrdreg $0x60  }
0xaf: {  	[dreg:$0x2] =	wrdreg s2  }
0xb0: {  	[dreg:$0x3] =	wrdreg s24  }
0xb1: {  	[dreg:$0x4] =	wrdreg s18  }
0xb2: {  	[dreg:$0x5] =	wrdreg $0x9  }
0xb3: {  	_ =	task.clear_ibuf [dreg:s8], $0x6FFFF;
	_ =	strace $0x9000004C  }
0xb4: {  	s29 =	simm.s32 $0x9;
	_ =	strace $0x8000004E  }
0xb5: {  	_ =	swait.ge [sflag:s29], $0x1  }
0xb6: {  	[sflag:s29] =	ssyncadd.s32 $0xFFFFFFFF  }
0xb7: {  	_ =	strace $0x9000004E  }
0xb8: {  	_ =	sfence  }
0xb9: {  	s30 =	sld [smem:$0x0];
	_ =	sdelay $0x2  }
0xba: {  	s31 =	sshll.u32 s1, $0xD;
	s1 =	sshrl.u32 s1, $0x2  }
0xbb: {  	s3 =	sand.u32 $0x4000, s31;
	s1 =	sadd.s32 s1, s30  }
0xbc: {  	s0 =	sor.u32 s3, s0;
	s1 =	sshll.u32 s1, $0x11  }
0xbd: {  	s0 =	sor.u32 s1, s0  }
0xbe: {  	s0 =	sadd.s32 $0x8F2B, s0  }
0xbf: {  	[sflag:s0] =	ssyncadd.remote.s32 $0x1  }
0xc0: {  	_ =	sfence.sel $0xFFFF  }
0xc1: {  	[dreg:$0x0] =	wrdreg $0xFFFFFFFF;
	(pc) =	sbr.abs _section_cstart, $3  }
0xc2: {  	[dreg:$0x1] =	wrdreg $0xFFFFFFFF  }
0xc3: {  	_ =	task.clear_ibuf [dreg:s8], $0x2FFFF;
	_ =	strace $0x9FFFFFFF  }
0xc4: {  	(tm) =	ssettm $0x7FFFFFFF  }
0xc5: {  	_ =	shalt  }
tec
execute0_lowered:
.L_overlay_start_1:
0x0: {  	(tag) =	ssettag $0x1  }
0x1: {  	s0 =	rddreg [dreg:$0x0];
	s1 =	srdreg.scid  }
0x2: {  	s2 =	stileid.u32;
	s5 =	rddreg [dreg:$0x1];
	s11 =	simm.s32 $0x280  }
0x3: {  	s13 =	simm.s32 $0x100;
	s14 =	simm.s32 $0x300;
	s1 =	sand.u32 $0x1, s1  }
0x4: {  	s3 =	sshll.u32 s2, $0x1;
	s2 =	rddreg [dreg:$0x2];
	s4 =	sadd.s32 $0x81C00, s5  }
0x5: {  	s5 =	sadd.s32 $0x1C00, s5;
	s7 =	sor.u32 s1, s3;
	s3 =	simm.s32 $0x0  }
0x6: {  	s9 =	sshll.u32 s1, $0x9;
	s1 =	ssub.s32 $0x2, s1;
	s6 =	sshll.u32 s7, $0x9  }
0x7: {  	[smem:$0x7FF] =	sst s3;
	s7 =	sshll.u32 s7, $0xE;
	s24 =	sshrl.u32 s1, $0x1  }
0x8: {  	s8 =	sand.u32 $0x3C00, s6;
	_ =	strace $0x8000004D;
	[dreg:$0xf] =	wrdreg s4  }
0x9: {  	s12 =	sor.u32 $0x80, s6;
	s22 =	sadd.s32 s5, s7;
	s7 =	ssub.s32 s1, s24  }
0xa: {  	s10 =	sor.u32 $0x20, s6;
	s4 =	sor.u32 $0x30, s6;
	s17 =	sor.u32 $0x40, s6  }
0xb: {  	s18 =	sor.u32 $0x50, s6;
	s16 =	sor.u32 $0x60, s6;
	s1 =	sor.u32 $0x100, s6  }
0xc: {  	s26 =	sor.u32 $0x70, s6;
	s19 =	sor.u32 $0x90, s6;
	[dreg:$0xa] =	wrdreg s11  }
0xd: {  	s20 =	sor.u32 $0xA0, s6;
	s21 =	sor.u32 $0xB0, s6;
	[dreg:$0xb] =	wrdreg s13  }
0xe: {  	s24 =	sor.u32 $0xE0, s6;
	[dreg:$0xc] =	wrdreg s14;
	s28 =	sor.u32 $0x120, s6  }
0xf: {  	s30 =	sor.u32 $0x140, s6;
	s31 =	sor.u32 $0x150, s6;
	s13 =	sor.u32 $0x160, s6  }
0x10: {  	s14 =	sor.u32 $0x170, s6;
	s11 =	sor.u32 $0x1B0, s6;
	s8 =	sor.u32 s9, s8  }
0x11: {  	s23 =	sshll.u32 s12, $0x5;
	[dreg:$0x5] =	wrdreg s22;
	s9 =	sor.u32 $0x10, s6  }
0x12: {  	[dreg:$0x13] =	wrdreg s26;
	s29 =	sshll.u32 s1, $0x5;
	s22 =	sor.u32 $0xC0, s6  }
0x13: {  	v34 =	vlaneseq.u32;
	s26 =	sor.u32 $0x110, s6;
	[dreg:$0x12] =	wrdreg s11;
	s11 =	sor.u32 $0x1D0, s6  }
0x14: {  	v18 =	vor.u32 s28, v34;
	v20 =	vor.u32 s30, v34;
	v21 =	vor.u32 s31, v34;
	s28 =	simm.s32 $0x2;
	s30 =	simm.s32 $0x2600;
	s31 =	simm.s32 $0x2E00  }
0x15: {  	v8 =	vor.u32 s12, v34;
	v22 =	vor.u32 s13, v34;
	v23 =	vor.u32 s14, v34;
	s12 =	simm.s32 $0x4600;
	s13 =	simm.s32 $0x4E00;
	s14 =	simm.s32 $0x5600  }
0x16: {  	v60 =	vor.u32 s17, v34;
	v62 =	vor.u32 s16, v34;
	v9 =	vor.u32 s19, v34;
	s16 =	simm.s32 $0x6600;
	s17 =	simm.s32 $0x6E00;
	s19 =	simm.s32 $0x7E00  }
0x17: {  	v59 =	vor.u32 s4, v34;
	v10 =	vor.u32 s20, v34;
	v11 =	vor.u32 s21, v34;
	s20 =	simm.s32 $0x8E00;
	s21 =	simm.s32 $0x9600;
	s4 =	simm.s32 $0x600  }
0x18: {  	v58 =	vor.u32 s10, v34;
	v61 =	vor.u32 s18, v34;
	s10 =	simm.s32 $0x5;
	s8 =	sshrl.u32 s8, $0x3;
	s18 =	rddreg [dreg:$0x13]  }
0x19: {  	s25 =	sadd.s32 s5, s23;
	s23 =	sor.u32 $0xD0, s6;
	v17 =	vor.u32 s26, v34;
	s26 =	rddreg [dreg:$0x12]  }
0x1a: {  	v12 =	vor.u32 s22, v34;
	s22 =	simm.s32 $0x3;
	s0 =	sadd.s32 s0, s8;
	[dreg:$0x6] =	wrdreg s25  }
0x1b: {  	v29 =	vor.u32 s11, v34;
	s11 =	simm.s32 $0xC600;
	s8 =	sadd.s32 s5, s29;
	[dreg:$0x4] =	wrdreg s0  }
0x1c: {  	v57 =	vor.u32 s9, v34;
	s9 =	simm.s32 $0xCE00;
	s29 =	simm.s32 $0x380;
	[dreg:$0x7] =	wrdreg s8  }
0x1d: {  	v0 =	vor.u32 s6, v34;
	s0 =	sor.u32 $0x180, s6;
	s8 =	simm.s32 $0x200;
	[dreg:$0xe] =	wrdreg s29  }
0x1e: {  	[tilespmem:$0x1FF80] =	vst v0;
	s15 =	sshll.u32 s0, $0x5;
	[dreg:$0x9] =	wrdreg s8;
	s8 =	sor.u32 $0x1A0, s6  }
0x1f: {  	[tilespmem:$0x1FFA0] =	vst v58;
	s25 =	sor.u32 $0xF0, s6;
	s5 =	sadd.s32 s5, s15;
	[dreg:$0x11] =	wrdreg s8  }
0x20: {  	vm0 =	vmmov $0xffff;
	v33 =	vshrl.u32 v34, $0x3;
	[tilespmem:$0x1FFB0] =	vst v59;
	v63 =	vor.u32 s18, v34;
	s18 =	simm.s32 $0x7600;
	s15 =	simm.s32 $0x180;
	[dreg:$0x8] =	wrdreg s5  }
0x21: {  	v32 =	vand.u32 $0x7, v34;
	v33 =	vmul.u32 $0x8, v33;
	[tilespmem:$0x1FFC0] =	vst v60;
	v13 =	vor.u32 s23, v34;
	s23 =	simm.s32 $0xB600;
	s29 =	sor.u32 $0x130, s6;
	[dreg:$0xd] =	wrdreg s15  }
0x22: {  	v14 =	vor.u32 s24, v34;
	v16 =	vor.u32 s1, v34;
	[tilespmem:$0x1FFD0] =	vst v61;
	v15 =	vor.u32 s25, v34;
	s5 =	smax.u32 s7, $0x1;
	s7 =	sor.u32 $0x1E0, s6;
	s25 =	rddreg [dreg:$0x11]  }
0x23: {  	[tilespmem:$0x1FFE0] =	vst v62;
	v27 =	vor.u32 s26, v34;
	v19 =	vor.u32 s29, v34;
	v24 =	vor.u32 s0, v34;
	s8 =	sor.u32 $0x1C0, s6;
	s15 =	sor.u32 $0x190, s6;
	[dreg:$0x10] =	wrdreg s7  }
0x24: {  	[tilespmem:$0x1FF90] =	vst v57;
	v28 =	vor.u32 s8, v34;
	s8 =	simm.s32 $0xAE00;
	s7 =	sor.u32 $0x1F0, s6;
	v25 =	vor.u32 s15, v34;
	v26 =	vor.u32 s25, v34;
	s29 =	rddreg [dreg:$0x10]  }
0x25: {  	[tilespmem:$0x1FFF0] =	vst v63;
	s6 =	simm.s32 $0x1;
	s15 =	simm.s32 $0x5E00;
	v31 =	vor.u32 s7, v34;
	s7 =	simm.s32 $0xA600;
	v30 =	vor.u32 s29, v34;
	v34 =	vor.u32 $0x8, v34  }
.LBB2_1:
0x26: {  	s24 =	rddreg [dreg:$0x4];
	s0 =	simm.s32 $0x6  }
0x27: {  	[tilespmem:s3], [sflag:$0x6] =	stream.linear.gather [hbm4b:s24+s3], $0x200, $0x38;
	[tilespmem:$0x10600] =	vst v63  }
0x28: {  	_ =	swait.ge [sflag:s0], $0x200  }
0x29: {  	s29 =	rddreg [dreg:$0x9]  }
0x2a: {  	s25 =	rddreg [dreg:$0xa]  }
0x2b: {  	[sflag:s0] =	ssyncset.done $0x0;
	s1 =	rddreg [dreg:$0xf]  }
0x2c: {  	s24 =	rddreg [dreg:$0xb];
	[sflag:s0] =	ssyncadd.s32 $0xFFFFFE00;
	s0 =	simm.s32 $0x80  }
0x2d: {  	[tilespmem:s29], [sflag:$0x1] =	stream.indirect.gather [hbm4b:s1+s0], $0x1, s3, s0, $0xb8;
	[tilespmem:$0x10600] =	vst v63  }
0x2e: {  	s26 =	rddreg [dreg:$0xd]  }
0x2f: {  	[tilespmem:s25], [sflag:$0x1] =	stream.indirect.gather [hbm4b:s1+s0], $0x1, s0, s0, $0xb8;
	[tilespmem:$0x10600] =	vst v63  }
0x30: {  	s25 =	rddreg [dreg:$0xc]  }
0x31: {  	[tilespmem:s25], [sflag:$0x1] =	stream.indirect.gather [hbm4b:s1+s0], $0x1, s24, s0, $0xb8;
	[tilespmem:$0x10600] =	vst v63  }
0x32: {  	s29 =	rddreg [dreg:$0xe]  }
0x33: {  	[tilespmem:s29], [sflag:$0x1] =	stream.indirect.gather [hbm4b:s1+s0], $0x1, s26, s0, $0xb8;
	[tilespmem:$0x10600] =	vst v63  }
0x34: {  	s24 =	rddreg [dreg:$0x5];
	s1 =	simm.s32 $0x600  }
0x35: {  	[tilespmem:s1], [sflag:$0x2] =	stream.linear.gather [hbm4b:s24+s3], $0x8000, $0x38;
	[tilespmem:$0x10600] =	vst v63  }
0x36: {  	s25 =	rddreg [dreg:$0x6];
	s29 =	simm.s32 $0x8600  }
0x37: {  	[tilespmem:s29], [sflag:$0x3] =	stream.linear.gather [hbm4b:s25+s3], $0x8000, $0x38;
	[tilespmem:$0x10600] =	vst v63  }
0x38: {  	_ =	swait.ge [sflag:s6], $0x80  }
0x39: {  	[sflag:s6] =	ssyncset.done $0x0  }
0x3a: {  	[sflag:s6] =	ssyncadd.s32 $0xFFFFFF80  }
0x3b: {  	_ =	swait.ge [sflag:s6], $0x80  }
0x3c: {  	[sflag:s6] =	ssyncset.done $0x0  }
0x3d: {  	[sflag:s6] =	ssyncadd.s32 $0xFFFFFF80  }
0x3e: {  	_ =	swait.ge [sflag:s6], $0x80  }
0x3f: {  	[sflag:s6] =	ssyncset.done $0x0  }
0x40: {  	[sflag:s6] =	ssyncadd.s32 $0xFFFFFF80  }
0x41: {  	_ =	swait.ge [sflag:s6], $0x80  }
0x42: {  	[sflag:s6] =	ssyncset.done $0x0  }
0x43: {  	v7 =	vld [tilespmem:$0x1FF90];
	[sflag:s6] =	ssyncadd.s32 $0xFFFFFF80  }
0x44: {  	v35 =	vld [tilespmem:$0x0]  }
0x45: {  	v36 =	vld [tilespmem:$0x200]  }
0x46: {  	v37 =	vld [tilespmem:$0x10]  }
0x47: {  	v38 =	vld [tilespmem:$0x210]  }
0x48: {  	v39 =	vld [tilespmem:$0x20]  }
0x49: {  	v40 =	vld [tilespmem:$0x220]  }
0x4a: {  	v41 =	vld [tilespmem:$0x30]  }
0x4b: {  	v42 =	vld [tilespmem:$0x230]  }
0x4c: {  	v43 =	vld [tilespmem:$0x40]  }
0x4d: {  	v44 =	vld [tilespmem:$0x240]  }
0x4e: {  	v45 =	vld [tilespmem:$0x50]  }
0x4f: {  	v46 =	vld [tilespmem:$0x250]  }
0x50: {  	v47 =	vld [tilespmem:$0x60]  }
0x51: {  	v48 =	vld [tilespmem:$0x260]  }
0x52: {  	v49 =	vld [tilespmem:$0x70]  }
0x53: {  	v50 =	vld [tilespmem:$0x270]  }
0x54: {  	vm1 =	veq.s32 v38, v7;
	v7 =	vld [tilespmem:$0x1FFA0]  }
0x55: {  	v51 =	vld [tilespmem:$0x80]  }
0x56: {  	v52 =	vld [tilespmem:$0x280]  }
0x57: {  	v53 =	vld [tilespmem:$0x90]  }
0x58: {  	v54 =	vld [tilespmem:$0x290]  }
0x59: {  	v37 =	vnsel vm1, $0x186A0, v37;
	vm1 =	veq.s32 v40, v7;
	v7 =	vld [tilespmem:$0x1FFB0]  }
0x5a: {  	v55 =	vld [tilespmem:$0xA0]  }
0x5b: {  	v56 =	vld [tilespmem:$0x2A0]  }
0x5c: {  	v57 =	vld [tilespmem:$0xB0]  }
0x5d: {  	v58 =	vld [tilespmem:$0x2B0]  }
0x5e: {  	[tilespmem:$0x410] =	vst v37;
	v37 =	vnsel vm1, $0x186A0, v39;
	vm1 =	veq.s32 v42, v7;
	v7 =	vld [tilespmem:$0x1FFC0]  }
0x5f: {  	v59 =	vld [tilespmem:$0xC0]  }
0x60: {  	v60 =	vld [tilespmem:$0x2C0]  }
0x61: {  	v61 =	vld [tilespmem:$0xD0]  }
0x62: {  	v62 =	vld [tilespmem:$0x2D0]  }
0x63: {  	[tilespmem:$0x420] =	vst v37;
	v37 =	vnsel vm1, $0x186A0, v41;
	vm1 =	veq.s32 v44, v7;
	v7 =	vld [tilespmem:$0x1FFD0]  }
0x64: {  	v63 =	vld [tilespmem:$0xE0]  }
0x65: {  	v0 =	vld [tilespmem:$0x2E0]  }
0x66: {  	v1 =	vld [tilespmem:$0xF0]  }
0x67: {  	v2 =	vld [tilespmem:$0x2F0]  }
0x68: {  	[tilespmem:$0x430] =	vst v37;
	v37 =	vnsel vm1, $0x186A0, v43;
	vm1 =	veq.s32 v46, v7;
	v7 =	vld [tilespmem:$0x1FFE0]  }
0x69: {  	v3 =	vld [tilespmem:$0x100]  }
0x6a: {  	v4 =	vld [tilespmem:$0x300]  }
0x6b: {  	v5 =	vld [tilespmem:$0x110]  }
0x6c: {  	v6 =	vld [tilespmem:$0x310]  }
0x6d: {  	v46 =	vnsel vm1, $0x186A0, v45;
	vm1 =	veq.s32 v48, v7;
	v7 =	vld [tilespmem:$0x1FFF0]  }
0x6e: {  	v38 =	vld [tilespmem:$0x120]  }
0x6f: {  	v40 =	vld [tilespmem:$0x320]  }
0x70: {  	v39 =	vld [tilespmem:$0x130]  }
0x71: {  	v42 =	vld [tilespmem:$0x140]  }
0x72: {  	v41 =	vld [tilespmem:$0x330];
	v48 =	vnsel vm1, $0x186A0, v47;
	vm1 =	veq.s32 v50, v7  }
0x73: {  	v44 =	vld [tilespmem:$0x150];
	v50 =	vnsel vm1, $0x186A0, v49;
	vm1 =	veq.s32 v52, v8  }
0x74: {  	v43 =	vld [tilespmem:$0x340];
	[tilespmem:$0x440] =	vst v37;
	v52 =	vnsel vm1, $0x186A0, v51;
	vm1 =	veq.s32 v54, v9  }
0x75: {  	v45 =	vld [tilespmem:$0x350];
	[tilespmem:$0x450] =	vst v46;
	v54 =	vnsel vm1, $0x186A0, v53;
	vm1 =	veq.s32 v56, v10  }
0x76: {  	v46 =	vld [tilespmem:$0x160];
	[tilespmem:$0x460] =	vst v48;
	v56 =	vnsel vm1, $0x186A0, v55;
	vm1 =	veq.s32 v58, v11  }
0x77: {  	v47 =	vld [tilespmem:$0x360];
	[tilespmem:$0x470] =	vst v50;
	v58 =	vnsel vm1, $0x186A0, v57;
	vm1 =	veq.s32 v60, v12  }
0x78: {  	v48 =	vld [tilespmem:$0x170];
	[tilespmem:$0x480] =	vst v52;
	v60 =	vnsel vm1, $0x186A0, v59;
	vm1 =	veq.s32 v62, v13  }
0x79: {  	v49 =	vld [tilespmem:$0x370];
	[tilespmem:$0x490] =	vst v54;
	v62 =	vnsel vm1, $0x186A0, v61;
	vm1 =	veq.s32 v0, v14  }
0x7a: {  	v50 =	vld [tilespmem:$0x180];
	[tilespmem:$0x4A0] =	vst v56;
	v63 =	vnsel vm1, $0x186A0, v63;
	vm1 =	veq.s32 v2, v15  }
0x7b: {  	v52 =	vld [tilespmem:$0x1A0];
	[tilespmem:$0x4B0] =	vst v58;
	v1 =	vnsel vm1, $0x186A0, v1;
	vm1 =	veq.s32 v4, v16  }
0x7c: {  	v54 =	vld [tilespmem:$0x3A0];
	[tilespmem:$0x4C0] =	vst v60;
	v51 =	vnsel vm1, $0x186A0, v3;
	vm1 =	veq.s32 v6, v17  }
0x7d: {  	v57 =	vld [tilespmem:$0x3B0];
	[tilespmem:$0x4D0] =	vst v62;
	v53 =	vnsel vm1, $0x186A0, v5;
	vm1 =	veq.s32 v40, v18  }
0x7e: {  	v59 =	vld [tilespmem:$0x1C0];
	[tilespmem:$0x4E0] =	vst v63;
	v55 =	vnsel vm1, $0x186A0, v38;
	vm1 =	veq.s32 v41, v19  }
0x7f: {  	v0 =	vld [tilespmem:$0x380];
	[tilespmem:$0x4F0] =	vst v1;
	v56 =	vnsel vm1, $0x186A0, v39;
	vm1 =	veq.s32 v43, v20  }
0x80: {  	v61 =	vld [tilespmem:$0x3C0];
	[tilespmem:$0x500] =	vst v51;
	v58 =	vnsel vm1, $0x186A0, v42;
	vm1 =	veq.s32 v45, v21  }
0x81: {  	v2 =	vld [tilespmem:$0x190];
	[tilespmem:$0x510] =	vst v53;
	v60 =	vnsel vm1, $0x186A0, v44;
	vm1 =	veq.s32 v47, v22  }
0x82: {  	v4 =	vld [tilespmem:$0x390];
	[tilespmem:$0x520] =	vst v55;
	v62 =	vnsel vm1, $0x186A0, v46;
	vm1 =	veq.s32 v49, v23  }
0x83: {  	[tilespmem:$0x530] =	vst v56;
	v44 =	vnsel vm1, $0x186A0, v48;
	v48 =	vld [tilespmem:$0x1FF80]  }
0x84: {  	v63 =	vld [tilespmem:$0x1D0];
	[tilespmem:$0x540] =	vst v58  }
0x85: {  	v6 =	vld [tilespmem:$0x1B0];
	[tilespmem:$0x550] =	vst v60  }
0x86: {  	v53 =	vld [tilespmem:$0x3F0];
	[tilespmem:$0x560] =	vst v62;
	vm1 =	veq.s32 v0, v24  }
0x87: {  	v45 =	vld [tilespmem:$0x3D0];
	[tilespmem:$0x570] =	vst v44;
	v46 =	vnsel vm1, $0x186A0, v50;
	vm1 =	veq.s32 v4, v25  }
0x88: {  	v50 =	vld [tilespmem:$0x3E0];
	[tilespmem:$0x580] =	vst v46;
	v49 =	vnsel vm1, $0x186A0, v2;
	vm1 =	veq.s32 v54, v26;
	vm2 =	veq.s32 v36, v48  }
0x89: {  	v47 =	vld [tilespmem:$0x1E0];
	[tilespmem:$0x590] =	vst v49;
	v52 =	vnsel vm1, $0x186A0, v52;
	vm1 =	veq.s32 v57, v27;
	v51 =	vnsel vm2, $0x186A0, v35  }
0x8a: {  	[tilespmem:$0x5A0] =	vst v52;
	v54 =	vnsel vm1, $0x186A0, v6;
	v6 =	vld [tilespmem:$0x1F0];
	vm1 =	veq.s32 v61, v28;
	v35 =	vshll.u32 v51, $0x1  }
0x8b: {  	[tilespmem:$0x5B0] =	vst v54;
	v55 =	vnsel vm1, $0x186A0, v59;
	v5 =	vand.u32 $0x7, v51;
	v35 =	vand.u32 $0xFFFFFFF0, v35  }
0x8c: {  	vm1 =	veq.s32 v45, v29;
	[tilespmem:$0x5C0] =	vst v55;
	v56 =	vor.u32 v5, v35  }
0x8d: {  	v57 =	vnsel vm1, $0x186A0, v63;
	vm1 =	veq.s32 v50, v30;
	[tilespmem:$0x400] =	vst v51;
	v58 =	vperm.xlane v56, v32  }
0x8e: {  	[tilespmem:$0x5D0] =	vst v57;
	v59 =	vnsel vm1, $0x186A0, v47;
	vm1 =	veq.s32 v53, v31  }
0x8f: {  	[tilespmem:$0x5E0] =	vst v59;
	v60 =	vnsel vm1, $0x186A0, v6;
	v0 =	vperm.xlane v56, v34;
	v2 =	vadd.s32 v33, v58  }
0x90: {  	[tilespmem:$0x5F0] =	vst v60  }
0x91: {  	_ =	swait.ge [sflag:s28], $0x8000;
	v0 =	vadd.s32 v33, v0  }
0x92: {  	[sflag:s28] =	ssyncset.done $0x0  }
0x93: {  	s26 =	simm.s32 $0x600;
	[sflag:s28] =	ssyncadd.s32 $0xFFFF8000  }
0x94: {  	[hbm4b:s2+s3] =	stream.indirect_vreg.scatter [tilespmem:s26], [sflag:$0x4], $0x80, v2, vm0, $0xb8;
	[tilespmem:$0x10600] =	vst v63  }
0x95: {  	s25 =	simm.s32 $0xE00  }
0x96: {  	[hbm4b:s2+s3] =	stream.indirect_vreg.scatter [tilespmem:s25], [sflag:$0x4], $0x80, v0, vm0, $0xb8;
	[tilespmem:$0x10600] =	vst v63  }
0x97: {  	v0 =	vld [tilespmem:$0x410];
	_ =	sdelay $0x4  }
0x98: {  	v61 =	vshll.u32 v0, $0x1  }
0x99: {  	v0 =	vand.u32 $0x7, v0;
	v1 =	vand.u32 $0xFFFFFFF0, v61  }
0x9a: {  	v0 =	vor.u32 v0, v1  }
0x9b: {  	v1 =	vperm.xlane v0, v32;
	_ =	sdelay $0x1  }
0x9c: {  	v0 =	vperm.xlane v0, v34;
	v1 =	vadd.s32 v33, v1;
	_ =	sdelay $0x1  }
0x9d: {  	v0 =	vadd.s32 v33, v0;
	_ =	sdelay $0x1  }
0x9e: {  	s26 =	simm.s32 $0x1600  }
0x9f: {  	[hbm4b:s2+s3] =	stream.indirect_vreg.scatter [tilespmem:s26], [sflag:$0x4], $0x80, v1, vm0, $0xb8;
	[tilespmem:$0x10600] =	vst v63  }
0xa0: {  	s29 =	simm.s32 $0x1E00  }
0xa1: {  	[hbm4b:s2+s3] =	stream.indirect_vreg.scatter [tilespmem:s29], [sflag:$0x4], $0x80, v0, vm0, $0xb8;
	[tilespmem:$0x10600] =	vst v63  }
0xa2: {  	v0 =	vld [tilespmem:$0x420];
	_ =	sdelay $0x4  }
0xa3: {  	v62 =	vshll.u32 v0, $0x1  }
0xa4: {  	v0 =	vand.u32 $0x7, v0;
	v1 =	vand.u32 $0xFFFFFFF0, v62  }
0xa5: {  	v0 =	vor.u32 v0, v1  }
0xa6: {  	v1 =	vperm.xlane v0, v32;
	_ =	sdelay $0x1  }
0xa7: {  	v0 =	vperm.xlane v0, v34;
	v1 =	vadd.s32 v33, v1;
	_ =	sdelay $0x1  }
0xa8: {  	v0 =	vadd.s32 v33, v0;
	_ =	sdelay $0x2  }
0xa9: {  	[hbm4b:s2+s3] =	stream.indirect_vreg.scatter [tilespmem:s30], [sflag:$0x4], $0x80, v1, vm0, $0xb8;
	[tilespmem:$0x10600] =	vst v63  }
0xaa: {  	_ = 	snop  }
0xab: {  	[hbm4b:s2+s3] =	stream.indirect_vreg.scatter [tilespmem:s31], [sflag:$0x4], $0x80, v0, vm0, $0xb8;
	[tilespmem:$0x10600] =	vst v63  }
0xac: {  	v0 =	vld [tilespmem:$0x430];
	_ =	sdelay $0x4  }
0xad: {  	v63 =	vshll.u32 v0, $0x1  }
0xae: {  	v0 =	vand.u32 $0x7, v0;
	v1 =	vand.u32 $0xFFFFFFF0, v63  }
0xaf: {  	v0 =	vor.u32 v0, v1  }
0xb0: {  	v1 =	vperm.xlane v0, v32;
	_ =	sdelay $0x1  }
0xb1: {  	v0 =	vperm.xlane v0, v34;
	v1 =	vadd.s32 v33, v1;
	_ =	sdelay $0x1  }
0xb2: {  	v0 =	vadd.s32 v33, v0;
	_ =	sdelay $0x1  }
0xb3: {  	s24 =	simm.s32 $0x3600  }
0xb4: {  	[hbm4b:s2+s3] =	stream.indirect_vreg.scatter [tilespmem:s24], [sflag:$0x4], $0x80, v1, vm0, $0xb8;
	[tilespmem:$0x10600] =	vst v63  }
0xb5: {  	s1 =	simm.s32 $0x3E00  }
0xb6: {  	[hbm4b:s2+s3] =	stream.indirect_vreg.scatter [tilespmem:s1], [sflag:$0x4], $0x80, v0, vm0, $0xb8;
	[tilespmem:$0x10600] =	vst v63  }
0xb7: {  	v0 =	vld [tilespmem:$0x440];
	_ =	sdelay $0x4  }
0xb8: {  	v4 =	vshll.u32 v0, $0x1  }
0xb9: {  	v0 =	vand.u32 $0x7, v0;
	v1 =	vand.u32 $0xFFFFFFF0, v4  }
0xba: {  	v0 =	vor.u32 v0, v1  }
0xbb: {  	v1 =	vperm.xlane v0, v32;
	_ =	sdelay $0x1  }
0xbc: {  	v0 =	vperm.xlane v0, v34;
	v1 =	vadd.s32 v33, v1;
	_ =	sdelay $0x1  }
0xbd: {  	v0 =	vadd.s32 v33, v0;
	_ =	sdelay $0x2  }
0xbe: {  	[hbm4b:s2+s3] =	stream.indirect_vreg.scatter [tilespmem:s12], [sflag:$0x4], $0x80, v1, vm0, $0xb8;
	[tilespmem:$0x10600] =	vst v63  }
0xbf: {  	_ = 	snop  }
0xc0: {  	[hbm4b:s2+s3] =	stream.indirect_vreg.scatter [tilespmem:s13], [sflag:$0x4], $0x80, v0, vm0, $0xb8;
	[tilespmem:$0x10600] =	vst v63  }
0xc1: {  	v0 =	vld [tilespmem:$0x450];
	_ =	sdelay $0x4  }
0xc2: {  	v5 =	vshll.u32 v0, $0x1  }
0xc3: {  	v0 =	vand.u32 $0x7, v0;
	v1 =	vand.u32 $0xFFFFFFF0, v5  }
0xc4: {  	v0 =	vor.u32 v0, v1  }
0xc5: {  	v1 =	vperm.xlane v0, v32;
	_ =	sdelay $0x1  }
0xc6: {  	v0 =	vperm.xlane v0, v34;
	v1 =	vadd.s32 v33, v1;
	_ =	sdelay $0x1  }
0xc7: {  	v0 =	vadd.s32 v33, v0;
	_ =	sdelay $0x2  }
0xc8: {  	[hbm4b:s2+s3] =	stream.indirect_vreg.scatter [tilespmem:s14], [sflag:$0x4], $0x80, v1, vm0, $0xb8;
	[tilespmem:$0x10600] =	vst v63  }
0xc9: {  	_ = 	snop  }
0xca: {  	[hbm4b:s2+s3] =	stream.indirect_vreg.scatter [tilespmem:s15], [sflag:$0x4], $0x80, v0, vm0, $0xb8;
	[tilespmem:$0x10600] =	vst v63  }
0xcb: {  	v0 =	vld [tilespmem:$0x460];
	_ =	sdelay $0x4  }
0xcc: {  	v35 =	vshll.u32 v0, $0x1  }
0xcd: {  	v0 =	vand.u32 $0x7, v0;
	v1 =	vand.u32 $0xFFFFFFF0, v35  }
0xce: {  	v0 =	vor.u32 v0, v1  }
0xcf: {  	v1 =	vperm.xlane v0, v32;
	_ =	sdelay $0x1  }
0xd0: {  	v0 =	vperm.xlane v0, v34;
	v1 =	vadd.s32 v33, v1;
	_ =	sdelay $0x1  }
0xd1: {  	v0 =	vadd.s32 v33, v0;
	_ =	sdelay $0x2  }
0xd2: {  	[hbm4b:s2+s3] =	stream.indirect_vreg.scatter [tilespmem:s16], [sflag:$0x4], $0x80, v1, vm0, $0xb8;
	[tilespmem:$0x10600] =	vst v63  }
0xd3: {  	_ = 	snop  }
0xd4: {  	[hbm4b:s2+s3] =	stream.indirect_vreg.scatter [tilespmem:s17], [sflag:$0x4], $0x80, v0, vm0, $0xb8;
	[tilespmem:$0x10600] =	vst v63  }
0xd5: {  	v0 =	vld [tilespmem:$0x470];
	_ =	sdelay $0x4  }
0xd6: {  	v36 =	vshll.u32 v0, $0x1  }
0xd7: {  	v0 =	vand.u32 $0x7, v0;
	v1 =	vand.u32 $0xFFFFFFF0, v36  }
0xd8: {  	v0 =	vor.u32 v0, v1  }
0xd9: {  	v1 =	vperm.xlane v0, v32;
	_ =	sdelay $0x1  }
0xda: {  	v0 =	vperm.xlane v0, v34;
	v1 =	vadd.s32 v33, v1;
	_ =	sdelay $0x1  }
0xdb: {  	v0 =	vadd.s32 v33, v0;
	_ =	sdelay $0x2  }
0xdc: {  	[hbm4b:s2+s3] =	stream.indirect_vreg.scatter [tilespmem:s18], [sflag:$0x4], $0x80, v1, vm0, $0xb8;
	[tilespmem:$0x10600] =	vst v63  }
0xdd: {  	_ = 	snop  }
0xde: {  	[hbm4b:s2+s3] =	stream.indirect_vreg.scatter [tilespmem:s19], [sflag:$0x4], $0x80, v0, vm0, $0xb8;
	[tilespmem:$0x10600] =	vst v63  }
0xdf: {  	_ =	swait.ge [sflag:s22], $0x8000  }
0xe0: {  	[sflag:s22] =	ssyncset.done $0x0  }
0xe1: {  	[sflag:s22] =	ssyncadd.s32 $0xFFFF8000  }
0xe2: {  	v37 =	vld [tilespmem:$0x480];
	_ =	sdelay $0x4  }
0xe3: {  	v38 =	vshll.u32 v37, $0x1  }
0xe4: {  	v0 =	vand.u32 $0x7, v37;
	v1 =	vand.u32 $0xFFFFFFF0, v38  }
0xe5: {  	v0 =	vor.u32 v0, v1  }
0xe6: {  	v1 =	vperm.xlane v0, v32;
	_ =	sdelay $0x1  }
0xe7: {  	v0 =	vperm.xlane v0, v34;
	v1 =	vadd.s32 v33, v1;
	_ =	sdelay $0x1  }
0xe8: {  	v0 =	vadd.s32 v33, v0;
	_ =	sdelay $0x1  }
0xe9: {  	s1 =	simm.s32 $0x8600  }
0xea: {  	[hbm4b:s2+s3] =	stream.indirect_vreg.scatter [tilespmem:s1], [sflag:$0x5], $0x80, v1, vm0, $0xb8;
	[tilespmem:$0x10600] =	vst v63  }
0xeb: {  	_ = 	snop  }
0xec: {  	[hbm4b:s2+s3] =	stream.indirect_vreg.scatter [tilespmem:s20], [sflag:$0x5], $0x80, v0, vm0, $0xb8;
	[tilespmem:$0x10600] =	vst v63  }
0xed: {  	v0 =	vld [tilespmem:$0x490];
	_ =	sdelay $0x4  }
0xee: {  	v39 =	vshll.u32 v0, $0x1  }
0xef: {  	v0 =	vand.u32 $0x7, v0;
	v1 =	vand.u32 $0xFFFFFFF0, v39  }
0xf0: {  	v0 =	vor.u32 v0, v1  }
0xf1: {  	v1 =	vperm.xlane v0, v32;
	_ =	sdelay $0x1  }
0xf2: {  	v0 =	vperm.xlane v0, v34;
	v1 =	vadd.s32 v33, v1;
	_ =	sdelay $0x1  }
0xf3: {  	v0 =	vadd.s32 v33, v0;
	_ =	sdelay $0x2  }
0xf4: {  	[hbm4b:s2+s3] =	stream.indirect_vreg.scatter [tilespmem:s21], [sflag:$0x5], $0x80, v1, vm0, $0xb8;
	[tilespmem:$0x10600] =	vst v63  }
0xf5: {  	s24 =	simm.s32 $0x9E00  }
0xf6: {  	[hbm4b:s2+s3] =	stream.indirect_vreg.scatter [tilespmem:s24], [sflag:$0x5], $0x80, v0, vm0, $0xb8;
	[tilespmem:$0x10600] =	vst v63  }
0xf7: {  	v0 =	vld [tilespmem:$0x4A0];
	_ =	sdelay $0x4  }
0xf8: {  	v40 =	vshll.u32 v0, $0x1  }
0xf9: {  	v0 =	vand.u32 $0x7, v0;
	v1 =	vand.u32 $0xFFFFFFF0, v40  }
0xfa: {  	v0 =	vor.u32 v0, v1  }
0xfb: {  	v1 =	vperm.xlane v0, v32;
	_ =	sdelay $0x1  }
0xfc: {  	v0 =	vperm.xlane v0, v34;
	v1 =	vadd.s32 v33, v1;
	_ =	sdelay $0x1  }
0xfd: {  	v0 =	vadd.s32 v33, v0;
	_ =	sdelay $0x2  }
0xfe: {  	[hbm4b:s2+s3] =	stream.indirect_vreg.scatter [tilespmem:s7], [sflag:$0x5], $0x80, v1, vm0, $0xb8;
	[tilespmem:$0x10600] =	vst v63  }
0xff: {  	_ = 	snop  }
0x100: {  	[hbm4b:s2+s3] =	stream.indirect_vreg.scatter [tilespmem:s8], [sflag:$0x5], $0x80, v0, vm0, $0xb8;
	[tilespmem:$0x10600] =	vst v63  }
0x101: {  	v0 =	vld [tilespmem:$0x4B0];
	_ =	sdelay $0x4  }
0x102: {  	v41 =	vshll.u32 v0, $0x1  }
0x103: {  	v0 =	vand.u32 $0x7, v0;
	v1 =	vand.u32 $0xFFFFFFF0, v41  }
0x104: {  	v0 =	vor.u32 v0, v1  }
0x105: {  	v1 =	vperm.xlane v0, v32;
	_ =	sdelay $0x1  }
0x106: {  	v0 =	vperm.xlane v0, v34;
	v1 =	vadd.s32 v33, v1;
	_ =	sdelay $0x1  }
0x107: {  	v0 =	vadd.s32 v33, v0;
	_ =	sdelay $0x2  }
0x108: {  	[hbm4b:s2+s3] =	stream.indirect_vreg.scatter [tilespmem:s23], [sflag:$0x5], $0x80, v1, vm0, $0xb8;
	[tilespmem:$0x10600] =	vst v63  }
0x109: {  	s24 =	simm.s32 $0xBE00  }
0x10a: {  	[hbm4b:s2+s3] =	stream.indirect_vreg.scatter [tilespmem:s24], [sflag:$0x5], $0x80, v0, vm0, $0xb8;
	[tilespmem:$0x10600] =	vst v63  }
0x10b: {  	v0 =	vld [tilespmem:$0x4C0];
	_ =	sdelay $0x4  }
0x10c: {  	v42 =	vshll.u32 v0, $0x1  }
0x10d: {  	v0 =	vand.u32 $0x7, v0;
	v1 =	vand.u32 $0xFFFFFFF0, v42  }
0x10e: {  	v0 =	vor.u32 v0, v1  }
0x10f: {  	v1 =	vperm.xlane v0, v32;
	_ =	sdelay $0x1  }
0x110: {  	v0 =	vperm.xlane v0, v34;
	v1 =	vadd.s32 v33, v1;
	_ =	sdelay $0x1  }
0x111: {  	v0 =	vadd.s32 v33, v0;
	_ =	sdelay $0x2  }
0x112: {  	[hbm4b:s2+s3] =	stream.indirect_vreg.scatter [tilespmem:s11], [sflag:$0x5], $0x80, v1, vm0, $0xb8;
	[tilespmem:$0x10600] =	vst v63  }
0x113: {  	_ = 	snop  }
0x114: {  	[hbm4b:s2+s3] =	stream.indirect_vreg.scatter [tilespmem:s9], [sflag:$0x5], $0x80, v0, vm0, $0xb8;
	[tilespmem:$0x10600] =	vst v63  }
0x115: {  	v0 =	vld [tilespmem:$0x4D0];
	_ =	sdelay $0x4  }
0x116: {  	v43 =	vshll.u32 v0, $0x1  }
0x117: {  	v0 =	vand.u32 $0x7, v0;
	v1 =	vand.u32 $0xFFFFFFF0, v43  }
0x118: {  	v0 =	vor.u32 v0, v1  }
0x119: {  	v1 =	vperm.xlane v0, v32;
	_ =	sdelay $0x1  }
0x11a: {  	v0 =	vperm.xlane v0, v34;
	v1 =	vadd.s32 v33, v1;
	_ =	sdelay $0x1  }
0x11b: {  	v0 =	vadd.s32 v33, v0;
	_ =	sdelay $0x1  }
0x11c: {  	s24 =	simm.s32 $0xD600  }
0x11d: {  	[hbm4b:s2+s3] =	stream.indirect_vreg.scatter [tilespmem:s24], [sflag:$0x5], $0x80, v1, vm0, $0xb8;
	[tilespmem:$0x10600] =	vst v63  }
0x11e: {  	s24 =	simm.s32 $0xDE00  }
0x11f: {  	[hbm4b:s2+s3] =	stream.indirect_vreg.scatter [tilespmem:s24], [sflag:$0x5], $0x80, v0, vm0, $0xb8;
	[tilespmem:$0x10600] =	vst v63  }
0x120: {  	v0 =	vld [tilespmem:$0x4E0];
	_ =	sdelay $0x4  }
0x121: {  	v44 =	vshll.u32 v0, $0x1  }
0x122: {  	v0 =	vand.u32 $0x7, v0;
	v1 =	vand.u32 $0xFFFFFFF0, v44  }
0x123: {  	v0 =	vor.u32 v0, v1  }
0x124: {  	v1 =	vperm.xlane v0, v32;
	_ =	sdelay $0x1  }
0x125: {  	v0 =	vperm.xlane v0, v34;
	v1 =	vadd.s32 v33, v1;
	_ =	sdelay $0x1  }
0x126: {  	v0 =	vadd.s32 v33, v0;
	_ =	sdelay $0x1  }
0x127: {  	s24 =	simm.s32 $0xE600  }
0x128: {  	[hbm4b:s2+s3] =	stream.indirect_vreg.scatter [tilespmem:s24], [sflag:$0x5], $0x80, v1, vm0, $0xb8;
	[tilespmem:$0x10600] =	vst v63  }
0x129: {  	s24 =	simm.s32 $0xEE00  }
0x12a: {  	[hbm4b:s2+s3] =	stream.indirect_vreg.scatter [tilespmem:s24], [sflag:$0x5], $0x80, v0, vm0, $0xb8;
	[tilespmem:$0x10600] =	vst v63  }
0x12b: {  	v0 =	vld [tilespmem:$0x4F0];
	_ =	sdelay $0x4  }
0x12c: {  	v45 =	vshll.u32 v0, $0x1  }
0x12d: {  	v0 =	vand.u32 $0x7, v0;
	v1 =	vand.u32 $0xFFFFFFF0, v45  }
0x12e: {  	v0 =	vor.u32 v0, v1  }
0x12f: {  	v1 =	vperm.xlane v0, v32;
	_ =	sdelay $0x1  }
0x130: {  	v0 =	vperm.xlane v0, v34;
	v1 =	vadd.s32 v33, v1;
	_ =	sdelay $0x1  }
0x131: {  	v0 =	vadd.s32 v33, v0;
	_ =	sdelay $0x1  }
0x132: {  	s24 =	simm.s32 $0xF600  }
0x133: {  	[hbm4b:s2+s3] =	stream.indirect_vreg.scatter [tilespmem:s24], [sflag:$0x5], $0x80, v1, vm0, $0xb8;
	[tilespmem:$0x10600] =	vst v63  }
0x134: {  	s0 =	simm.s32 $0x4;
	s24 =	simm.s32 $0xFE00  }
0x135: {  	[hbm4b:s2+s3] =	stream.indirect_vreg.scatter [tilespmem:s24], [sflag:$0x5], $0x80, v0, vm0, $0xb8;
	[tilespmem:$0x10600] =	vst v63  }
0x136: {  	_ =	swait.ge [sflag:s0], $0x8000  }
0x137: {  	[sflag:s0] =	ssyncset.done $0x0  }
0x138: {  	s24 =	rddreg [dreg:$0x7];
	[sflag:s0] =	ssyncadd.s32 $0xFFFF8000  }
0x139: {  	[tilespmem:s4], [sflag:$0x2] =	stream.linear.gather [hbm4b:s24+s3], $0x8000, $0x38;
	[tilespmem:$0x10600] =	vst v63  }
0x13a: {  	_ =	swait.ge [sflag:s10], $0x8000  }
0x13b: {  	[sflag:s10] =	ssyncset.done $0x0  }
0x13c: {  	s24 =	rddreg [dreg:$0x8];
	[sflag:s10] =	ssyncadd.s32 $0xFFFF8000  }
0x13d: {  	[tilespmem:s1], [sflag:$0x3] =	stream.linear.gather [hbm4b:s24+s3], $0x8000, $0x38;
	[tilespmem:$0x10600] =	vst v63  }
0x13e: {  	_ =	swait.ge [sflag:s28], $0x8000  }
0x13f: {  	[sflag:s28] =	ssyncset.done $0x0  }
0x140: {  	[sflag:s28] =	ssyncadd.s32 $0xFFFF8000  }
0x141: {  	v46 =	vld [tilespmem:$0x500];
	_ =	sdelay $0x4  }
0x142: {  	v47 =	vshll.u32 v46, $0x1  }
0x143: {  	v0 =	vand.u32 $0x7, v46;
	v1 =	vand.u32 $0xFFFFFFF0, v47  }
0x144: {  	v0 =	vor.u32 v0, v1  }
0x145: {  	v1 =	vperm.xlane v0, v32;
	_ =	sdelay $0x1  }
0x146: {  	v0 =	vperm.xlane v0, v34;
	v1 =	vadd.s32 v33, v1;
	_ =	sdelay $0x1  }
0x147: {  	v0 =	vadd.s32 v33, v0;
	_ =	sdelay $0x2  }
0x148: {  	[hbm4b:s2+s3] =	stream.indirect_vreg.scatter [tilespmem:s4], [sflag:$0x4], $0x80, v1, vm0, $0xb8;
	[tilespmem:$0x10600] =	vst v63  }
0x149: {  	_ = 	snop  }
0x14a: {  	[hbm4b:s2+s3] =	stream.indirect_vreg.scatter [tilespmem:s25], [sflag:$0x4], $0x80, v0, vm0, $0xb8;
	[tilespmem:$0x10600] =	vst v63  }
0x14b: {  	v0 =	vld [tilespmem:$0x510];
	_ =	sdelay $0x4  }
0x14c: {  	v48 =	vshll.u32 v0, $0x1  }
0x14d: {  	v0 =	vand.u32 $0x7, v0;
	v1 =	vand.u32 $0xFFFFFFF0, v48  }
0x14e: {  	v0 =	vor.u32 v0, v1  }
0x14f: {  	v1 =	vperm.xlane v0, v32;
	_ =	sdelay $0x1  }
0x150: {  	v0 =	vperm.xlane v0, v34;
	v1 =	vadd.s32 v33, v1;
	_ =	sdelay $0x1  }
0x151: {  	v0 =	vadd.s32 v33, v0;
	_ =	sdelay $0x2  }
0x152: {  	[hbm4b:s2+s3] =	stream.indirect_vreg.scatter [tilespmem:s26], [sflag:$0x4], $0x80, v1, vm0, $0xb8;
	[tilespmem:$0x10600] =	vst v63  }
0x153: {  	_ = 	snop  }
0x154: {  	[hbm4b:s2+s3] =	stream.indirect_vreg.scatter [tilespmem:s29], [sflag:$0x4], $0x80, v0, vm0, $0xb8;
	[tilespmem:$0x10600] =	vst v63  }
0x155: {  	v0 =	vld [tilespmem:$0x520];
	_ =	sdelay $0x4  }
0x156: {  	v49 =	vshll.u32 v0, $0x1  }
0x157: {  	v0 =	vand.u32 $0x7, v0;
	v1 =	vand.u32 $0xFFFFFFF0, v49  }
0x158: {  	v0 =	vor.u32 v0, v1  }
0x159: {  	v1 =	vperm.xlane v0, v32;
	_ =	sdelay $0x1  }
0x15a: {  	v0 =	vperm.xlane v0, v34;
	v1 =	vadd.s32 v33, v1;
	_ =	sdelay $0x1  }
0x15b: {  	v0 =	vadd.s32 v33, v0;
	_ =	sdelay $0x2  }
0x15c: {  	[hbm4b:s2+s3] =	stream.indirect_vreg.scatter [tilespmem:s30], [sflag:$0x4], $0x80, v1, vm0, $0xb8;
	[tilespmem:$0x10600] =	vst v63  }
0x15d: {  	_ = 	snop  }
0x15e: {  	[hbm4b:s2+s3] =	stream.indirect_vreg.scatter [tilespmem:s31], [sflag:$0x4], $0x80, v0, vm0, $0xb8;
	[tilespmem:$0x10600] =	vst v63  }
0x15f: {  	v0 =	vld [tilespmem:$0x530];
	_ =	sdelay $0x4  }
0x160: {  	v50 =	vshll.u32 v0, $0x1  }
0x161: {  	v0 =	vand.u32 $0x7, v0;
	v1 =	vand.u32 $0xFFFFFFF0, v50  }
0x162: {  	v0 =	vor.u32 v0, v1  }
0x163: {  	v1 =	vperm.xlane v0, v32;
	_ =	sdelay $0x1  }
0x164: {  	v0 =	vperm.xlane v0, v34;
	v1 =	vadd.s32 v33, v1;
	_ =	sdelay $0x1  }
0x165: {  	v0 =	vadd.s32 v33, v0;
	_ =	sdelay $0x1  }
0x166: {  	s26 =	simm.s32 $0x3600  }
0x167: {  	[hbm4b:s2+s3] =	stream.indirect_vreg.scatter [tilespmem:s26], [sflag:$0x4], $0x80, v1, vm0, $0xb8;
	[tilespmem:$0x10600] =	vst v63  }
0x168: {  	s29 =	simm.s32 $0x3E00  }
0x169: {  	[hbm4b:s2+s3] =	stream.indirect_vreg.scatter [tilespmem:s29], [sflag:$0x4], $0x80, v0, vm0, $0xb8;
	[tilespmem:$0x10600] =	vst v63  }
0x16a: {  	v0 =	vld [tilespmem:$0x540];
	_ =	sdelay $0x4  }
0x16b: {  	v51 =	vshll.u32 v0, $0x1  }
0x16c: {  	v0 =	vand.u32 $0x7, v0;
	v1 =	vand.u32 $0xFFFFFFF0, v51  }
0x16d: {  	v0 =	vor.u32 v0, v1  }
0x16e: {  	v1 =	vperm.xlane v0, v32;
	_ =	sdelay $0x1  }
0x16f: {  	v0 =	vperm.xlane v0, v34;
	v1 =	vadd.s32 v33, v1;
	_ =	sdelay $0x1  }
0x170: {  	v0 =	vadd.s32 v33, v0;
	_ =	sdelay $0x2  }
0x171: {  	[hbm4b:s2+s3] =	stream.indirect_vreg.scatter [tilespmem:s12], [sflag:$0x4], $0x80, v1, vm0, $0xb8;
	[tilespmem:$0x10600] =	vst v63  }
0x172: {  	_ = 	snop  }
0x173: {  	[hbm4b:s2+s3] =	stream.indirect_vreg.scatter [tilespmem:s13], [sflag:$0x4], $0x80, v0, vm0, $0xb8;
	[tilespmem:$0x10600] =	vst v63  }
0x174: {  	v0 =	vld [tilespmem:$0x550];
	_ =	sdelay $0x4  }
0x175: {  	v52 =	vshll.u32 v0, $0x1  }
0x176: {  	v0 =	vand.u32 $0x7, v0;
	v1 =	vand.u32 $0xFFFFFFF0, v52  }
0x177: {  	v0 =	vor.u32 v0, v1  }
0x178: {  	v1 =	vperm.xlane v0, v32;
	_ =	sdelay $0x1  }
0x179: {  	v0 =	vperm.xlane v0, v34;
	v1 =	vadd.s32 v33, v1;
	_ =	sdelay $0x1  }
0x17a: {  	v0 =	vadd.s32 v33, v0;
	_ =	sdelay $0x2  }
0x17b: {  	[hbm4b:s2+s3] =	stream.indirect_vreg.scatter [tilespmem:s14], [sflag:$0x4], $0x80, v1, vm0, $0xb8;
	[tilespmem:$0x10600] =	vst v63  }
0x17c: {  	_ = 	snop  }
0x17d: {  	[hbm4b:s2+s3] =	stream.indirect_vreg.scatter [tilespmem:s15], [sflag:$0x4], $0x80, v0, vm0, $0xb8;
	[tilespmem:$0x10600] =	vst v63  }
0x17e: {  	v0 =	vld [tilespmem:$0x560];
	_ =	sdelay $0x4  }
0x17f: {  	v53 =	vshll.u32 v0, $0x1  }
0x180: {  	v0 =	vand.u32 $0x7, v0;
	v1 =	vand.u32 $0xFFFFFFF0, v53  }
0x181: {  	v0 =	vor.u32 v0, v1  }
0x182: {  	v1 =	vperm.xlane v0, v32;
	_ =	sdelay $0x1  }
0x183: {  	v0 =	vperm.xlane v0, v34;
	v1 =	vadd.s32 v33, v1;
	_ =	sdelay $0x1  }
0x184: {  	v0 =	vadd.s32 v33, v0;
	_ =	sdelay $0x2  }
0x185: {  	[hbm4b:s2+s3] =	stream.indirect_vreg.scatter [tilespmem:s16], [sflag:$0x4], $0x80, v1, vm0, $0xb8;
	[tilespmem:$0x10600] =	vst v63  }
0x186: {  	_ = 	snop  }
0x187: {  	[hbm4b:s2+s3] =	stream.indirect_vreg.scatter [tilespmem:s17], [sflag:$0x4], $0x80, v0, vm0, $0xb8;
	[tilespmem:$0x10600] =	vst v63  }
0x188: {  	v0 =	vld [tilespmem:$0x570];
	_ =	sdelay $0x4  }
0x189: {  	v54 =	vshll.u32 v0, $0x1  }
0x18a: {  	v0 =	vand.u32 $0x7, v0;
	v1 =	vand.u32 $0xFFFFFFF0, v54  }
0x18b: {  	v0 =	vor.u32 v0, v1  }
0x18c: {  	v1 =	vperm.xlane v0, v32;
	_ =	sdelay $0x1  }
0x18d: {  	v0 =	vperm.xlane v0, v34;
	v1 =	vadd.s32 v33, v1;
	_ =	sdelay $0x1  }
0x18e: {  	v0 =	vadd.s32 v33, v0;
	_ =	sdelay $0x2  }
0x18f: {  	[hbm4b:s2+s3] =	stream.indirect_vreg.scatter [tilespmem:s18], [sflag:$0x4], $0x80, v1, vm0, $0xb8;
	[tilespmem:$0x10600] =	vst v63  }
0x190: {  	_ = 	snop  }
0x191: {  	[hbm4b:s2+s3] =	stream.indirect_vreg.scatter [tilespmem:s19], [sflag:$0x4], $0x80, v0, vm0, $0xb8;
	[tilespmem:$0x10600] =	vst v63  }
0x192: {  	_ =	swait.ge [sflag:s22], $0x8000  }
0x193: {  	[sflag:s22] =	ssyncset.done $0x0  }
0x194: {  	[sflag:s22] =	ssyncadd.s32 $0xFFFF8000  }
0x195: {  	v55 =	vld [tilespmem:$0x580];
	_ =	sdelay $0x4  }
0x196: {  	v56 =	vshll.u32 v55, $0x1  }
0x197: {  	v0 =	vand.u32 $0x7, v55;
	v1 =	vand.u32 $0xFFFFFFF0, v56  }
0x198: {  	v0 =	vor.u32 v0, v1  }
0x199: {  	v1 =	vperm.xlane v0, v32;
	_ =	sdelay $0x1  }
0x19a: {  	v0 =	vperm.xlane v0, v34;
	v1 =	vadd.s32 v33, v1;
	_ =	sdelay $0x1  }
0x19b: {  	v0 =	vadd.s32 v33, v0;
	_ =	sdelay $0x1  }
0x19c: {  	s24 =	simm.s32 $0x8600  }
0x19d: {  	[hbm4b:s2+s3] =	stream.indirect_vreg.scatter [tilespmem:s24], [sflag:$0x5], $0x80, v1, vm0, $0xb8;
	[tilespmem:$0x10600] =	vst v63  }
0x19e: {  	_ = 	snop  }
0x19f: {  	[hbm4b:s2+s3] =	stream.indirect_vreg.scatter [tilespmem:s20], [sflag:$0x5], $0x80, v0, vm0, $0xb8;
	[tilespmem:$0x10600] =	vst v63  }
0x1a0: {  	v0 =	vld [tilespmem:$0x590];
	_ =	sdelay $0x4  }
0x1a1: {  	v57 =	vshll.u32 v0, $0x1  }
0x1a2: {  	v0 =	vand.u32 $0x7, v0;
	v1 =	vand.u32 $0xFFFFFFF0, v57  }
0x1a3: {  	v0 =	vor.u32 v0, v1  }
0x1a4: {  	v1 =	vperm.xlane v0, v32;
	_ =	sdelay $0x1  }
0x1a5: {  	v0 =	vperm.xlane v0, v34;
	v1 =	vadd.s32 v33, v1;
	_ =	sdelay $0x1  }
0x1a6: {  	v0 =	vadd.s32 v33, v0;
	_ =	sdelay $0x2  }
0x1a7: {  	[hbm4b:s2+s3] =	stream.indirect_vreg.scatter [tilespmem:s21], [sflag:$0x5], $0x80, v1, vm0, $0xb8;
	[tilespmem:$0x10600] =	vst v63  }
0x1a8: {  	s24 =	simm.s32 $0x9E00  }
0x1a9: {  	[hbm4b:s2+s3] =	stream.indirect_vreg.scatter [tilespmem:s24], [sflag:$0x5], $0x80, v0, vm0, $0xb8;
	[tilespmem:$0x10600] =	vst v63  }
0x1aa: {  	v0 =	vld [tilespmem:$0x5A0];
	_ =	sdelay $0x4  }
0x1ab: {  	v58 =	vshll.u32 v0, $0x1  }
0x1ac: {  	v0 =	vand.u32 $0x7, v0;
	v1 =	vand.u32 $0xFFFFFFF0, v58  }
0x1ad: {  	v0 =	vor.u32 v0, v1  }
0x1ae: {  	v1 =	vperm.xlane v0, v32;
	_ =	sdelay $0x1  }
0x1af: {  	v0 =	vperm.xlane v0, v34;
	v1 =	vadd.s32 v33, v1;
	_ =	sdelay $0x1  }
0x1b0: {  	v0 =	vadd.s32 v33, v0;
	_ =	sdelay $0x2  }
0x1b1: {  	[hbm4b:s2+s3] =	stream.indirect_vreg.scatter [tilespmem:s7], [sflag:$0x5], $0x80, v1, vm0, $0xb8;
	[tilespmem:$0x10600] =	vst v63  }
0x1b2: {  	_ = 	snop  }
0x1b3: {  	[hbm4b:s2+s3] =	stream.indirect_vreg.scatter [tilespmem:s8], [sflag:$0x5], $0x80, v0, vm0, $0xb8;
	[tilespmem:$0x10600] =	vst v63  }
0x1b4: {  	v0 =	vld [tilespmem:$0x5B0];
	_ =	sdelay $0x4  }
0x1b5: {  	v59 =	vshll.u32 v0, $0x1  }
0x1b6: {  	v0 =	vand.u32 $0x7, v0;
	v1 =	vand.u32 $0xFFFFFFF0, v59  }
0x1b7: {  	v0 =	vor.u32 v0, v1  }
0x1b8: {  	v1 =	vperm.xlane v0, v32;
	_ =	sdelay $0x1  }
0x1b9: {  	v0 =	vperm.xlane v0, v34;
	v1 =	vadd.s32 v33, v1;
	_ =	sdelay $0x1  }
0x1ba: {  	v0 =	vadd.s32 v33, v0;
	_ =	sdelay $0x2  }
0x1bb: {  	[hbm4b:s2+s3] =	stream.indirect_vreg.scatter [tilespmem:s23], [sflag:$0x5], $0x80, v1, vm0, $0xb8;
	[tilespmem:$0x10600] =	vst v63  }
0x1bc: {  	s25 =	simm.s32 $0xBE00  }
0x1bd: {  	[hbm4b:s2+s3] =	stream.indirect_vreg.scatter [tilespmem:s25], [sflag:$0x5], $0x80, v0, vm0, $0xb8;
	[tilespmem:$0x10600] =	vst v63  }
0x1be: {  	v0 =	vld [tilespmem:$0x5C0];
	_ =	sdelay $0x4  }
0x1bf: {  	v60 =	vshll.u32 v0, $0x1  }
0x1c0: {  	v0 =	vand.u32 $0x7, v0;
	v1 =	vand.u32 $0xFFFFFFF0, v60  }
0x1c1: {  	v0 =	vor.u32 v0, v1  }
0x1c2: {  	v1 =	vperm.xlane v0, v32;
	_ =	sdelay $0x1  }
0x1c3: {  	v0 =	vperm.xlane v0, v34;
	v1 =	vadd.s32 v33, v1;
	_ =	sdelay $0x1  }
0x1c4: {  	v0 =	vadd.s32 v33, v0;
	_ =	sdelay $0x2  }
0x1c5: {  	[hbm4b:s2+s3] =	stream.indirect_vreg.scatter [tilespmem:s11], [sflag:$0x5], $0x80, v1, vm0, $0xb8;
	[tilespmem:$0x10600] =	vst v63  }
0x1c6: {  	_ = 	snop  }
0x1c7: {  	[hbm4b:s2+s3] =	stream.indirect_vreg.scatter [tilespmem:s9], [sflag:$0x5], $0x80, v0, vm0, $0xb8;
	[tilespmem:$0x10600] =	vst v63  }
0x1c8: {  	v0 =	vld [tilespmem:$0x5D0];
	_ =	sdelay $0x4  }
0x1c9: {  	v61 =	vshll.u32 v0, $0x1  }
0x1ca: {  	v0 =	vand.u32 $0x7, v0;
	v1 =	vand.u32 $0xFFFFFFF0, v61  }
0x1cb: {  	v0 =	vor.u32 v0, v1  }
0x1cc: {  	v1 =	vperm.xlane v0, v32;
	_ =	sdelay $0x1  }
0x1cd: {  	v0 =	vperm.xlane v0, v34;
	v1 =	vadd.s32 v33, v1;
	_ =	sdelay $0x1  }
0x1ce: {  	v0 =	vadd.s32 v33, v0;
	_ =	sdelay $0x1  }
0x1cf: {  	s26 =	simm.s32 $0xD600  }
0x1d0: {  	[hbm4b:s2+s3] =	stream.indirect_vreg.scatter [tilespmem:s26], [sflag:$0x5], $0x80, v1, vm0, $0xb8;
	[tilespmem:$0x10600] =	vst v63  }
0x1d1: {  	s29 =	simm.s32 $0xDE00  }
0x1d2: {  	[hbm4b:s2+s3] =	stream.indirect_vreg.scatter [tilespmem:s29], [sflag:$0x5], $0x80, v0, vm0, $0xb8;
	[tilespmem:$0x10600] =	vst v63  }
0x1d3: {  	v0 =	vld [tilespmem:$0x5E0];
	_ =	sdelay $0x4  }
0x1d4: {  	v62 =	vshll.u32 v0, $0x1  }
0x1d5: {  	v0 =	vand.u32 $0x7, v0;
	v1 =	vand.u32 $0xFFFFFFF0, v62  }
0x1d6: {  	v0 =	vor.u32 v0, v1  }
0x1d7: {  	v1 =	vperm.xlane v0, v32;
	_ =	sdelay $0x1  }
0x1d8: {  	v0 =	vperm.xlane v0, v34;
	v1 =	vadd.s32 v33, v1;
	_ =	sdelay $0x1  }
0x1d9: {  	v0 =	vadd.s32 v33, v0;
	_ =	sdelay $0x1  }
0x1da: {  	s24 =	simm.s32 $0xE600  }
0x1db: {  	[hbm4b:s2+s3] =	stream.indirect_vreg.scatter [tilespmem:s24], [sflag:$0x5], $0x80, v1, vm0, $0xb8;
	[tilespmem:$0x10600] =	vst v63  }
0x1dc: {  	s25 =	simm.s32 $0xEE00  }
0x1dd: {  	[hbm4b:s2+s3] =	stream.indirect_vreg.scatter [tilespmem:s25], [sflag:$0x5], $0x80, v0, vm0, $0xb8;
	[tilespmem:$0x10600] =	vst v63  }
0x1de: {  	v0 =	vld [tilespmem:$0x5F0];
	_ =	sdelay $0x4  }
0x1df: {  	v63 =	vshll.u32 v0, $0x1  }
0x1e0: {  	v0 =	vand.u32 $0x7, v0;
	v1 =	vand.u32 $0xFFFFFFF0, v63  }
0x1e1: {  	v0 =	vor.u32 v0, v1  }
0x1e2: {  	v1 =	vperm.xlane v0, v32;
	_ =	sdelay $0x1  }
0x1e3: {  	v0 =	vperm.xlane v0, v34;
	v1 =	vadd.s32 v33, v1;
	_ =	sdelay $0x1  }
0x1e4: {  	v0 =	vadd.s32 v33, v0;
	_ =	sdelay $0x1  }
0x1e5: {  	s26 =	simm.s32 $0xF600  }
0x1e6: {  	[hbm4b:s2+s3] =	stream.indirect_vreg.scatter [tilespmem:s26], [sflag:$0x5], $0x80, v1, vm0, $0xb8;
	[tilespmem:$0x10600] =	vst v63  }
0x1e7: {  	s29 =	simm.s32 $0xFE00  }
0x1e8: {  	[hbm4b:s2+s3] =	stream.indirect_vreg.scatter [tilespmem:s29], [sflag:$0x5], $0x80, v0, vm0, $0xb8;
	[tilespmem:$0x10600] =	vst v63  }
0x1e9: {  	p0 =	sne.s32 s5, $0x1;
	_ =	swait.ge [sflag:s0], $0x8000  }
.Ltmp0:
0x1ea: {  	[sflag:s0] =	ssyncset.done $0x0;
	(pc) =	sbr.rel @p0 .LBB2_1-.Ltmp0, $4  }
0x1eb: {  	[sflag:s0] =	ssyncadd.s32 $0xFFFF8000  }
0x1ec: {  	_ =	swait.ge [sflag:s10], $0x8000  }
0x1ed: {  	[sflag:s10] =	ssyncset.done $0x0  }
0x1ee: {  	s5 =	sadd.s32 $0xFFFFFFFF, s5;
	[sflag:s10] =	ssyncadd.s32 $0xFFFF8000  }
0x1ef: {  	_ =	sfence.sel $0x180000  }
0x1f0: {  	[bflag:$0x0] =	sbarrier.arrive $0xFFFF  }
0x1f1: {  	_ =	strace $0x9000004D  }
0x1f2: {  	s0 =	stileid.u32;
	[bflag:$0x2] =	sbarrier.arrive $0xFFFF  }
0x1f3: {  	p0 =	sne.s32 s0, $0x0;
	s0 =	rddreg [dreg:$0x3]  }
0x1f4: {  	s0 =	sadd.s32 @!p0 $0x100000, s0  }
0x1f5: {  	[sflag:s0] =	ssyncadd.tile.s32 @!p0 $0x1;
	_ =	shalt  }
.Lfunc_end2:
_tile_overlayer_lowered:
.L_overlay_start_2:
0x1f6: {  	(tag) =	ssettag $0x2  }
0x1f7: {  	s0 =	rddreg [dreg:$0x0];
	s2 =	stileid.u32  }
0x1f8: {  	s1 =	rddreg [dreg:$0x1];
	p0 =	sne.s32 s2, $0x0  }
0x1f9: {  	s3 =	rddreg [dreg:$0x2];
	[bflag:$0x3] =	sbarrier.arrive $0xFFFF;
	s2 =	simm.s32 @!p0 $0x1C06  }
0x1fa: {  	[timem:s3], [sflag:s2] =	dma.local @!p0 [hbm:s0], s1  }
0x1fb: {  	s0 =	simm.s32 @!p0 $0x6  }
0x1fc: {  	_ =	swait.ge @!p0 [sflag:s0], s1  }
0x1fd: {  	s1 =	ssub.s32 @!p0 $0x0, s1;
	[sflag:s0] =	ssyncset.done @!p0 $0x0  }
0x1fe: {  	[sflag:s0] =	ssyncadd.s32 @!p0 s1  }
0x1ff: {  	[bflag:$0x3] =	sbarrier.arrive $0xFFFF  }
0x200: {  	_ =	shalt  }

// kernel: kernel.16.cloned.1.call-start
scs
__scs_entry_jumppad:
0x0: {  	(pc) =	sbr.rel $0x88, $3  }
0x1: {  	(tag) =	ssettag $0x0;
	lr =	simm.s32 $0x1  }
0x2: {  	[smem:$0x3F99] =	sst lr;
	_ =	strace $0xD0000000  }
0x3: {  	_ = 	snop  }
0x4: {  	_ = 	snop  }
0x5: {  	_ = 	snop  }
0x6: {  	_ = 	snop  }
0x7: {  	_ = 	snop  }
__scs_overlays_trampoline_lowered:
0x8: {  	[smem:$0x3FA8] =	sst s0  }
0x9: {  	[smem:$0x3FA9] =	sst s1  }
0xa: {  	[smem:$0x3FAA] =	sst s2  }
0xb: {  	[smem:$0x3FAB] =	sst s3  }
0xc: {  	[smem:$0x3FAC] =	sst s4  }
0xd: {  	[smem:$0x3FAD] =	sst s5  }
0xe: {  	[smem:$0x3FAE] =	sst s6  }
0xf: {  	[smem:$0x3FAF] =	sst s7  }
0x10: {  	[smem:$0x3FB0] =	sst s8  }
0x11: {  	[smem:$0x3FB1] =	sst s9;
	s0 =	simm.s32 @!p0 $0x0  }
0x12: {  	s1 =	sld [smem:$0x3F97];
	s0 =	simm.s32 @p0 $0x1  }
0x13: {  	[smem:$0x3FB2] =	sst s0;
	s0 =	simm.s32 @!p1 $0x0  }
0x14: {  	s2 =	sld [smem:$0x3F96];
	s0 =	simm.s32 @p1 $0x1  }
0x15: {  	[smem:$0x3FB3] =	sst s0;
	s0 =	simm.s32 @!p2 $0x0  }
0x16: {  	s3 =	sld [smem:$0x3FDB];
	s0 =	simm.s32 @p2 $0x1  }
0x17: {  	s4 =	simm.s32 $0x1BF5;
	[smem:$0x3FB5] =	sst s0  }
0x18: {  	s0 =	sld [smem:$0x3F98];
	_ =	swait.ge [sflag:s4], $0x0  }
0x19: {  	s7 =	sld [smem:$0x3F99]  }
0x1a: {  	s8 =	sadd.s32 $0xFFFFE003, lr  }
0x1b: {  	s9 =	sadd.s32 $0xFFFFFEF7, lr;
	s5 =	simm.s32 $0xFFFFFFFF;
	p2 =	slt.u32 s8, $0xFFFFF086  }
0x1c: {  	p1 =	slt.u32 s9, $0xF7A;
	s5 =	simm.s32 @!p2 $0x0  }
0x1d: {  	s5 =	simm.s32 @p1 $0x1;
	p0 =	seq.s32 s7, s2  }
0x1e: {  	s7 =	smul.u32 @!p0 $0xF7A, s2;
	p2 =	seq.s32 @!p0 s5, $0x0  }
0x1f: {  	s9 =	smul.u32 $0xF7A, s1;
	s8 =	simm.s32 @!p0 $0x1BF5;
	p2 =	por !p2, p0  }
0x20: {  	[sflag:s8] =	ssyncset.s32 @!p0 $0xFFFFF086;
	s6 =	sadd.s32 @!p0 s3, s7;
	s7 =	simm.s32 @!p0 $0x108  }
0x21: {  	s3 =	sadd.s32 s3, s9;
	s6 =	sadd.s32 @!p0 $0x88, s6;
	s7 =	simm.s32 @p2 $0x1082  }
0x22: {  	[simem:s7], [sflag:s8] =	dma.local @!p0 [hbm:s6], $0xF7A  }
0x23: {  	s9 =	sor.u32 $0xD0000000, s2;
	s6 =	simm.s32 $0x108;
	_ =	swait.ge @!p0 [sflag:s8], $0x0  }
0x24: {  	s3 =	sadd.s32 $0x88, s3;
	s6 =	simm.s32 @!p1 $0x1082;
	[sflag:s4] =	ssyncset.s32 $0xFFFFF086  }
0x25: {  	[simem:s6], [sflag:s4] =	dma.local [hbm:s3], $0xF7A  }
0x26: {  	[smem:$0x3F99] =	sst s1;
	(tag) =	ssettag s2;
	_ =	strace s9  }
0x27: {  	s1 =	sld [smem:$0x3FA9]  }
0x28: {  	s2 =	sld [smem:$0x3FAA]  }
0x29: {  	s4 =	sld [smem:$0x3FAC]  }
0x2a: {  	p0 =	seq.s32 s5, $0x0;
	s5 =	sld [smem:$0x3FAD]  }
0x2b: {  	s6 =	sld [smem:$0x3FAE]  }
0x2c: {  	s7 =	sld [smem:$0x3FAF]  }
0x2d: {  	s3 =	simm.s32 $0x108;
	s8 =	sld [smem:$0x3FB0]  }
0x2e: {  	s3 =	simm.s32 @!p0 $0x1082;
	s9 =	sld [smem:$0x3FB1]  }
0x2f: {  	lr =	sadd.s32 s0, s3;
	s0 =	sld [smem:$0x3FA8]  }
0x30: {  	s3 =	sld [smem:$0x3FAB]  }
0x31: {  	[smem:$0x3FB4] =	sst s10  }
0x32: {  	s10 =	sld [smem:$0x3FB2];
	_ =	sdelay $0x3  }
0x33: {  	p0 =	seq.s32 s10, $0x1;
	s10 =	sld [smem:$0x3FB4];
	_ =	sdelay $0x3  }
0x34: {  	[smem:$0x3FB4] =	sst s10  }
0x35: {  	s10 =	sld [smem:$0x3FB3];
	_ =	sdelay $0x3  }
0x36: {  	p1 =	seq.s32 s10, $0x1;
	s10 =	sld [smem:$0x3FB4];
	_ =	sdelay $0x3  }
0x37: {  	[smem:$0x3FB4] =	sst s10  }
0x38: {  	s10 =	sld [smem:$0x3FB5]  }
0x39: {  	_ = 	snop;
	(pc) =	sbr.ind lr, $3  }
0x3a: {  	_ = 	snop  }
0x3b: {  	_ = 	snop  }
0x3c: {  	p2 =	seq.s32 s10, $0x1;
	s10 =	sld [smem:$0x3FB4]  }
0x3d: {  	_ =	shalt  }
0x3e: {  	_ =	shalt  }
0x3f: {  	_ =	shalt  }
0x40: {  	_ =	shalt  }
0x41: {  	_ =	shalt  }
0x42: {  	_ =	shalt  }
0x43: {  	_ =	shalt  }
0x44: {  	_ =	shalt  }
0x45: {  	_ =	shalt  }
0x46: {  	_ =	shalt  }
0x47: {  	_ =	shalt  }
0x48: {  	_ =	shalt  }
0x49: {  	_ =	shalt  }
0x4a: {  	_ =	shalt  }
0x4b: {  	_ =	shalt  }
0x4c: {  	_ =	shalt  }
0x4d: {  	_ =	shalt  }
0x4e: {  	_ =	shalt  }
0x4f: {  	_ =	shalt  }
0x50: {  	_ =	shalt  }
0x51: {  	_ =	shalt  }
0x52: {  	_ =	shalt  }
0x53: {  	_ =	shalt  }
0x54: {  	_ =	shalt  }
0x55: {  	_ =	shalt  }
0x56: {  	_ =	shalt  }
0x57: {  	_ =	shalt  }
0x58: {  	_ =	shalt  }
0x59: {  	_ =	shalt  }
0x5a: {  	_ =	shalt  }
0x5b: {  	_ =	shalt  }
0x5c: {  	_ =	shalt  }
0x5d: {  	_ =	shalt  }
0x5e: {  	_ =	shalt  }
0x5f: {  	_ =	shalt  }
0x60: {  	_ =	shalt  }
0x61: {  	_ =	shalt  }
0x62: {  	_ =	shalt  }
0x63: {  	_ =	shalt  }
0x64: {  	_ =	shalt  }
0x65: {  	_ =	shalt  }
0x66: {  	_ =	shalt  }
0x67: {  	_ =	shalt  }
0x68: {  	_ =	shalt  }
0x69: {  	_ =	shalt  }
0x6a: {  	_ =	shalt  }
0x6b: {  	_ =	shalt  }
0x6c: {  	_ =	shalt  }
0x6d: {  	_ =	shalt  }
0x6e: {  	_ =	shalt  }
0x6f: {  	_ =	shalt  }
0x70: {  	_ =	shalt  }
0x71: {  	_ =	shalt  }
0x72: {  	_ =	shalt  }
0x73: {  	_ =	shalt  }
0x74: {  	_ =	shalt  }
0x75: {  	_ =	shalt  }
0x76: {  	_ =	shalt  }
0x77: {  	_ =	shalt  }
0x78: {  	_ =	shalt  }
0x79: {  	_ =	shalt  }
0x7a: {  	_ =	shalt  }
0x7b: {  	_ =	shalt  }
0x7c: {  	_ =	shalt  }
0x7d: {  	_ =	shalt  }
0x7e: {  	_ =	shalt  }
0x7f: {  	_ =	shalt  }
0x80: {  	_ =	shalt  }
0x81: {  	_ =	shalt  }
0x82: {  	_ =	shalt  }
0x83: {  	_ =	shalt  }
0x84: {  	_ =	shalt  }
0x85: {  	_ =	shalt  }
0x86: {  	_ =	shalt  }
0x87: {  	_ =	shalt  }
.Lfunc_end0:
.L_simem_size_0:
called_computation.3_lowered:
.L_overlay_start_0:
0x88: {  	s2 =	sld [smem:$0x3FD9]  }
0x89: {  	s3 =	sld [smem:$0x3FFE];
	_ =	sdelay $0x1  }
0x8a: {  	s1 =	srdreg.scid  }
0x8b: {  	s0 =	sand.u32 $0x1, s1  }
0x8c: {  	s18 =	sshll.u32 s0, $0xA;
	s2 =	sadd.s32 s3, s2  }
0x8d: {  	s2 =	sadd.s32 s2, s18  }
0x8e: {  	[smem:$0x3FC0] =	sst s2  }
0x8f: {  	_ = 	snop  }
0x90: {  	s2 =	sld [smem:$0x3FC9]  }
0x91: {  	s19 =	sld [smem:$0x3FD0];
	(tm) =	ssettm $0x1  }
0x92: {  	s4 =	sld [smem:$0x3FFB];
	_ =	sdelay $0x3  }
0x93: {  	_ =	strace s4  }
0x94: {  	s4 =	sld [smem:$0x3FFC];
	_ =	sdelay $0x3  }
0x95: {  	_ =	strace s4  }
0x96: {  	s4 =	sld [smem:$0x3FFD];
	_ =	sdelay $0x3  }
0x97: {  	_ =	strace s4  }
0x98: {  	_ =	strace $0x8FFFFFFF  }
0x99: {  	s20 =	sld [smem:$0x3FDB];
	_ =	sdelay $0x1  }
0x9a: {  	s5 =	simm.s32 $_scs_section_size  }
0x9b: {  	s6 =	simm.s32 $_size__tile_overlayer_lowered;
	s7 =	simm.s32 $_tile_overlayer_lowered  }
0x9c: {  	s23 =	simm.s32 $0x1BFF;
	s22 =	sshll.u32 s7, $0x1;
	s4 =	sadd.s32 s5, s20  }
0x9d: {  	s8 =	simm.s32 $0x0;
	s21 =	sshll.u32 s6, $0x1;
	s6 =	sadd.s32 s22, s4  }
0x9e: {  	[timem:s8], [sflag:s23] =	dma.local [hbm:s6], s21  }
0x9f: {  	_ =	swait.ge [sflag:s23], s21  }
0xa0: {  	s5 =	ssub.s32 $0x0, s21;
	[sflag:s23] =	ssyncset.done $0x0  }
0xa1: {  	[sflag:s23] =	ssyncadd.s32 s5;
	_ =	sdelay $0x1  }
0xa2: {  	s24 =	simm.s32 $0x1B8B  }
0xa3: {  	_ =	swait.ge [sflag:s24], $0x1  }
0xa4: {  	[sflag:s24] =	ssyncset.done $0x0  }
0xa5: {  	s25 =	simm.s32 $0x1B8E;
	[sflag:s24] =	ssyncadd.s32 $0xFFFFFFFF  }
0xa6: {  	s26 =	simm.s32 $execute0_lowered;
	[smem:$0x3FD2] =	sst s25  }
0xa7: {  	s5 =	sshll.u32 s26, $0x1;
	_ =	strace $0x8000004F;
	[dreg:$0x1] =	wrdreg $0xFFFFFFFF  }
0xa8: {  	s28 =	simm.s32 $_size_execute0_lowered;
	s4 =	sadd.s32 s4, s5;
	[dreg:$0x0] =	wrdreg $0x0  }
0xa9: {  	s5 =	sshll.u32 s28, $0x1;
	[dreg:$0x2] =	wrdreg s4  }
0xaa: {  	[dreg:$0x3] =	wrdreg s5  }
0xab: {  	[dreg:$0x4] =	wrdreg $0xC0  }
0xac: {  	_ =	task [dreg:s8], $0x5FFFF  }
0xad: {  	[dreg:$0x1] =	wrdreg $0xFFFFFFFF  }
0xae: {  	[dreg:$0x0] =	wrdreg $0x60  }
0xaf: {  	[dreg:$0x2] =	wrdreg s2  }
0xb0: {  	[dreg:$0x3] =	wrdreg s19  }
0xb1: {  	[dreg:$0x4] =	wrdreg $0x9  }
0xb2: {  	_ =	task.clear_ibuf [dreg:s8], $0x5FFFF;
	_ =	strace $0x9000004F  }
0xb3: {  	s29 =	simm.s32 $0x9;
	_ =	strace $0x80000051  }
0xb4: {  	_ =	swait.ge [sflag:s29], $0x1  }
0xb5: {  	[sflag:s29] =	ssyncadd.s32 $0xFFFFFFFF  }
0xb6: {  	_ =	strace $0x90000051  }
0xb7: {  	_ =	sfence  }
0xb8: {  	s30 =	sld [smem:$0x0];
	_ =	sdelay $0x2  }
0xb9: {  	s31 =	sshll.u32 s1, $0xD;
	s1 =	sshrl.u32 s1, $0x2  }
0xba: {  	s3 =	sand.u32 $0x4000, s31;
	s1 =	sadd.s32 s1, s30  }
0xbb: {  	s0 =	sor.u32 s3, s0;
	s1 =	sshll.u32 s1, $0x11  }
0xbc: {  	s0 =	sor.u32 s1, s0  }
0xbd: {  	s0 =	sadd.s32 $0x8F2B, s0  }
0xbe: {  	[sflag:s0] =	ssyncadd.remote.s32 $0x1  }
0xbf: {  	_ =	sfence.sel $0xFFFF  }
0xc0: {  	[dreg:$0x0] =	wrdreg $0xFFFFFFFF;
	(pc) =	sbr.abs _section_cstart, $3  }
0xc1: {  	[dreg:$0x1] =	wrdreg $0xFFFFFFFF  }
0xc2: {  	_ =	task.clear_ibuf [dreg:s8], $0x2FFFF;
	_ =	strace $0x9FFFFFFF  }
0xc3: {  	(tm) =	ssettm $0x7FFFFFFF  }
tec
execute0_lowered:
.L_overlay_start_1:
0x0: {  	(tag) =	ssettag $0x1  }
0x1: {  	s1 =	srdreg.scid  }
0x2: {  	s4 =	sand.u32 $0x1, s1;
	s1 =	stileid.u32  }
0x3: {  	s5 =	sshll.u32 s1, $0x1;
	s6 =	ssub.s32 $0x0, s4  }
0x4: {  	p0 =	sne.s32 s5, s6  }
.Ltmp0:
0x5: {  	_ = 	snop;
	(pc) =	sbr.rel @p0 .LBB2_4-.Ltmp0, $4  }
0x6: {  	s3 =	rddreg [dreg:$0x0]  }
0x7: {  	s7 =	rddreg [dreg:$0x1];
	s2 =	simm.s32 $0x0  }
0x8: {  	[smem:$0x7FF] =	sst s2  }
0x9: {  	s0 =	rddreg [dreg:$0x2];
	_ =	strace $0x80000050  }
0xa: {  	s8 =	ssub.s32 $0x2, s4  }
0xb: {  	s3 =	sadd.s32 $0x30D400, s3;
	s4 =	simm.s32 $0x80;
	s6 =	simm.s32 $0x400  }
0xc: {  	[tilespmem:s2], [sflag:$0x1] =	stream.strided.gather [hbm4b:s3+s4], $0x100, s6, s4, $0x38;
	[tilespmem:$0x100] =	vst v63  }
0xd: {  	s9 =	sshrl.u32 s8, $0x1  }
0xe: {  	s8 =	ssub.s32 s8, s9  }
0xf: {  	s5 =	simm.s32 $0x1;
	s8 =	smax.u32 s8, $0x1  }
0x10: {  	_ =	swait.ge [sflag:s5], $0x100;
	p0 =	sne.s32 s8, $0x1  }
.Ltmp1:
0x11: {  	[sflag:s5] =	ssyncset.done $0x0;
	(pc) =	sbr.rel @!p0 .LBB2_3-.Ltmp1, $4  }
0x12: {  	s7 =	sadd.s32 $0x30D400, s7;
	[sflag:s5] =	ssyncadd.s32 $0xFFFFFF00  }
0x13: {  	[hbm4b:s7+s4] =	stream.strided.scatter [tilespmem:s2], [sflag:$0x1], $0x100, s6, s4, $0x38;
	[tilespmem:$0x100] =	vst v63  }
0x14: {  	_ =	swait.ge [sflag:s5], $0x100  }
0x15: {  	s8 =	sadd.s32 $0xFFFFFFFF, s8;
	[sflag:s5] =	ssyncset.done $0x0  }
.LBB2_2:
0x16: {  	p0 =	sne.s32 s8, $0x1;
	s8 =	sadd.s32 $0xFFFFFFFF, s8;
	[sflag:s5] =	ssyncadd.s32 $0xFFFFFF00  }
0x17: {  	[tilespmem:s2], [sflag:$0x1] =	stream.strided.gather [hbm4b:s3+s4], $0x100, s6, s4, $0x38;
	[tilespmem:$0x100] =	vst v63  }
0x18: {  	_ =	swait.ge [sflag:s5], $0x100  }
.Ltmp2:
0x19: {  	[sflag:s5] =	ssyncset.done $0x0;
	(pc) =	sbr.rel @p0 .LBB2_2-.Ltmp2, $4  }
0x1a: {  	[sflag:s5] =	ssyncadd.s32 $0xFFFFFF00  }
0x1b: {  	[hbm4b:s7+s4] =	stream.strided.scatter [tilespmem:s2], [sflag:$0x1], $0x100, s6, s4, $0x38;
	[tilespmem:$0x100] =	vst v63  }
0x1c: {  	_ =	swait.ge [sflag:s5], $0x100  }
0x1d: {  	[sflag:s5] =	ssyncset.done $0x0  }
.LBB2_3:
0x1e: {  	[sflag:s5] =	ssyncadd.s32 $0xFFFFFF00  }
.LBB2_4:
0x1f: {  	_ =	sfence.sel $0x180000  }
0x20: {  	[bflag:$0x0] =	sbarrier.arrive $0xFFFF  }
0x21: {  	p0 =	sne.s32 s1, $0x0;
	_ =	strace $0x90000050  }
0x22: {  	s0 =	sadd.s32 @!p0 $0x100000, s0;
	[bflag:$0x2] =	sbarrier.arrive $0xFFFF  }
0x23: {  	[sflag:s0] =	ssyncadd.tile.s32 @!p0 $0x1;
	_ =	shalt  }
.Lfunc_end2:
_tile_overlayer_lowered:
.L_overlay_start_2:
0x24: {  	(tag) =	ssettag $0x2  }
0x25: {  	s0 =	rddreg [dreg:$0x0];
	s2 =	stileid.u32  }
0x26: {  	s1 =	rddreg [dreg:$0x1];
	p0 =	sne.s32 s2, $0x0  }
0x27: {  	s3 =	rddreg [dreg:$0x2];
	[bflag:$0x3] =	sbarrier.arrive $0xFFFF;
	s2 =	simm.s32 @!p0 $0x1C01  }
0x28: {  	[timem:s3], [sflag:s2] =	dma.local @!p0 [hbm:s0], s1  }
0x29: {  	s0 =	simm.s32 @!p0 $0x1  }
0x2a: {  	_ =	swait.ge @!p0 [sflag:s0], s1  }
0x2b: {  	s1 =	ssub.s32 @!p0 $0x0, s1;
	[sflag:s0] =	ssyncset.done @!p0 $0x0  }
0x2c: {  	[sflag:s0] =	ssyncadd.s32 @!p0 s1  }
0x2d: {  	[bflag:$0x3] =	sbarrier.arrive $0xFFFF  }
0x2e: {  	_ =	shalt  }

// kernel: kernel.7.cloned.1.call-start
scs
__scs_entry_jumppad:
0x0: {  	(pc) =	sbr.rel $0x88, $3  }
0x1: {  	(tag) =	ssettag $0x0;
	lr =	simm.s32 $0x1  }
0x2: {  	[smem:$0x3F99] =	sst lr;
	_ =	strace $0xD0000000  }
0x3: {  	_ = 	snop  }
0x4: {  	_ = 	snop  }
0x5: {  	_ = 	snop  }
0x6: {  	_ = 	snop  }
0x7: {  	_ = 	snop  }
__scs_overlays_trampoline_lowered:
0x8: {  	[smem:$0x3FA8] =	sst s0  }
0x9: {  	[smem:$0x3FA9] =	sst s1  }
0xa: {  	[smem:$0x3FAA] =	sst s2  }
0xb: {  	[smem:$0x3FAB] =	sst s3  }
0xc: {  	[smem:$0x3FAC] =	sst s4  }
0xd: {  	[smem:$0x3FAD] =	sst s5  }
0xe: {  	[smem:$0x3FAE] =	sst s6  }
0xf: {  	[smem:$0x3FAF] =	sst s7  }
0x10: {  	[smem:$0x3FB0] =	sst s8  }
0x11: {  	[smem:$0x3FB1] =	sst s9;
	s0 =	simm.s32 @!p0 $0x0  }
0x12: {  	s1 =	sld [smem:$0x3F97];
	s0 =	simm.s32 @p0 $0x1  }
0x13: {  	[smem:$0x3FB2] =	sst s0;
	s0 =	simm.s32 @!p1 $0x0  }
0x14: {  	s2 =	sld [smem:$0x3F96];
	s0 =	simm.s32 @p1 $0x1  }
0x15: {  	[smem:$0x3FB3] =	sst s0;
	s0 =	simm.s32 @!p2 $0x0  }
0x16: {  	s3 =	sld [smem:$0x3FDB];
	s0 =	simm.s32 @p2 $0x1  }
0x17: {  	s4 =	simm.s32 $0x1BF5;
	[smem:$0x3FB5] =	sst s0  }
0x18: {  	s0 =	sld [smem:$0x3F98];
	_ =	swait.ge [sflag:s4], $0x0  }
0x19: {  	s7 =	sld [smem:$0x3F99]  }
0x1a: {  	s8 =	sadd.s32 $0xFFFFE003, lr  }
0x1b: {  	s9 =	sadd.s32 $0xFFFFFEF7, lr;
	s5 =	simm.s32 $0xFFFFFFFF;
	p2 =	slt.u32 s8, $0xFFFFF086  }
0x1c: {  	p1 =	slt.u32 s9, $0xF7A;
	s5 =	simm.s32 @!p2 $0x0  }
0x1d: {  	s5 =	simm.s32 @p1 $0x1;
	p0 =	seq.s32 s7, s2  }
0x1e: {  	s7 =	smul.u32 @!p0 $0xF7A, s2;
	p2 =	seq.s32 @!p0 s5, $0x0  }
0x1f: {  	s9 =	smul.u32 $0xF7A, s1;
	s8 =	simm.s32 @!p0 $0x1BF5;
	p2 =	por !p2, p0  }
0x20: {  	[sflag:s8] =	ssyncset.s32 @!p0 $0xFFFFF086;
	s6 =	sadd.s32 @!p0 s3, s7;
	s7 =	simm.s32 @!p0 $0x108  }
0x21: {  	s3 =	sadd.s32 s3, s9;
	s6 =	sadd.s32 @!p0 $0x88, s6;
	s7 =	simm.s32 @p2 $0x1082  }
0x22: {  	[simem:s7], [sflag:s8] =	dma.local @!p0 [hbm:s6], $0xF7A  }
0x23: {  	s9 =	sor.u32 $0xD0000000, s2;
	s6 =	simm.s32 $0x108;
	_ =	swait.ge @!p0 [sflag:s8], $0x0  }
0x24: {  	s3 =	sadd.s32 $0x88, s3;
	s6 =	simm.s32 @!p1 $0x1082;
	[sflag:s4] =	ssyncset.s32 $0xFFFFF086  }
0x25: {  	[simem:s6], [sflag:s4] =	dma.local [hbm:s3], $0xF7A  }
0x26: {  	[smem:$0x3F99] =	sst s1;
	(tag) =	ssettag s2;
	_ =	strace s9  }
0x27: {  	s1 =	sld [smem:$0x3FA9]  }
0x28: {  	s2 =	sld [smem:$0x3FAA]  }
0x29: {  	s4 =	sld [smem:$0x3FAC]  }
0x2a: {  	p0 =	seq.s32 s5, $0x0;
	s5 =	sld [smem:$0x3FAD]  }
0x2b: {  	s6 =	sld [smem:$0x3FAE]  }
0x2c: {  	s7 =	sld [smem:$0x3FAF]  }
0x2d: {  	s3 =	simm.s32 $0x108;
	s8 =	sld [smem:$0x3FB0]  }
0x2e: {  	s3 =	simm.s32 @!p0 $0x1082;
	s9 =	sld [smem:$0x3FB1]  }
0x2f: {  	lr =	sadd.s32 s0, s3;
	s0 =	sld [smem:$0x3FA8]  }
0x30: {  	s3 =	sld [smem:$0x3FAB]  }
0x31: {  	[smem:$0x3FB4] =	sst s10  }
0x32: {  	s10 =	sld [smem:$0x3FB2];
	_ =	sdelay $0x3  }
0x33: {  	p0 =	seq.s32 s10, $0x1;
	s10 =	sld [smem:$0x3FB4];
	_ =	sdelay $0x3  }
0x34: {  	[smem:$0x3FB4] =	sst s10  }
0x35: {  	s10 =	sld [smem:$0x3FB3];
	_ =	sdelay $0x3  }
0x36: {  	p1 =	seq.s32 s10, $0x1;
	s10 =	sld [smem:$0x3FB4];
	_ =	sdelay $0x3  }
0x37: {  	[smem:$0x3FB4] =	sst s10  }
0x38: {  	s10 =	sld [smem:$0x3FB5]  }
0x39: {  	_ = 	snop;
	(pc) =	sbr.ind lr, $3  }
0x3a: {  	_ = 	snop  }
0x3b: {  	_ = 	snop  }
0x3c: {  	p2 =	seq.s32 s10, $0x1;
	s10 =	sld [smem:$0x3FB4]  }
0x3d: {  	_ =	shalt  }
0x3e: {  	_ =	shalt  }
0x3f: {  	_ =	shalt  }
0x40: {  	_ =	shalt  }
0x41: {  	_ =	shalt  }
0x42: {  	_ =	shalt  }
0x43: {  	_ =	shalt  }
0x44: {  	_ =	shalt  }
0x45: {  	_ =	shalt  }
0x46: {  	_ =	shalt  }
0x47: {  	_ =	shalt  }
0x48: {  	_ =	shalt  }
0x49: {  	_ =	shalt  }
0x4a: {  	_ =	shalt  }
0x4b: {  	_ =	shalt  }
0x4c: {  	_ =	shalt  }
0x4d: {  	_ =	shalt  }
0x4e: {  	_ =	shalt  }
0x4f: {  	_ =	shalt  }
0x50: {  	_ =	shalt  }
0x51: {  	_ =	shalt  }
0x52: {  	_ =	shalt  }
0x53: {  	_ =	shalt  }
0x54: {  	_ =	shalt  }
0x55: {  	_ =	shalt  }
0x56: {  	_ =	shalt  }
0x57: {  	_ =	shalt  }
0x58: {  	_ =	shalt  }
0x59: {  	_ =	shalt  }
0x5a: {  	_ =	shalt  }
0x5b: {  	_ =	shalt  }
0x5c: {  	_ =	shalt  }
0x5d: {  	_ =	shalt  }
0x5e: {  	_ =	shalt  }
0x5f: {  	_ =	shalt  }
0x60: {  	_ =	shalt  }
0x61: {  	_ =	shalt  }
0x62: {  	_ =	shalt  }
0x63: {  	_ =	shalt  }
0x64: {  	_ =	shalt  }
0x65: {  	_ =	shalt  }
0x66: {  	_ =	shalt  }
0x67: {  	_ =	shalt  }
0x68: {  	_ =	shalt  }
0x69: {  	_ =	shalt  }
0x6a: {  	_ =	shalt  }
0x6b: {  	_ =	shalt  }
0x6c: {  	_ =	shalt  }
0x6d: {  	_ =	shalt  }
0x6e: {  	_ =	shalt  }
0x6f: {  	_ =	shalt  }
0x70: {  	_ =	shalt  }
0x71: {  	_ =	shalt  }
0x72: {  	_ =	shalt  }
0x73: {  	_ =	shalt  }
0x74: {  	_ =	shalt  }
0x75: {  	_ =	shalt  }
0x76: {  	_ =	shalt  }
0x77: {  	_ =	shalt  }
0x78: {  	_ =	shalt  }
0x79: {  	_ =	shalt  }
0x7a: {  	_ =	shalt  }
0x7b: {  	_ =	shalt  }
0x7c: {  	_ =	shalt  }
0x7d: {  	_ =	shalt  }
0x7e: {  	_ =	shalt  }
0x7f: {  	_ =	shalt  }
0x80: {  	_ =	shalt  }
0x81: {  	_ =	shalt  }
0x82: {  	_ =	shalt  }
0x83: {  	_ =	shalt  }
0x84: {  	_ =	shalt  }
0x85: {  	_ =	shalt  }
0x86: {  	_ =	shalt  }
0x87: {  	_ =	shalt  }
.Lfunc_end0:
.L_simem_size_0:
called_computation_lowered:
.L_overlay_start_0:
0x88: {  	s2 =	sld [smem:$0x3FD9]  }
0x89: {  	s3 =	sld [smem:$0x3FFE];
	_ =	sdelay $0x1  }
0x8a: {  	s1 =	srdreg.scid  }
0x8b: {  	s0 =	sand.u32 $0x1, s1  }
0x8c: {  	s17 =	sshll.u32 s0, $0xA;
	s2 =	sadd.s32 s3, s2  }
0x8d: {  	s2 =	sadd.s32 s2, s17  }
0x8e: {  	[smem:$0x3FC0] =	sst s2  }
0x8f: {  	_ = 	snop  }
0x90: {  	s2 =	sld [smem:$0x3FC9]  }
0x91: {  	s18 =	sld [smem:$0x3FC8];
	(tm) =	ssettm $0x1  }
0x92: {  	s4 =	sld [smem:$0x3FFB];
	_ =	sdelay $0x3  }
0x93: {  	_ =	strace s4  }
0x94: {  	s4 =	sld [smem:$0x3FFC];
	_ =	sdelay $0x3  }
0x95: {  	_ =	strace s4  }
0x96: {  	s4 =	sld [smem:$0x3FFD];
	_ =	sdelay $0x3  }
0x97: {  	_ =	strace s4  }
0x98: {  	_ =	strace $0x8FFFFFFF  }
0x99: {  	s19 =	sld [smem:$0x3FDB];
	_ =	sdelay $0x1  }
0x9a: {  	s5 =	simm.s32 $_scs_section_size  }
0x9b: {  	s6 =	simm.s32 $_size__tile_overlayer_lowered;
	s7 =	simm.s32 $_tile_overlayer_lowered  }
0x9c: {  	s22 =	simm.s32 $0x1BFF;
	s21 =	sshll.u32 s7, $0x1;
	s4 =	sadd.s32 s5, s19  }
0x9d: {  	s8 =	simm.s32 $0x0;
	s20 =	sshll.u32 s6, $0x1;
	s6 =	sadd.s32 s21, s4  }
0x9e: {  	[timem:s8], [sflag:s22] =	dma.local [hbm:s6], s20  }
0x9f: {  	_ =	swait.ge [sflag:s22], s20  }
0xa0: {  	s5 =	ssub.s32 $0x0, s20;
	[sflag:s22] =	ssyncset.done $0x0  }
0xa1: {  	[sflag:s22] =	ssyncadd.s32 s5;
	_ =	sdelay $0x1  }
0xa2: {  	s23 =	simm.s32 $0x1B8B  }
0xa3: {  	_ =	swait.ge [sflag:s23], $0x1  }
0xa4: {  	[sflag:s23] =	ssyncset.done $0x0  }
0xa5: {  	s25 =	simm.s32 $0x1B8E;
	s24 =	sld [smem:$0x3FFE];
	[sflag:s23] =	ssyncadd.s32 $0xFFFFFFFF  }
0xa6: {  	s26 =	simm.s32 $execute0_lowered;
	[smem:$0x3FD2] =	sst s25  }
0xa7: {  	s6 =	sshll.u32 s26, $0x1;
	_ =	strace $0x80000046;
	[dreg:$0x1] =	wrdreg $0xFFFFFFFF  }
0xa8: {  	s28 =	simm.s32 $_size_execute0_lowered;
	s4 =	sadd.s32 s4, s6;
	[dreg:$0x0] =	wrdreg $0x0  }
0xa9: {  	s6 =	sshll.u32 s28, $0x1;
	[dreg:$0x2] =	wrdreg s4  }
0xaa: {  	[dreg:$0x3] =	wrdreg s6  }
0xab: {  	[dreg:$0x4] =	wrdreg $0xC0  }
0xac: {  	_ =	task [dreg:s8], $0x5FFFF  }
0xad: {  	[dreg:$0x1] =	wrdreg $0xFFFFFFFF  }
0xae: {  	[dreg:$0x0] =	wrdreg $0x60  }
0xaf: {  	[dreg:$0x2] =	wrdreg s2  }
0xb0: {  	[dreg:$0x3] =	wrdreg s18  }
0xb1: {  	[dreg:$0x4] =	wrdreg s24  }
0xb2: {  	[dreg:$0x5] =	wrdreg $0x9  }
0xb3: {  	_ =	task.clear_ibuf [dreg:s8], $0x6FFFF;
	_ =	strace $0x90000046  }
0xb4: {  	s29 =	simm.s32 $0x9;
	_ =	strace $0x80000048  }
0xb5: {  	_ =	swait.ge [sflag:s29], $0x1  }
0xb6: {  	[sflag:s29] =	ssyncadd.s32 $0xFFFFFFFF  }
0xb7: {  	_ =	strace $0x90000048  }
0xb8: {  	_ =	sfence  }
0xb9: {  	s30 =	sld [smem:$0x0];
	_ =	sdelay $0x2  }
0xba: {  	s31 =	sshll.u32 s1, $0xD;
	s1 =	sshrl.u32 s1, $0x2  }
0xbb: {  	s3 =	sand.u32 $0x4000, s31;
	s1 =	sadd.s32 s1, s30  }
0xbc: {  	s0 =	sor.u32 s3, s0;
	s1 =	sshll.u32 s1, $0x11  }
0xbd: {  	s0 =	sor.u32 s1, s0  }
0xbe: {  	s0 =	sadd.s32 $0x8F2B, s0  }
0xbf: {  	[sflag:s0] =	ssyncadd.remote.s32 $0x1  }
0xc0: {  	_ =	sfence.sel $0xFFFF  }
0xc1: {  	[dreg:$0x0] =	wrdreg $0xFFFFFFFF;
	(pc) =	sbr.abs _section_cstart, $3  }
0xc2: {  	[dreg:$0x1] =	wrdreg $0xFFFFFFFF  }
0xc3: {  	_ =	task.clear_ibuf [dreg:s8], $0x2FFFF;
	_ =	strace $0x9FFFFFFF  }
0xc4: {  	(tm) =	ssettm $0x7FFFFFFF  }
0xc5: {  	_ =	shalt  }
tec
execute0_lowered:
.L_overlay_start_1:
0x0: {  	(tag) =	ssettag $0x1  }
0x1: {  	s1 =	rddreg [dreg:$0x0]  }
0x2: {  	s0 =	rddreg [dreg:$0x1]  }
0x3: {  	s2 =	rddreg [dreg:$0x2]  }
0x4: {  	s3 =	simm.s32 $0x0;
	s4 =	srdreg.scid;
	s8 =	stileid.u32  }
0x5: {  	s13 =	simm.s32 $0x2;
	s14 =	simm.s32 $0x3;
	s15 =	simm.s32 $0x4  }
0x6: {  	s17 =	simm.s32 $0xA00;
	s18 =	simm.s32 $0x1200;
	s19 =	simm.s32 $0x1A00  }
0x7: {  	s20 =	simm.s32 $0x2200;
	s28 =	simm.s32 $0x5200;
	s29 =	simm.s32 $0x5A00  }
0x8: {  	s30 =	simm.s32 $0x6200;
	s31 =	simm.s32 $0x6A00;
	s9 =	simm.s32 $0x9A00  }
0x9: {  	s10 =	simm.s32 $0xA200;
	s11 =	simm.s32 $0xAA00;
	[smem:$0x7FF] =	sst s3  }
0xa: {  	s4 =	sand.u32 $0x1, s4;
	s5 =	sshll.u32 s8, $0xF;
	s21 =	sshll.u32 s8, $0x7  }
0xb: {  	s8 =	simm.s32 $0x9200;
	s6 =	sshll.u32 s4, $0xE;
	s7 =	sshll.u32 s4, $0x6  }
0xc: {  	_ =	strace $0x80000047;
	s4 =	ssub.s32 $0x2, s4;
	s5 =	sor.u32 s6, s5  }
0xd: {  	s0 =	sadd.s32 s0, s7;
	s24 =	sshrl.u32 s4, $0x1;
	s6 =	simm.s32 $0x1  }
0xe: {  	s7 =	simm.s32 $0x8A00;
	s2 =	sadd.s32 s5, s2;
	s0 =	sadd.s32 s21, s0  }
0xf: {  	s4 =	ssub.s32 s4, s24;
	[dreg:$0x4] =	wrdreg s0;
	s22 =	sadd.s32 $0x1C00, s2  }
0x10: {  	s21 =	simm.s32 $0x2A00;
	s23 =	sadd.s32 $0x2C00, s2;
	[dreg:$0x5] =	wrdreg s22  }
0x11: {  	s24 =	simm.s32 $0x3A00;
	s25 =	sadd.s32 $0x3C00, s2;
	[dreg:$0x6] =	wrdreg s23  }
0x12: {  	v2 =	vlaneseq.u32;
	s5 =	simm.s32 $0x7200;
	s26 =	sadd.s32 $0x4C00, s2;
	[dreg:$0x7] =	wrdreg s25  }
0x13: {  	vm0 =	vmmov $0xffff;
	v1 =	vshrl.u32 v2, $0x3;
	s4 =	smax.u32 s4, $0x1;
	[dreg:$0x8] =	wrdreg s26;
	s23 =	simm.s32 $0x3200  }
0x14: {  	v0 =	vand.u32 $0x7, v2;
	v2 =	vor.u32 $0x8, v2;
	v1 =	vmul.u32 $0x8, v1;
	s25 =	simm.s32 $0x4200;
	s26 =	simm.s32 $0x4A00;
	s22 =	simm.s32 $0xB200  }
.LBB2_1:
0x15: {  	s16 =	rddreg [dreg:$0x4];
	s0 =	simm.s32 $0x5  }
0x16: {  	[tilespmem:s3], [sflag:$0x5] =	stream.linear.gather [hbm4b:s16+s3], $0x200, $0x38;
	[tilespmem:$0x10200] =	vst v63  }
0x17: {  	_ =	swait.ge [sflag:s0], $0x200  }
0x18: {  	[sflag:s0] =	ssyncset.done $0x0  }
0x19: {  	[sflag:s0] =	ssyncadd.s32 $0xFFFFFE00  }
0x1a: {  	v3 =	vld [tilespmem:$0x0];
	_ =	sdelay $0x4  }
0x1b: {  	v4 =	vshll.u32 v3, $0x1  }
0x1c: {  	v3 =	vand.u32 $0x7, v3;
	v4 =	vand.u32 $0xFFFFFFF0, v4  }
0x1d: {  	v3 =	vor.u32 v3, v4  }
0x1e: {  	v4 =	vperm.xlane v3, v0;
	_ =	sdelay $0x1  }
0x1f: {  	v3 =	vperm.xlane v3, v2;
	v4 =	vadd.s32 v1, v4;
	_ =	sdelay $0x1  }
0x20: {  	v3 =	vadd.s32 v1, v3;
	_ =	sdelay $0x1  }
0x21: {  	s12 =	simm.s32 $0x200  }
0x22: {  	[tilespmem:s12], [sflag:$0x1] =	stream.indirect_vreg.gather [hbm4b:s1+s3], $0x80, v4, vm0, $0xb8;
	[tilespmem:$0x10200] =	vst v63  }
0x23: {  	_ = 	snop  }
0x24: {  	[tilespmem:s17], [sflag:$0x1] =	stream.indirect_vreg.gather [hbm4b:s1+s3], $0x80, v3, vm0, $0xb8;
	[tilespmem:$0x10200] =	vst v63  }
0x25: {  	v3 =	vld [tilespmem:$0x10];
	_ =	sdelay $0x4  }
0x26: {  	v33 =	vshll.u32 v3, $0x1  }
0x27: {  	v3 =	vand.u32 $0x7, v3;
	v4 =	vand.u32 $0xFFFFFFF0, v33  }
0x28: {  	v3 =	vor.u32 v3, v4  }
0x29: {  	v4 =	vperm.xlane v3, v0;
	_ =	sdelay $0x1  }
0x2a: {  	v3 =	vperm.xlane v3, v2;
	v4 =	vadd.s32 v1, v4;
	_ =	sdelay $0x1  }
0x2b: {  	v3 =	vadd.s32 v1, v3;
	_ =	sdelay $0x2  }
0x2c: {  	[tilespmem:s18], [sflag:$0x1] =	stream.indirect_vreg.gather [hbm4b:s1+s3], $0x80, v4, vm0, $0xb8;
	[tilespmem:$0x10200] =	vst v63  }
0x2d: {  	_ = 	snop  }
0x2e: {  	[tilespmem:s19], [sflag:$0x1] =	stream.indirect_vreg.gather [hbm4b:s1+s3], $0x80, v3, vm0, $0xb8;
	[tilespmem:$0x10200] =	vst v63  }
0x2f: {  	v3 =	vld [tilespmem:$0x20];
	_ =	sdelay $0x4  }
0x30: {  	v34 =	vshll.u32 v3, $0x1  }
0x31: {  	v3 =	vand.u32 $0x7, v3;
	v4 =	vand.u32 $0xFFFFFFF0, v34  }
0x32: {  	v3 =	vor.u32 v3, v4  }
0x33: {  	v4 =	vperm.xlane v3, v0;
	_ =	sdelay $0x1  }
0x34: {  	v3 =	vperm.xlane v3, v2;
	v4 =	vadd.s32 v1, v4;
	_ =	sdelay $0x1  }
0x35: {  	v3 =	vadd.s32 v1, v3;
	_ =	sdelay $0x2  }
0x36: {  	[tilespmem:s20], [sflag:$0x1] =	stream.indirect_vreg.gather [hbm4b:s1+s3], $0x80, v4, vm0, $0xb8;
	[tilespmem:$0x10200] =	vst v63  }
0x37: {  	_ = 	snop  }
0x38: {  	[tilespmem:s21], [sflag:$0x1] =	stream.indirect_vreg.gather [hbm4b:s1+s3], $0x80, v3, vm0, $0xb8;
	[tilespmem:$0x10200] =	vst v63  }
0x39: {  	v3 =	vld [tilespmem:$0x30];
	_ =	sdelay $0x4  }
0x3a: {  	v35 =	vshll.u32 v3, $0x1  }
0x3b: {  	v3 =	vand.u32 $0x7, v3;
	v4 =	vand.u32 $0xFFFFFFF0, v35  }
0x3c: {  	v3 =	vor.u32 v3, v4  }
0x3d: {  	v4 =	vperm.xlane v3, v0;
	_ =	sdelay $0x1  }
0x3e: {  	v3 =	vperm.xlane v3, v2;
	v4 =	vadd.s32 v1, v4;
	_ =	sdelay $0x1  }
0x3f: {  	v3 =	vadd.s32 v1, v3;
	_ =	sdelay $0x2  }
0x40: {  	[tilespmem:s23], [sflag:$0x1] =	stream.indirect_vreg.gather [hbm4b:s1+s3], $0x80, v4, vm0, $0xb8;
	[tilespmem:$0x10200] =	vst v63  }
0x41: {  	_ = 	snop  }
0x42: {  	[tilespmem:s24], [sflag:$0x1] =	stream.indirect_vreg.gather [hbm4b:s1+s3], $0x80, v3, vm0, $0xb8;
	[tilespmem:$0x10200] =	vst v63  }
0x43: {  	v3 =	vld [tilespmem:$0x40];
	_ =	sdelay $0x4  }
0x44: {  	v36 =	vshll.u32 v3, $0x1  }
0x45: {  	v3 =	vand.u32 $0x7, v3;
	v4 =	vand.u32 $0xFFFFFFF0, v36  }
0x46: {  	v3 =	vor.u32 v3, v4  }
0x47: {  	v4 =	vperm.xlane v3, v0;
	_ =	sdelay $0x1  }
0x48: {  	v3 =	vperm.xlane v3, v2;
	v4 =	vadd.s32 v1, v4;
	_ =	sdelay $0x1  }
0x49: {  	v3 =	vadd.s32 v1, v3;
	_ =	sdelay $0x2  }
0x4a: {  	[tilespmem:s25], [sflag:$0x1] =	stream.indirect_vreg.gather [hbm4b:s1+s3], $0x80, v4, vm0, $0xb8;
	[tilespmem:$0x10200] =	vst v63  }
0x4b: {  	_ = 	snop  }
0x4c: {  	[tilespmem:s26], [sflag:$0x1] =	stream.indirect_vreg.gather [hbm4b:s1+s3], $0x80, v3, vm0, $0xb8;
	[tilespmem:$0x10200] =	vst v63  }
0x4d: {  	v3 =	vld [tilespmem:$0x50];
	_ =	sdelay $0x4  }
0x4e: {  	v37 =	vshll.u32 v3, $0x1  }
0x4f: {  	v3 =	vand.u32 $0x7, v3;
	v4 =	vand.u32 $0xFFFFFFF0, v37  }
0x50: {  	v3 =	vor.u32 v3, v4  }
0x51: {  	v4 =	vperm.xlane v3, v0;
	_ =	sdelay $0x1  }
0x52: {  	v3 =	vperm.xlane v3, v2;
	v4 =	vadd.s32 v1, v4;
	_ =	sdelay $0x1  }
0x53: {  	v3 =	vadd.s32 v1, v3;
	_ =	sdelay $0x2  }
0x54: {  	[tilespmem:s28], [sflag:$0x1] =	stream.indirect_vreg.gather [hbm4b:s1+s3], $0x80, v4, vm0, $0xb8;
	[tilespmem:$0x10200] =	vst v63  }
0x55: {  	_ = 	snop  }
0x56: {  	[tilespmem:s29], [sflag:$0x1] =	stream.indirect_vreg.gather [hbm4b:s1+s3], $0x80, v3, vm0, $0xb8;
	[tilespmem:$0x10200] =	vst v63  }
0x57: {  	v3 =	vld [tilespmem:$0x60];
	_ =	sdelay $0x4  }
0x58: {  	v38 =	vshll.u32 v3, $0x1  }
0x59: {  	v3 =	vand.u32 $0x7, v3;
	v4 =	vand.u32 $0xFFFFFFF0, v38  }
0x5a: {  	v3 =	vor.u32 v3, v4  }
0x5b: {  	v4 =	vperm.xlane v3, v0;
	_ =	sdelay $0x1  }
0x5c: {  	v3 =	vperm.xlane v3, v2;
	v4 =	vadd.s32 v1, v4;
	_ =	sdelay $0x1  }
0x5d: {  	v3 =	vadd.s32 v1, v3;
	_ =	sdelay $0x2  }
0x5e: {  	[tilespmem:s30], [sflag:$0x1] =	stream.indirect_vreg.gather [hbm4b:s1+s3], $0x80, v4, vm0, $0xb8;
	[tilespmem:$0x10200] =	vst v63  }
0x5f: {  	_ = 	snop  }
0x60: {  	[tilespmem:s31], [sflag:$0x1] =	stream.indirect_vreg.gather [hbm4b:s1+s3], $0x80, v3, vm0, $0xb8;
	[tilespmem:$0x10200] =	vst v63  }
0x61: {  	v3 =	vld [tilespmem:$0x70];
	_ =	sdelay $0x4  }
0x62: {  	v39 =	vshll.u32 v3, $0x1  }
0x63: {  	v3 =	vand.u32 $0x7, v3;
	v4 =	vand.u32 $0xFFFFFFF0, v39  }
0x64: {  	v3 =	vor.u32 v3, v4  }
0x65: {  	v4 =	vperm.xlane v3, v0;
	_ =	sdelay $0x1  }
0x66: {  	v3 =	vperm.xlane v3, v2;
	v4 =	vadd.s32 v1, v4;
	_ =	sdelay $0x1  }
0x67: {  	v3 =	vadd.s32 v1, v3;
	_ =	sdelay $0x2  }
0x68: {  	[tilespmem:s5], [sflag:$0x1] =	stream.indirect_vreg.gather [hbm4b:s1+s3], $0x80, v4, vm0, $0xb8;
	[tilespmem:$0x10200] =	vst v63  }
0x69: {  	s2 =	simm.s32 $0x7A00  }
0x6a: {  	[tilespmem:s2], [sflag:$0x1] =	stream.indirect_vreg.gather [hbm4b:s1+s3], $0x80, v3, vm0, $0xb8;
	[tilespmem:$0x10200] =	vst v63  }
0x6b: {  	v3 =	vld [tilespmem:$0x80];
	_ =	sdelay $0x4  }
0x6c: {  	v40 =	vshll.u32 v3, $0x1  }
0x6d: {  	v3 =	vand.u32 $0x7, v3;
	v4 =	vand.u32 $0xFFFFFFF0, v40  }
0x6e: {  	v3 =	vor.u32 v3, v4  }
0x6f: {  	v4 =	vperm.xlane v3, v0;
	_ =	sdelay $0x1  }
0x70: {  	v3 =	vperm.xlane v3, v2;
	v4 =	vadd.s32 v1, v4;
	_ =	sdelay $0x1  }
0x71: {  	v3 =	vadd.s32 v1, v3;
	_ =	sdelay $0x1  }
0x72: {  	s0 =	simm.s32 $0x8200  }
0x73: {  	[tilespmem:s0], [sflag:$0x2] =	stream.indirect_vreg.gather [hbm4b:s1+s3], $0x80, v4, vm0, $0xb8;
	[tilespmem:$0x10200] =	vst v63  }
0x74: {  	_ = 	snop  }
0x75: {  	[tilespmem:s7], [sflag:$0x2] =	stream.indirect_vreg.gather [hbm4b:s1+s3], $0x80, v3, vm0, $0xb8;
	[tilespmem:$0x10200] =	vst v63  }
0x76: {  	v3 =	vld [tilespmem:$0x90];
	_ =	sdelay $0x4  }
0x77: {  	v41 =	vshll.u32 v3, $0x1  }
0x78: {  	v3 =	vand.u32 $0x7, v3;
	v4 =	vand.u32 $0xFFFFFFF0, v41  }
0x79: {  	v3 =	vor.u32 v3, v4  }
0x7a: {  	v4 =	vperm.xlane v3, v0;
	_ =	sdelay $0x1  }
0x7b: {  	v3 =	vperm.xlane v3, v2;
	v4 =	vadd.s32 v1, v4;
	_ =	sdelay $0x1  }
0x7c: {  	v3 =	vadd.s32 v1, v3;
	_ =	sdelay $0x2  }
0x7d: {  	[tilespmem:s8], [sflag:$0x2] =	stream.indirect_vreg.gather [hbm4b:s1+s3], $0x80, v4, vm0, $0xb8;
	[tilespmem:$0x10200] =	vst v63  }
0x7e: {  	_ = 	snop  }
0x7f: {  	[tilespmem:s9], [sflag:$0x2] =	stream.indirect_vreg.gather [hbm4b:s1+s3], $0x80, v3, vm0, $0xb8;
	[tilespmem:$0x10200] =	vst v63  }
0x80: {  	v3 =	vld [tilespmem:$0xA0];
	_ =	sdelay $0x4  }
0x81: {  	v42 =	vshll.u32 v3, $0x1  }
0x82: {  	v3 =	vand.u32 $0x7, v3;
	v4 =	vand.u32 $0xFFFFFFF0, v42  }
0x83: {  	v3 =	vor.u32 v3, v4  }
0x84: {  	v4 =	vperm.xlane v3, v0;
	_ =	sdelay $0x1  }
0x85: {  	v3 =	vperm.xlane v3, v2;
	v4 =	vadd.s32 v1, v4;
	_ =	sdelay $0x1  }
0x86: {  	v3 =	vadd.s32 v1, v3;
	_ =	sdelay $0x2  }
0x87: {  	[tilespmem:s10], [sflag:$0x2] =	stream.indirect_vreg.gather [hbm4b:s1+s3], $0x80, v4, vm0, $0xb8;
	[tilespmem:$0x10200] =	vst v63  }
0x88: {  	_ = 	snop  }
0x89: {  	[tilespmem:s11], [sflag:$0x2] =	stream.indirect_vreg.gather [hbm4b:s1+s3], $0x80, v3, vm0, $0xb8;
	[tilespmem:$0x10200] =	vst v63  }
0x8a: {  	v3 =	vld [tilespmem:$0xB0];
	_ =	sdelay $0x4  }
0x8b: {  	v43 =	vshll.u32 v3, $0x1  }
0x8c: {  	v3 =	vand.u32 $0x7, v3;
	v4 =	vand.u32 $0xFFFFFFF0, v43  }
0x8d: {  	v3 =	vor.u32 v3, v4  }
0x8e: {  	v4 =	vperm.xlane v3, v0;
	_ =	sdelay $0x1  }
0x8f: {  	v3 =	vperm.xlane v3, v2;
	v4 =	vadd.s32 v1, v4;
	_ =	sdelay $0x1  }
0x90: {  	v3 =	vadd.s32 v1, v3;
	_ =	sdelay $0x2  }
0x91: {  	[tilespmem:s22], [sflag:$0x2] =	stream.indirect_vreg.gather [hbm4b:s1+s3], $0x80, v4, vm0, $0xb8;
	[tilespmem:$0x10200] =	vst v63  }
0x92: {  	s12 =	simm.s32 $0xBA00  }
0x93: {  	[tilespmem:s12], [sflag:$0x2] =	stream.indirect_vreg.gather [hbm4b:s1+s3], $0x80, v3, vm0, $0xb8;
	[tilespmem:$0x10200] =	vst v63  }
0x94: {  	v3 =	vld [tilespmem:$0xC0];
	_ =	sdelay $0x4  }
0x95: {  	v44 =	vshll.u32 v3, $0x1  }
0x96: {  	v3 =	vand.u32 $0x7, v3;
	v4 =	vand.u32 $0xFFFFFFF0, v44  }
0x97: {  	v3 =	vor.u32 v3, v4  }
0x98: {  	v4 =	vperm.xlane v3, v0;
	_ =	sdelay $0x1  }
0x99: {  	v3 =	vperm.xlane v3, v2;
	v4 =	vadd.s32 v1, v4;
	_ =	sdelay $0x1  }
0x9a: {  	v3 =	vadd.s32 v1, v3;
	_ =	sdelay $0x1  }
0x9b: {  	s16 =	simm.s32 $0xC200  }
0x9c: {  	[tilespmem:s16], [sflag:$0x2] =	stream.indirect_vreg.gather [hbm4b:s1+s3], $0x80, v4, vm0, $0xb8;
	[tilespmem:$0x10200] =	vst v63  }
0x9d: {  	s16 =	simm.s32 $0xCA00  }
0x9e: {  	[tilespmem:s16], [sflag:$0x2] =	stream.indirect_vreg.gather [hbm4b:s1+s3], $0x80, v3, vm0, $0xb8;
	[tilespmem:$0x10200] =	vst v63  }
0x9f: {  	v3 =	vld [tilespmem:$0xD0];
	_ =	sdelay $0x4  }
0xa0: {  	v45 =	vshll.u32 v3, $0x1  }
0xa1: {  	v3 =	vand.u32 $0x7, v3;
	v4 =	vand.u32 $0xFFFFFFF0, v45  }
0xa2: {  	v3 =	vor.u32 v3, v4  }
0xa3: {  	v4 =	vperm.xlane v3, v0;
	_ =	sdelay $0x1  }
0xa4: {  	v3 =	vperm.xlane v3, v2;
	v4 =	vadd.s32 v1, v4;
	_ =	sdelay $0x1  }
0xa5: {  	v3 =	vadd.s32 v1, v3;
	_ =	sdelay $0x1  }
0xa6: {  	s16 =	simm.s32 $0xD200  }
0xa7: {  	[tilespmem:s16], [sflag:$0x2] =	stream.indirect_vreg.gather [hbm4b:s1+s3], $0x80, v4, vm0, $0xb8;
	[tilespmem:$0x10200] =	vst v63  }
0xa8: {  	s16 =	simm.s32 $0xDA00  }
0xa9: {  	[tilespmem:s16], [sflag:$0x2] =	stream.indirect_vreg.gather [hbm4b:s1+s3], $0x80, v3, vm0, $0xb8;
	[tilespmem:$0x10200] =	vst v63  }
0xaa: {  	v3 =	vld [tilespmem:$0xE0];
	_ =	sdelay $0x4  }
0xab: {  	v46 =	vshll.u32 v3, $0x1  }
0xac: {  	v3 =	vand.u32 $0x7, v3;
	v4 =	vand.u32 $0xFFFFFFF0, v46  }
0xad: {  	v3 =	vor.u32 v3, v4  }
0xae: {  	v4 =	vperm.xlane v3, v0;
	_ =	sdelay $0x1  }
0xaf: {  	v3 =	vperm.xlane v3, v2;
	v4 =	vadd.s32 v1, v4;
	_ =	sdelay $0x1  }
0xb0: {  	v3 =	vadd.s32 v1, v3;
	_ =	sdelay $0x1  }
0xb1: {  	s16 =	simm.s32 $0xE200  }
0xb2: {  	[tilespmem:s16], [sflag:$0x2] =	stream.indirect_vreg.gather [hbm4b:s1+s3], $0x80, v4, vm0, $0xb8;
	[tilespmem:$0x10200] =	vst v63  }
0xb3: {  	s16 =	simm.s32 $0xEA00  }
0xb4: {  	[tilespmem:s16], [sflag:$0x2] =	stream.indirect_vreg.gather [hbm4b:s1+s3], $0x80, v3, vm0, $0xb8;
	[tilespmem:$0x10200] =	vst v63  }
0xb5: {  	v3 =	vld [tilespmem:$0xF0];
	_ =	sdelay $0x4  }
0xb6: {  	v47 =	vshll.u32 v3, $0x1  }
0xb7: {  	v3 =	vand.u32 $0x7, v3;
	v4 =	vand.u32 $0xFFFFFFF0, v47  }
0xb8: {  	v3 =	vor.u32 v3, v4  }
0xb9: {  	v4 =	vperm.xlane v3, v0;
	_ =	sdelay $0x1  }
0xba: {  	v3 =	vperm.xlane v3, v2;
	v4 =	vadd.s32 v1, v4;
	_ =	sdelay $0x1  }
0xbb: {  	v3 =	vadd.s32 v1, v3;
	_ =	sdelay $0x1  }
0xbc: {  	s16 =	simm.s32 $0xF200  }
0xbd: {  	[tilespmem:s16], [sflag:$0x2] =	stream.indirect_vreg.gather [hbm4b:s1+s3], $0x80, v4, vm0, $0xb8;
	[tilespmem:$0x10200] =	vst v63  }
0xbe: {  	s16 =	simm.s32 $0xFA00  }
0xbf: {  	[tilespmem:s16], [sflag:$0x2] =	stream.indirect_vreg.gather [hbm4b:s1+s3], $0x80, v3, vm0, $0xb8;
	[tilespmem:$0x10200] =	vst v63  }
0xc0: {  	_ =	swait.ge [sflag:s6], $0x8000  }
0xc1: {  	[sflag:s6] =	ssyncset.done $0x0  }
0xc2: {  	s12 =	simm.s32 $0x200;
	s16 =	rddreg [dreg:$0x5];
	[sflag:s6] =	ssyncadd.s32 $0xFFFF8000  }
0xc3: {  	[hbm4b:s16+s3] =	stream.linear.scatter [tilespmem:s12], [sflag:$0x3], $0x8000, $0x38;
	[tilespmem:$0x10200] =	vst v63  }
0xc4: {  	_ =	swait.ge [sflag:s13], $0x8000  }
0xc5: {  	[sflag:s13] =	ssyncset.done $0x0  }
0xc6: {  	s16 =	rddreg [dreg:$0x6];
	[sflag:s13] =	ssyncadd.s32 $0xFFFF8000  }
0xc7: {  	[hbm4b:s16+s3] =	stream.linear.scatter [tilespmem:s0], [sflag:$0x4], $0x8000, $0x38;
	[tilespmem:$0x10200] =	vst v63  }
0xc8: {  	_ =	swait.ge [sflag:s14], $0x8000  }
0xc9: {  	[sflag:s14] =	ssyncset.done $0x0  }
0xca: {  	[sflag:s14] =	ssyncadd.s32 $0xFFFF8000  }
0xcb: {  	v3 =	vld [tilespmem:$0x100];
	_ =	sdelay $0x4  }
0xcc: {  	v48 =	vshll.u32 v3, $0x1  }
0xcd: {  	v3 =	vand.u32 $0x7, v3;
	v4 =	vand.u32 $0xFFFFFFF0, v48  }
0xce: {  	v3 =	vor.u32 v3, v4  }
0xcf: {  	v4 =	vperm.xlane v3, v0;
	_ =	sdelay $0x1  }
0xd0: {  	v3 =	vperm.xlane v3, v2;
	v4 =	vadd.s32 v1, v4;
	_ =	sdelay $0x1  }
0xd1: {  	v3 =	vadd.s32 v1, v3;
	_ =	sdelay $0x2  }
0xd2: {  	[tilespmem:s12], [sflag:$0x1] =	stream.indirect_vreg.gather [hbm4b:s1+s3], $0x80, v4, vm0, $0xb8;
	[tilespmem:$0x10200] =	vst v63  }
0xd3: {  	_ = 	snop  }
0xd4: {  	[tilespmem:s17], [sflag:$0x1] =	stream.indirect_vreg.gather [hbm4b:s1+s3], $0x80, v3, vm0, $0xb8;
	[tilespmem:$0x10200] =	vst v63  }
0xd5: {  	v3 =	vld [tilespmem:$0x110];
	_ =	sdelay $0x4  }
0xd6: {  	v49 =	vshll.u32 v3, $0x1  }
0xd7: {  	v3 =	vand.u32 $0x7, v3;
	v4 =	vand.u32 $0xFFFFFFF0, v49  }
0xd8: {  	v3 =	vor.u32 v3, v4  }
0xd9: {  	v4 =	vperm.xlane v3, v0;
	_ =	sdelay $0x1  }
0xda: {  	v3 =	vperm.xlane v3, v2;
	v4 =	vadd.s32 v1, v4;
	_ =	sdelay $0x1  }
0xdb: {  	v3 =	vadd.s32 v1, v3;
	_ =	sdelay $0x2  }
0xdc: {  	[tilespmem:s18], [sflag:$0x1] =	stream.indirect_vreg.gather [hbm4b:s1+s3], $0x80, v4, vm0, $0xb8;
	[tilespmem:$0x10200] =	vst v63  }
0xdd: {  	_ = 	snop  }
0xde: {  	[tilespmem:s19], [sflag:$0x1] =	stream.indirect_vreg.gather [hbm4b:s1+s3], $0x80, v3, vm0, $0xb8;
	[tilespmem:$0x10200] =	vst v63  }
0xdf: {  	v3 =	vld [tilespmem:$0x120];
	_ =	sdelay $0x4  }
0xe0: {  	v50 =	vshll.u32 v3, $0x1  }
0xe1: {  	v3 =	vand.u32 $0x7, v3;
	v4 =	vand.u32 $0xFFFFFFF0, v50  }
0xe2: {  	v3 =	vor.u32 v3, v4  }
0xe3: {  	v4 =	vperm.xlane v3, v0;
	_ =	sdelay $0x1  }
0xe4: {  	v3 =	vperm.xlane v3, v2;
	v4 =	vadd.s32 v1, v4;
	_ =	sdelay $0x1  }
0xe5: {  	v3 =	vadd.s32 v1, v3;
	_ =	sdelay $0x2  }
0xe6: {  	[tilespmem:s20], [sflag:$0x1] =	stream.indirect_vreg.gather [hbm4b:s1+s3], $0x80, v4, vm0, $0xb8;
	[tilespmem:$0x10200] =	vst v63  }
0xe7: {  	_ = 	snop  }
0xe8: {  	[tilespmem:s21], [sflag:$0x1] =	stream.indirect_vreg.gather [hbm4b:s1+s3], $0x80, v3, vm0, $0xb8;
	[tilespmem:$0x10200] =	vst v63  }
0xe9: {  	v3 =	vld [tilespmem:$0x130];
	_ =	sdelay $0x4  }
0xea: {  	v51 =	vshll.u32 v3, $0x1  }
0xeb: {  	v3 =	vand.u32 $0x7, v3;
	v4 =	vand.u32 $0xFFFFFFF0, v51  }
0xec: {  	v3 =	vor.u32 v3, v4  }
0xed: {  	v4 =	vperm.xlane v3, v0;
	_ =	sdelay $0x1  }
0xee: {  	v3 =	vperm.xlane v3, v2;
	v4 =	vadd.s32 v1, v4;
	_ =	sdelay $0x1  }
0xef: {  	v3 =	vadd.s32 v1, v3;
	_ =	sdelay $0x2  }
0xf0: {  	[tilespmem:s23], [sflag:$0x1] =	stream.indirect_vreg.gather [hbm4b:s1+s3], $0x80, v4, vm0, $0xb8;
	[tilespmem:$0x10200] =	vst v63  }
0xf1: {  	_ = 	snop  }
0xf2: {  	[tilespmem:s24], [sflag:$0x1] =	stream.indirect_vreg.gather [hbm4b:s1+s3], $0x80, v3, vm0, $0xb8;
	[tilespmem:$0x10200] =	vst v63  }
0xf3: {  	v3 =	vld [tilespmem:$0x140];
	_ =	sdelay $0x4  }
0xf4: {  	v52 =	vshll.u32 v3, $0x1  }
0xf5: {  	v3 =	vand.u32 $0x7, v3;
	v4 =	vand.u32 $0xFFFFFFF0, v52  }
0xf6: {  	v3 =	vor.u32 v3, v4  }
0xf7: {  	v4 =	vperm.xlane v3, v0;
	_ =	sdelay $0x1  }
0xf8: {  	v3 =	vperm.xlane v3, v2;
	v4 =	vadd.s32 v1, v4;
	_ =	sdelay $0x1  }
0xf9: {  	v3 =	vadd.s32 v1, v3;
	_ =	sdelay $0x2  }
0xfa: {  	[tilespmem:s25], [sflag:$0x1] =	stream.indirect_vreg.gather [hbm4b:s1+s3], $0x80, v4, vm0, $0xb8;
	[tilespmem:$0x10200] =	vst v63  }
0xfb: {  	_ = 	snop  }
0xfc: {  	[tilespmem:s26], [sflag:$0x1] =	stream.indirect_vreg.gather [hbm4b:s1+s3], $0x80, v3, vm0, $0xb8;
	[tilespmem:$0x10200] =	vst v63  }
0xfd: {  	v3 =	vld [tilespmem:$0x150];
	_ =	sdelay $0x4  }
0xfe: {  	v53 =	vshll.u32 v3, $0x1  }
0xff: {  	v3 =	vand.u32 $0x7, v3;
	v4 =	vand.u32 $0xFFFFFFF0, v53  }
0x100: {  	v3 =	vor.u32 v3, v4  }
0x101: {  	v4 =	vperm.xlane v3, v0;
	_ =	sdelay $0x1  }
0x102: {  	v3 =	vperm.xlane v3, v2;
	v4 =	vadd.s32 v1, v4;
	_ =	sdelay $0x1  }
0x103: {  	v3 =	vadd.s32 v1, v3;
	_ =	sdelay $0x2  }
0x104: {  	[tilespmem:s28], [sflag:$0x1] =	stream.indirect_vreg.gather [hbm4b:s1+s3], $0x80, v4, vm0, $0xb8;
	[tilespmem:$0x10200] =	vst v63  }
0x105: {  	_ = 	snop  }
0x106: {  	[tilespmem:s29], [sflag:$0x1] =	stream.indirect_vreg.gather [hbm4b:s1+s3], $0x80, v3, vm0, $0xb8;
	[tilespmem:$0x10200] =	vst v63  }
0x107: {  	v3 =	vld [tilespmem:$0x160];
	_ =	sdelay $0x4  }
0x108: {  	v54 =	vshll.u32 v3, $0x1  }
0x109: {  	v3 =	vand.u32 $0x7, v3;
	v4 =	vand.u32 $0xFFFFFFF0, v54  }
0x10a: {  	v3 =	vor.u32 v3, v4  }
0x10b: {  	v4 =	vperm.xlane v3, v0;
	_ =	sdelay $0x1  }
0x10c: {  	v3 =	vperm.xlane v3, v2;
	v4 =	vadd.s32 v1, v4;
	_ =	sdelay $0x1  }
0x10d: {  	v3 =	vadd.s32 v1, v3;
	_ =	sdelay $0x2  }
0x10e: {  	[tilespmem:s30], [sflag:$0x1] =	stream.indirect_vreg.gather [hbm4b:s1+s3], $0x80, v4, vm0, $0xb8;
	[tilespmem:$0x10200] =	vst v63  }
0x10f: {  	_ = 	snop  }
0x110: {  	[tilespmem:s31], [sflag:$0x1] =	stream.indirect_vreg.gather [hbm4b:s1+s3], $0x80, v3, vm0, $0xb8;
	[tilespmem:$0x10200] =	vst v63  }
0x111: {  	v3 =	vld [tilespmem:$0x170];
	_ =	sdelay $0x4  }
0x112: {  	v55 =	vshll.u32 v3, $0x1  }
0x113: {  	v3 =	vand.u32 $0x7, v3;
	v4 =	vand.u32 $0xFFFFFFF0, v55  }
0x114: {  	v3 =	vor.u32 v3, v4  }
0x115: {  	v4 =	vperm.xlane v3, v0;
	_ =	sdelay $0x1  }
0x116: {  	v3 =	vperm.xlane v3, v2;
	v4 =	vadd.s32 v1, v4;
	_ =	sdelay $0x1  }
0x117: {  	v3 =	vadd.s32 v1, v3;
	_ =	sdelay $0x2  }
0x118: {  	[tilespmem:s5], [sflag:$0x1] =	stream.indirect_vreg.gather [hbm4b:s1+s3], $0x80, v4, vm0, $0xb8;
	[tilespmem:$0x10200] =	vst v63  }
0x119: {  	_ = 	snop  }
0x11a: {  	[tilespmem:s2], [sflag:$0x1] =	stream.indirect_vreg.gather [hbm4b:s1+s3], $0x80, v3, vm0, $0xb8;
	[tilespmem:$0x10200] =	vst v63  }
0x11b: {  	_ =	swait.ge [sflag:s15], $0x8000  }
0x11c: {  	[sflag:s15] =	ssyncset.done $0x0  }
0x11d: {  	[sflag:s15] =	ssyncadd.s32 $0xFFFF8000  }
0x11e: {  	v3 =	vld [tilespmem:$0x180];
	_ =	sdelay $0x4  }
0x11f: {  	v56 =	vshll.u32 v3, $0x1  }
0x120: {  	v3 =	vand.u32 $0x7, v3;
	v4 =	vand.u32 $0xFFFFFFF0, v56  }
0x121: {  	v3 =	vor.u32 v3, v4  }
0x122: {  	v4 =	vperm.xlane v3, v0;
	_ =	sdelay $0x1  }
0x123: {  	v3 =	vperm.xlane v3, v2;
	v4 =	vadd.s32 v1, v4;
	_ =	sdelay $0x1  }
0x124: {  	v3 =	vadd.s32 v1, v3;
	_ =	sdelay $0x2  }
0x125: {  	[tilespmem:s0], [sflag:$0x2] =	stream.indirect_vreg.gather [hbm4b:s1+s3], $0x80, v4, vm0, $0xb8;
	[tilespmem:$0x10200] =	vst v63  }
0x126: {  	_ = 	snop  }
0x127: {  	[tilespmem:s7], [sflag:$0x2] =	stream.indirect_vreg.gather [hbm4b:s1+s3], $0x80, v3, vm0, $0xb8;
	[tilespmem:$0x10200] =	vst v63  }
0x128: {  	v3 =	vld [tilespmem:$0x190];
	_ =	sdelay $0x4  }
0x129: {  	v57 =	vshll.u32 v3, $0x1  }
0x12a: {  	v3 =	vand.u32 $0x7, v3;
	v4 =	vand.u32 $0xFFFFFFF0, v57  }
0x12b: {  	v3 =	vor.u32 v3, v4  }
0x12c: {  	v4 =	vperm.xlane v3, v0;
	_ =	sdelay $0x1  }
0x12d: {  	v3 =	vperm.xlane v3, v2;
	v4 =	vadd.s32 v1, v4;
	_ =	sdelay $0x1  }
0x12e: {  	v3 =	vadd.s32 v1, v3;
	_ =	sdelay $0x2  }
0x12f: {  	[tilespmem:s8], [sflag:$0x2] =	stream.indirect_vreg.gather [hbm4b:s1+s3], $0x80, v4, vm0, $0xb8;
	[tilespmem:$0x10200] =	vst v63  }
0x130: {  	_ = 	snop  }
0x131: {  	[tilespmem:s9], [sflag:$0x2] =	stream.indirect_vreg.gather [hbm4b:s1+s3], $0x80, v3, vm0, $0xb8;
	[tilespmem:$0x10200] =	vst v63  }
0x132: {  	v3 =	vld [tilespmem:$0x1A0];
	_ =	sdelay $0x4  }
0x133: {  	v58 =	vshll.u32 v3, $0x1  }
0x134: {  	v3 =	vand.u32 $0x7, v3;
	v4 =	vand.u32 $0xFFFFFFF0, v58  }
0x135: {  	v3 =	vor.u32 v3, v4  }
0x136: {  	v4 =	vperm.xlane v3, v0;
	_ =	sdelay $0x1  }
0x137: {  	v3 =	vperm.xlane v3, v2;
	v4 =	vadd.s32 v1, v4;
	_ =	sdelay $0x1  }
0x138: {  	v3 =	vadd.s32 v1, v3;
	_ =	sdelay $0x2  }
0x139: {  	[tilespmem:s10], [sflag:$0x2] =	stream.indirect_vreg.gather [hbm4b:s1+s3], $0x80, v4, vm0, $0xb8;
	[tilespmem:$0x10200] =	vst v63  }
0x13a: {  	_ = 	snop  }
0x13b: {  	[tilespmem:s11], [sflag:$0x2] =	stream.indirect_vreg.gather [hbm4b:s1+s3], $0x80, v3, vm0, $0xb8;
	[tilespmem:$0x10200] =	vst v63  }
0x13c: {  	v3 =	vld [tilespmem:$0x1B0];
	_ =	sdelay $0x4  }
0x13d: {  	v59 =	vshll.u32 v3, $0x1  }
0x13e: {  	v3 =	vand.u32 $0x7, v3;
	v4 =	vand.u32 $0xFFFFFFF0, v59  }
0x13f: {  	v3 =	vor.u32 v3, v4  }
0x140: {  	v4 =	vperm.xlane v3, v0;
	_ =	sdelay $0x1  }
0x141: {  	v3 =	vperm.xlane v3, v2;
	v4 =	vadd.s32 v1, v4;
	_ =	sdelay $0x1  }
0x142: {  	v3 =	vadd.s32 v1, v3;
	_ =	sdelay $0x2  }
0x143: {  	[tilespmem:s22], [sflag:$0x2] =	stream.indirect_vreg.gather [hbm4b:s1+s3], $0x80, v4, vm0, $0xb8;
	[tilespmem:$0x10200] =	vst v63  }
0x144: {  	s16 =	simm.s32 $0xBA00  }
0x145: {  	[tilespmem:s16], [sflag:$0x2] =	stream.indirect_vreg.gather [hbm4b:s1+s3], $0x80, v3, vm0, $0xb8;
	[tilespmem:$0x10200] =	vst v63  }
0x146: {  	v3 =	vld [tilespmem:$0x1C0];
	_ =	sdelay $0x4  }
0x147: {  	v60 =	vshll.u32 v3, $0x1  }
0x148: {  	v3 =	vand.u32 $0x7, v3;
	v4 =	vand.u32 $0xFFFFFFF0, v60  }
0x149: {  	v3 =	vor.u32 v3, v4  }
0x14a: {  	v4 =	vperm.xlane v3, v0;
	_ =	sdelay $0x1  }
0x14b: {  	v3 =	vperm.xlane v3, v2;
	v4 =	vadd.s32 v1, v4;
	_ =	sdelay $0x1  }
0x14c: {  	v3 =	vadd.s32 v1, v3;
	_ =	sdelay $0x1  }
0x14d: {  	s16 =	simm.s32 $0xC200  }
0x14e: {  	[tilespmem:s16], [sflag:$0x2] =	stream.indirect_vreg.gather [hbm4b:s1+s3], $0x80, v4, vm0, $0xb8;
	[tilespmem:$0x10200] =	vst v63  }
0x14f: {  	s16 =	simm.s32 $0xCA00  }
0x150: {  	[tilespmem:s16], [sflag:$0x2] =	stream.indirect_vreg.gather [hbm4b:s1+s3], $0x80, v3, vm0, $0xb8;
	[tilespmem:$0x10200] =	vst v63  }
0x151: {  	v3 =	vld [tilespmem:$0x1D0];
	_ =	sdelay $0x4  }
0x152: {  	v61 =	vshll.u32 v3, $0x1  }
0x153: {  	v3 =	vand.u32 $0x7, v3;
	v4 =	vand.u32 $0xFFFFFFF0, v61  }
0x154: {  	v3 =	vor.u32 v3, v4  }
0x155: {  	v4 =	vperm.xlane v3, v0;
	_ =	sdelay $0x1  }
0x156: {  	v3 =	vperm.xlane v3, v2;
	v4 =	vadd.s32 v1, v4;
	_ =	sdelay $0x1  }
0x157: {  	v3 =	vadd.s32 v1, v3;
	_ =	sdelay $0x1  }
0x158: {  	s16 =	simm.s32 $0xD200  }
0x159: {  	[tilespmem:s16], [sflag:$0x2] =	stream.indirect_vreg.gather [hbm4b:s1+s3], $0x80, v4, vm0, $0xb8;
	[tilespmem:$0x10200] =	vst v63  }
0x15a: {  	s16 =	simm.s32 $0xDA00  }
0x15b: {  	[tilespmem:s16], [sflag:$0x2] =	stream.indirect_vreg.gather [hbm4b:s1+s3], $0x80, v3, vm0, $0xb8;
	[tilespmem:$0x10200] =	vst v63  }
0x15c: {  	v3 =	vld [tilespmem:$0x1E0];
	_ =	sdelay $0x4  }
0x15d: {  	v62 =	vshll.u32 v3, $0x1  }
0x15e: {  	v3 =	vand.u32 $0x7, v3;
	v4 =	vand.u32 $0xFFFFFFF0, v62  }
0x15f: {  	v3 =	vor.u32 v3, v4  }
0x160: {  	v4 =	vperm.xlane v3, v0;
	_ =	sdelay $0x1  }
0x161: {  	v3 =	vperm.xlane v3, v2;
	v4 =	vadd.s32 v1, v4;
	_ =	sdelay $0x1  }
0x162: {  	v3 =	vadd.s32 v1, v3;
	_ =	sdelay $0x1  }
0x163: {  	s16 =	simm.s32 $0xE200  }
0x164: {  	[tilespmem:s16], [sflag:$0x2] =	stream.indirect_vreg.gather [hbm4b:s1+s3], $0x80, v4, vm0, $0xb8;
	[tilespmem:$0x10200] =	vst v63  }
0x165: {  	s16 =	simm.s32 $0xEA00  }
0x166: {  	[tilespmem:s16], [sflag:$0x2] =	stream.indirect_vreg.gather [hbm4b:s1+s3], $0x80, v3, vm0, $0xb8;
	[tilespmem:$0x10200] =	vst v63  }
0x167: {  	v3 =	vld [tilespmem:$0x1F0];
	_ =	sdelay $0x4  }
0x168: {  	v63 =	vshll.u32 v3, $0x1  }
0x169: {  	v3 =	vand.u32 $0x7, v3;
	v4 =	vand.u32 $0xFFFFFFF0, v63  }
0x16a: {  	v3 =	vor.u32 v3, v4  }
0x16b: {  	v4 =	vperm.xlane v3, v0;
	_ =	sdelay $0x1  }
0x16c: {  	v3 =	vperm.xlane v3, v2;
	v4 =	vadd.s32 v1, v4;
	_ =	sdelay $0x1  }
0x16d: {  	v3 =	vadd.s32 v1, v3;
	_ =	sdelay $0x1  }
0x16e: {  	s16 =	simm.s32 $0xF200  }
0x16f: {  	[tilespmem:s16], [sflag:$0x2] =	stream.indirect_vreg.gather [hbm4b:s1+s3], $0x80, v4, vm0, $0xb8;
	[tilespmem:$0x10200] =	vst v63  }
0x170: {  	s16 =	simm.s32 $0xFA00  }
0x171: {  	[tilespmem:s16], [sflag:$0x2] =	stream.indirect_vreg.gather [hbm4b:s1+s3], $0x80, v3, vm0, $0xb8;
	[tilespmem:$0x10200] =	vst v63  }
0x172: {  	_ =	swait.ge [sflag:s6], $0x8000  }
0x173: {  	[sflag:s6] =	ssyncset.done $0x0  }
0x174: {  	s12 =	simm.s32 $0x200;
	s2 =	rddreg [dreg:$0x7];
	[sflag:s6] =	ssyncadd.s32 $0xFFFF8000  }
0x175: {  	[hbm4b:s2+s3] =	stream.linear.scatter [tilespmem:s12], [sflag:$0x3], $0x8000, $0x38;
	[tilespmem:$0x10200] =	vst v63  }
0x176: {  	_ =	swait.ge [sflag:s13], $0x8000  }
0x177: {  	[sflag:s13] =	ssyncset.done $0x0  }
0x178: {  	s12 =	rddreg [dreg:$0x8];
	[sflag:s13] =	ssyncadd.s32 $0xFFFF8000  }
0x179: {  	[hbm4b:s12+s3] =	stream.linear.scatter [tilespmem:s0], [sflag:$0x4], $0x8000, $0x38;
	[tilespmem:$0x10200] =	vst v63  }
0x17a: {  	p0 =	sne.s32 s4, $0x1;
	_ =	swait.ge [sflag:s14], $0x8000  }
.Ltmp0:
0x17b: {  	[sflag:s14] =	ssyncset.done $0x0;
	(pc) =	sbr.rel @p0 .LBB2_1-.Ltmp0, $4  }
0x17c: {  	[sflag:s14] =	ssyncadd.s32 $0xFFFF8000  }
0x17d: {  	_ =	swait.ge [sflag:s15], $0x8000  }
0x17e: {  	[sflag:s15] =	ssyncset.done $0x0  }
0x17f: {  	s4 =	sadd.s32 $0xFFFFFFFF, s4;
	[sflag:s15] =	ssyncadd.s32 $0xFFFF8000  }
0x180: {  	_ =	sfence.sel $0x180000  }
0x181: {  	[bflag:$0x0] =	sbarrier.arrive $0xFFFF  }
0x182: {  	_ =	strace $0x90000047  }
0x183: {  	s0 =	stileid.u32;
	[bflag:$0x2] =	sbarrier.arrive $0xFFFF  }
0x184: {  	p0 =	sne.s32 s0, $0x0;
	s0 =	rddreg [dreg:$0x3]  }
0x185: {  	s0 =	sadd.s32 @!p0 $0x100000, s0  }
0x186: {  	[sflag:s0] =	ssyncadd.tile.s32 @!p0 $0x1;
	_ =	shalt  }
.Lfunc_end2:
_tile_overlayer_lowered:
.L_overlay_start_2:
0x187: {  	(tag) =	ssettag $0x2  }
0x188: {  	s0 =	rddreg [dreg:$0x0];
	s2 =	stileid.u32  }
0x189: {  	s1 =	rddreg [dreg:$0x1];
	p0 =	sne.s32 s2, $0x0  }
0x18a: {  	s3 =	rddreg [dreg:$0x2];
	[bflag:$0x3] =	sbarrier.arrive $0xFFFF;
	s2 =	simm.s32 @!p0 $0x1C05  }
0x18b: {  	[timem:s3], [sflag:s2] =	dma.local @!p0 [hbm:s0], s1  }
0x18c: {  	s0 =	simm.s32 @!p0 $0x5  }
0x18d: {  	_ =	swait.ge @!p0 [sflag:s0], s1  }
0x18e: {  	s1 =	ssub.s32 @!p0 $0x0, s1;
	[sflag:s0] =	ssyncset.done @!p0 $0x0  }
0x18f: {  	[sflag:s0] =	ssyncadd.s32 @!p0 s1  }
0x190: {  	[bflag:$0x3] =	sbarrier.arrive $0xFFFF  }
0x191: {  	_ =	shalt  }

</sc_bundles>
